<compile_context>
chip_gen: v7x
topology: tpu7x:2x2x1
jax: 0.10.2.dev20260603
libtpu: 0.0.44.dev20260713+nightly
codegen_flags: <defaults>
</compile_context>

<pallas_src>
import functools

import jax
import jax.numpy as jnp
from jax import lax
from jax.experimental import pallas as pl
from jax.experimental.pallas import tpu as pltpu
from jax.experimental.pallas import tpu_sc as plsc

N = 10000
E = 320000
B = 1024
D = 128
DH = 32

NS = 16
NP = 10240
RPT = NP // NS
EPT = E // NS
CH = 128
NCH = 160
EPP = NCH * CH


def _front_body(xs_ref, xo_ref, wo_ref, wi_ref, po_ref, pi_ref):
    wo = wo_ref[...]
    wi = wi_ref[...]
    zpad = jnp.zeros((NP - N, DH), jnp.float32)
    for g, xr in ((0, xs_ref), (1, xo_ref)):
        x = xr[...]
        po_ref[g, :N, :] = jnp.dot(x, wo, preferred_element_type=jnp.float32)
        po_ref[g, N:, :] = zpad
        pi_ref[g, :N, :] = jnp.dot(x, wi, preferred_element_type=jnp.float32)
        pi_ref[g, N:, :] = zpad


def _front(xs, xo, wo, wi):
    return pl.pallas_call(
        _front_body,
        out_shape=[
            jax.ShapeDtypeStruct((2, NP, DH), jnp.float32),
            jax.ShapeDtypeStruct((2, NP, DH), jnp.float32),
        ],
    )(xs, xo, wo, wi)


CR = 160
NCR = RPT // CR
SCH = 512
NSC = NCH * CH // SCH
BLKQ = 8


def _sc_body(po_hbm, pi_hbm, src_hbm, dst_hbm, bo_hbm, bi_hbm,
             a2o_hbm, a2i_hbm, cd_hbm, cs_hbm, h1_hbm,
             acc_o, acc_i, cd_sh, cs_sh,
             sidx, didx, gb_a, gb_b,
             st_a, st_b, st_h,
             cd_l, cs_l, ivd, ivs, ones_v, bo_v, bi_v,
             sem_ga, sem_gb, sem_sa, sem_sb, sem_c):
    c = lax.axis_index("c")
    s = lax.axis_index("s")
    row0 = s * RPT
    rows = pl.ds(row0, RPT)
    f32 = jnp.float32

    def _chunk(k):
        return pl.ds(row0 + k * CR, CR)

    def _zero_rows(r, _):
        st_h[r, pl.ds(0, 16)] = jnp.zeros((16,), f32)
        st_h[r, pl.ds(16, 16)] = jnp.zeros((16,), f32)
        return 0

    lax.fori_loop(0, CR, _zero_rows, 0)

    def _zero_acc(k, _):
        pltpu.sync_copy(st_h, acc_o.at[_chunk(k), :])
        pltpu.sync_copy(st_h, acc_i.at[_chunk(k), :])
        return 0

    lax.fori_loop(0, NCR, _zero_acc, 0)

    def _zero_vec(k, _):
        ivd[pl.ds(k * 16, 16)] = jnp.zeros((16,), f32)
        return 0

    lax.fori_loop(0, RPT // 16, _zero_vec, 0)
    pltpu.sync_copy(ivd, cd_sh.at[rows])
    pltpu.sync_copy(ivd, cs_sh.at[rows])

    def _fill_ones(k, _):
        ones_v[pl.ds(k * 16, 16)] = jnp.zeros((16,), f32) + 1.0
        return 0

    lax.fori_loop(0, SCH // 16, _fill_ones, 0)
    pltpu.sync_copy(bo_hbm, bo_v)
    pltpu.sync_copy(bi_hbm, bi_v)

    plsc.subcore_barrier()

    def _dir(tab, gather_src, acc, with_counts):
        def blk_body(b, _):
            jsl = pl.ds(b * BLKQ * SCH, BLKQ * SCH)
            pltpu.sync_copy(src_hbm.at[c, s, jsl], sidx)
            pltpu.sync_copy(dst_hbm.at[c, s, jsl], didx)
            gref, sref = (sidx, didx) if gather_src else (didx, sidx)

            def _g(q):
                return gref.at[pl.ds(q * SCH, SCH)]

            def _s(q):
                return sref.at[pl.ds(q * SCH, SCH)]

            nsc = BLKQ
            pltpu.async_copy(tab.at[_g(0)], gb_a, sem_ga)

            def pair(jj, _p):
                q0 = 2 * jj
                q1 = q0 + 1
                if with_counts:
                    pltpu.async_copy(
                        ones_v, cd_sh.at[didx.at[pl.ds(q0 * SCH, SCH)]],
                        sem_c, add=True)
                    pltpu.async_copy(
                        ones_v, cs_sh.at[sidx.at[pl.ds(q0 * SCH, SCH)]],
                        sem_c, add=True)
                    pltpu.async_copy(
                        ones_v, cd_sh.at[didx.at[pl.ds(q1 * SCH, SCH)]],
                        sem_c, add=True)
                    pltpu.async_copy(
                        ones_v, cs_sh.at[sidx.at[pl.ds(q1 * SCH, SCH)]],
                        sem_c, add=True)
                pltpu.make_async_copy(tab.at[_g(q0)], gb_a, sem_ga).wait()
                d_gb = pltpu.async_copy(tab.at[_g(q1)], gb_b, sem_gb)
                d_sa = pltpu.async_copy(gb_a, acc.at[_s(q0)], sem_sa,
                                        add=True)
                d_gb.wait()
                d_sa.wait()

                @pl.when(jj < nsc // 2 - 1)
                def _next():
                    pltpu.async_copy(tab.at[_g(q0 + 2)], gb_a, sem_ga)

                d_sb = pltpu.async_copy(gb_b, acc.at[_s(q1)], sem_sb,
                                        add=True)
                d_sb.wait()
                if with_counts:
                    for qx in (q0, q1):
                        pltpu.make_async_copy(
                            ones_v, cd_sh.at[didx.at[pl.ds(qx * SCH, SCH)]],
                            sem_c).wait()
                        pltpu.make_async_copy(
                            ones_v, cs_sh.at[sidx.at[pl.ds(qx * SCH, SCH)]],
                            sem_c).wait()
                return 0

            lax.fori_loop(0, nsc // 2, pair, 0)
            return 0

        lax.fori_loop(0, NSC // BLKQ, blk_body, 0)

    _dir(po_hbm.at[c], True, acc_o, True)
    _dir(pi_hbm.at[c], False, acc_i, False)
    plsc.subcore_barrier()

    pltpu.sync_copy(cd_sh.at[rows], cd_l)
    pltpu.sync_copy(cs_sh.at[rows], cs_l)

    def _inv(k, _):
        sl = pl.ds(k * 16, 16)
        one = jnp.zeros((16,), f32) + 1.0
        ivd[sl] = one / jnp.maximum(cd_l[sl], 1.0)
        ivs[sl] = one / jnp.maximum(cs_l[sl], 1.0)
        return 0

    lax.fori_loop(0, RPT // 16, _inv, 0)

    b1lo = bo_v[pl.ds(0, 16)] + bi_v[pl.ds(0, 16)]
    b1hi = bo_v[pl.ds(16, 16)] + bi_v[pl.ds(16, 16)]

    def _h1_chunk(k, _):
        pltpu.sync_copy(acc_o.at[_chunk(k), :], st_a)
        pltpu.sync_copy(acc_i.at[_chunk(k), :], st_b)

        def _h1_row(r, _r):
            i16 = jnp.zeros((16,), jnp.int32) + (k * CR + r)
            vd = plsc.load_gather(ivd, [i16])
            vs = plsc.load_gather(ivs, [i16])
            lo = st_a[r, pl.ds(0, 16)] * vd + st_b[r, pl.ds(0, 16)] * vs + b1lo
            hi = st_a[r, pl.ds(16, 16)] * vd + st_b[r, pl.ds(16, 16)] * vs + b1hi
            st_h[r, pl.ds(0, 16)] = jnp.maximum(lo, 0.0)
            st_h[r, pl.ds(16, 16)] = jnp.maximum(hi, 0.0)
            return 0

        lax.fori_loop(0, CR, _h1_row, 0)
        pltpu.sync_copy(st_h, h1_hbm.at[c, _chunk(k), :])
        return 0

    lax.fori_loop(0, NCR, _h1_chunk, 0)

    def _zero_rows2(r, _):
        st_a[r, pl.ds(0, 16)] = jnp.zeros((16,), f32)
        st_a[r, pl.ds(16, 16)] = jnp.zeros((16,), f32)
        return 0

    lax.fori_loop(0, CR, _zero_rows2, 0)

    def _zero_acc2(k, _):
        pltpu.sync_copy(st_a, acc_o.at[_chunk(k), :])
        pltpu.sync_copy(st_a, acc_i.at[_chunk(k), :])
        return 0

    lax.fori_loop(0, NCR, _zero_acc2, 0)
    plsc.subcore_barrier()

    _dir(h1_hbm.at[c], True, acc_o, False)
    _dir(h1_hbm.at[c], False, acc_i, False)
    plsc.subcore_barrier()

    def _out(k, _):
        pltpu.sync_copy(acc_o.at[_chunk(k), :], st_a)
        pltpu.sync_copy(st_a, a2o_hbm.at[c, _chunk(k), :])
        pltpu.sync_copy(acc_i.at[_chunk(k), :], st_b)
        pltpu.sync_copy(st_b, a2i_hbm.at[c, _chunk(k), :])
        return 0

    lax.fori_loop(0, NCR, _out, 0)
    pltpu.sync_copy(cd_l, cd_hbm.at[c, rows])
    pltpu.sync_copy(cs_l, cs_hbm.at[c, rows])


def _sc_aggregate(po, pi, src_t, dst_t, b_o1, b_i1):
    f32 = jnp.float32
    kern = pl.kernel(
        _sc_body,
        out_type=[
            jax.ShapeDtypeStruct((2, NP, DH), f32),
            jax.ShapeDtypeStruct((2, NP, DH), f32),
            jax.ShapeDtypeStruct((2, NP), f32),
            jax.ShapeDtypeStruct((2, NP), f32),
            jax.ShapeDtypeStruct((2, NP, DH), f32),
        ],
        mesh=plsc.VectorSubcoreMesh(core_axis_name="c", subcore_axis_name="s"),
        compiler_params=pltpu.CompilerParams(
            needs_layout_passes=False, use_tc_tiling_on_sc=False),
        scratch_types=[
            pltpu.VMEM_SHARED((NP, DH), f32),
            pltpu.VMEM_SHARED((NP, DH), f32),
            pltpu.VMEM_SHARED((NP,), f32),
            pltpu.VMEM_SHARED((NP,), f32),
            pltpu.VMEM((BLKQ * SCH,), jnp.int32),
            pltpu.VMEM((BLKQ * SCH,), jnp.int32),
            pltpu.VMEM((SCH, DH), f32),
            pltpu.VMEM((SCH, DH), f32),
            pltpu.VMEM((CR, DH), f32),
            pltpu.VMEM((CR, DH), f32),
            pltpu.VMEM((CR, DH), f32),
            pltpu.VMEM((RPT,), f32),
            pltpu.VMEM((RPT,), f32),
            pltpu.VMEM((RPT,), f32),
            pltpu.VMEM((RPT,), f32),
            pltpu.VMEM((SCH,), f32),
            pltpu.VMEM((DH,), f32),
            pltpu.VMEM((DH,), f32),
        ] + [pltpu.SemaphoreType.DMA] * 5 + [
        ],
    )
    return kern(po, pi, src_t, dst_t, b_o1, b_i1)


BLKC = 2048
NB = NP // BLKC


def _finish_body(a2o_ref, a2i_ref, cd_ref, cs_ref, n2g_ref,
                 wo2_ref, bo2_ref, wi2_ref, bi2_ref,
                 rel_ref, wr_ref, br_ref, hot_ref, rr_ref,
                 pos_ref, neg_ref, gsum, gcnt, g0s):
    g = pl.program_id(0)
    nb = pl.program_id(1)

    @pl.when(nb == 0)
    def _init():
        gsum[...] = jnp.zeros_like(gsum)
        gcnt[...] = jnp.zeros_like(gcnt)

    cd = cd_ref[0, 0, :]
    cs = cs_ref[0, 0, :]
    mo = a2o_ref[0] * (1.0 / jnp.maximum(cd, 1.0))[:, None]
    mi = a2i_ref[0] * (1.0 / jnp.maximum(cs, 1.0))[:, None]
    h2 = jnp.dot(mo, wo2_ref[...], preferred_element_type=jnp.float32)
    h2 = h2 + jnp.dot(mi, wi2_ref[...], preferred_element_type=jnp.float32)
    h2 = jnp.maximum(h2 + bo2_ref[...] + bi2_ref[...], 0.0)

    n2 = n2g_ref[0, 0, :]
    oh = (n2[:, None] == lax.broadcasted_iota(jnp.int32, (BLKC, B), 1))
    ohb = oh.astype(jnp.bfloat16)
    gsum[...] += lax.dot_general(
        ohb, h2.astype(jnp.bfloat16), (((0,), (0,)), ((), ())),
        preferred_element_type=jnp.float32)
    gcnt[...] += jnp.sum(oh.astype(jnp.float32), axis=0)

    @pl.when((g == 0) & (nb == NB - 1))
    def _stash():
        g0s[...] = gsum[...] * (1.0 / jnp.maximum(gcnt[...], 1.0))[:, None]

    @pl.when((g == 1) & (nb == NB - 1))
    def _score():
        g1 = gsum[...] * (1.0 / jnp.maximum(gcnt[...], 1.0))[:, None]
        g0 = g0s[...]
        r = jnp.dot(rel_ref[...], wr_ref[...],
                    preferred_element_type=jnp.float32)
        r = jnp.maximum(r + br_ref[...], 0.0)
        ar = lax.broadcasted_iota(jnp.int32, (B, 1), 0)[:, 0]
        hot = hot_ref[...]
        rr = rr_ref[...]
        chidx = jnp.where(hot == 1, rr, ar)
        ctidx = jnp.where(hot == 0, rr, ar)
        iota_b = lax.broadcasted_iota(jnp.int32, (B, B), 1)
        hsel = (chidx[:, None] == iota_b).astype(jnp.bfloat16)
        tsel = (ctidx[:, None] == iota_b).astype(jnp.bfloat16)
        gh = jnp.dot(hsel, g0.astype(jnp.bfloat16),
                     preferred_element_type=jnp.float32)
        gt = jnp.dot(tsel, g1.astype(jnp.bfloat16),
                     preferred_element_type=jnp.float32)
        dpos = g0 + r - g1
        dneg = gh + r - gt
        pos_ref[...] = jnp.sqrt(jnp.sum(dpos * dpos, axis=1))
        neg_ref[...] = jnp.sqrt(jnp.sum(dneg * dneg, axis=1))


def _finish(a2o, a2i, cd, cs, n2g, wo2, bo2, wi2, bi2,
            rel, wr, br, hot, rr):
    f32 = jnp.float32
    full = lambda shape: pl.BlockSpec(shape, lambda g, nb: tuple(0 for _ in shape))
    return pl.pallas_call(
        _finish_body,
        grid=(2, NB),
        in_specs=[
            pl.BlockSpec((1, BLKC, DH), lambda g, nb: (g, nb, 0)),
            pl.BlockSpec((1, BLKC, DH), lambda g, nb: (g, nb, 0)),
            pl.BlockSpec((1, 1, BLKC), lambda g, nb: (g * NB + nb, 0, 0)),
            pl.BlockSpec((1, 1, BLKC), lambda g, nb: (g * NB + nb, 0, 0)),
            pl.BlockSpec((1, 1, BLKC), lambda g, nb: (g * NB + nb, 0, 0)),
            full((DH, D)),
            full((D,)),
            full((DH, D)),
            full((D,)),
            full((B, D)),
            full((D, D)),
            full((D,)),
            full((B,)),
            full((B,)),
        ],
        out_specs=[
            pl.BlockSpec((B,), lambda g, nb: (0,)),
            pl.BlockSpec((B,), lambda g, nb: (0,)),
        ],
        out_shape=[
            jax.ShapeDtypeStruct((B,), f32),
            jax.ShapeDtypeStruct((B,), f32),
        ],
        scratch_shapes=[
            pltpu.VMEM((B, D), f32),
            pltpu.VMEM((B,), f32),
            pltpu.VMEM((B, D), f32),
        ],
    )(a2o, a2i, cd, cs, n2g, wo2, bo2, wi2, bi2, rel, wr, br, hot, rr)


def kernel(subj_node_embs, rel_tok_embs, obj_node_embs, subj_edge_index,
           obj_edge_index, subj_node2graph, obj_node2graph, head_or_tail,
           random_rows, W_O1, b_O1, W_I1, b_I1, W_O2, b_O2, W_I2, b_I2,
           W_rel, b_rel):
    po, pi = _front(subj_node_embs, obj_node_embs, W_O1, W_I1)

    pad = N + (jnp.arange(EPP - EPT, dtype=jnp.int32) % (NP - N))
    pad = jnp.broadcast_to(pad, (2, NS, EPP - EPT))

    def _tiles(row):
        r = row.reshape(2, NS, EPT)
        return jnp.concatenate([r, pad], axis=2).reshape(2, NS, NSC * SCH)

    src_t = _tiles(jnp.stack([subj_edge_index[0], obj_edge_index[0]]))
    dst_t = _tiles(jnp.stack([subj_edge_index[1], obj_edge_index[1]]))

    a2o, a2i, cd, cs, _h1 = _sc_aggregate(po, pi, src_t, dst_t, b_O1, b_I1)

    n2g = jnp.stack([subj_node2graph, obj_node2graph])
    n2g = jnp.pad(n2g, ((0, 0), (0, NP - N)), constant_values=B)

    cd = cd.reshape(2 * NB, 1, BLKC)
    cs = cs.reshape(2 * NB, 1, BLKC)
    n2g = n2g.reshape(2 * NB, 1, BLKC)

    pos, neg = _finish(a2o, a2i, cd, cs, n2g, W_O2, b_O2, W_I2, b_I2,
                       rel_tok_embs, W_rel, b_rel, head_or_tail, random_rows)
    return (pos, neg)

# --- scband reference (transcript-rebuilt; emitter-appended) ---
"""Pipeline reference for scband-taxo-rel-olp-48103633715707 (READ-ONLY COPY).

The authoritative reference and input builder live on the scoring server;
editing this copy changes nothing except your own understanding.
"""

import jax, jax.numpy as jnp
import numpy as np

N = 10000
E = 320000
B = 1024
D = 128
DH = 32


def _segment_mean(vals, ids, num):
    s = jax.ops.segment_sum(vals, ids, num_segments=num)
    c = jax.ops.segment_sum(jnp.ones((vals.shape[0], 1), vals.dtype), ids, num_segments=num)
    return jnp.where(c > 0, s / jnp.maximum(c, 1.0), 0.0)


def _compgcn(h, src, dst, n, Wo, bo, Wi, bi):
    # update_all(copy_u, mean) on original graph: aggregate h[src] at dst
    ho = _segment_mean(h[src], dst, n)
    # same on reversed graph: aggregate h[dst] at src
    hi = _segment_mean(h[dst], src, n)
    return (ho @ Wo + bo) + (hi @ Wi + bi)


def _graph_emb(h, edge_index, node2graph, W_O1, b_O1, W_I1, b_I1, W_O2, b_O2, W_I2, b_I2):
    src = edge_index[0]
    dst = edge_index[1]
    h1 = jax.nn.relu(_compgcn(h, src, dst, N, W_O1, b_O1, W_I1, b_I1))
    h2 = jax.nn.relu(_compgcn(h1, src, dst, N, W_O2, b_O2, W_I2, b_I2))
    # readout_nodes(op='mean') over batched graph segments
    return _segment_mean(h2, node2graph, B)


def setup_inputs(seed: int = 0):
    key = jax.random.key(seed)
    ks = [jax.random.fold_in(key, i) for i in range(24)]
    inp = {}
    inp['subj_node_embs'] = jax.random.normal(ks[0], (N, D), dtype=jnp.float32)
    inp['rel_tok_embs'] = jax.random.normal(ks[1], (B, D), dtype=jnp.float32)
    inp['obj_node_embs'] = jax.random.normal(ks[2], (N, D), dtype=jnp.float32)
    inp['subj_edge_index'] = jax.random.randint(ks[3], (2, E), 0, N, dtype=jnp.int32)
    inp['obj_edge_index'] = jax.random.randint(ks[4], (2, E), 0, N, dtype=jnp.int32)
    inp['subj_node2graph'] = jnp.sort(jax.random.randint(ks[5], (N,), 0, B, dtype=jnp.int32))
    inp['obj_node2graph'] = jnp.sort(jax.random.randint(ks[6], (N,), 0, B, dtype=jnp.int32))
    inp['head_or_tail'] = jax.random.randint(ks[7], (B,), 0, 2, dtype=jnp.int32)
    inp['random_rows'] = jax.random.randint(ks[8], (B,), 0, B, dtype=jnp.int32)
    # parameters (nn.Linear weights as [in, out] plus bias)
    inp['W_O1'] = jax.random.normal(ks[9], (D, DH), dtype=jnp.float32) / np.sqrt(D)
    inp['b_O1'] = jax.random.normal(ks[10], (DH,), dtype=jnp.float32) * 0.01
    inp['W_I1'] = jax.random.normal(ks[11], (D, DH), dtype=jnp.float32) / np.sqrt(D)
    inp['b_I1'] = jax.random.normal(ks[12], (DH,), dtype=jnp.float32) * 0.01
    inp['W_O2'] = jax.random.normal(ks[13], (DH, D), dtype=jnp.float32) / np.sqrt(DH)
    inp['b_O2'] = jax.random.normal(ks[14], (D,), dtype=jnp.float32) * 0.01
    inp['W_I2'] = jax.random.normal(ks[15], (DH, D), dtype=jnp.float32) / np.sqrt(DH)
    inp['b_I2'] = jax.random.normal(ks[16], (D,), dtype=jnp.float32) * 0.01
    inp['W_rel'] = jax.random.normal(ks[17], (D, D), dtype=jnp.float32) / np.sqrt(D)
    inp['b_rel'] = jax.random.normal(ks[18], (D,), dtype=jnp.float32) * 0.01
    return inp


def reference(subj_node_embs, rel_tok_embs, obj_node_embs, subj_edge_index, obj_edge_index,
              subj_node2graph, obj_node2graph, head_or_tail, random_rows,
              W_O1, b_O1, W_I1, b_I1, W_O2, b_O2, W_I2, b_I2, W_rel, b_rel):
    h_embs = _graph_emb(subj_node_embs, subj_edge_index, subj_node2graph,
                        W_O1, b_O1, W_I1, b_I1, W_O2, b_O2, W_I2, b_I2)
    t_embs = _graph_emb(obj_node_embs, obj_edge_index, obj_node2graph,
                        W_O1, b_O1, W_I1, b_I1, W_O2, b_O2, W_I2, b_I2)
    r_embs = jax.nn.relu(rel_tok_embs @ W_rel + b_rel)
    ar = jnp.arange(B)
    corrupt_hidx = jnp.where(head_or_tail == 1, random_rows, ar)
    corrupt_tidx = jnp.where(head_or_tail == 0, random_rows, ar)
    pos_scores = jnp.sqrt(jnp.sum((h_embs + r_embs - t_embs) ** 2, axis=1))
    neg_scores = jnp.sqrt(jnp.sum((h_embs[corrupt_hidx] + r_embs - t_embs[corrupt_tidx]) ** 2, axis=1))
    return (pos_scores, neg_scores)

if __name__ == "__main__":
    import jax
    _d = setup_inputs()
    print(jax.jit(kernel)(*tuple(_d.values())))

</pallas_src>

<mosaic_0001>
#map = affine_map<(d0, d1) -> (0, 0, 0)>
#map1 = affine_map<(d0, d1) -> (0)>
#map2 = affine_map<(d0, d1) -> (0, 0)>
module attributes {stable_mosaic.version = 14 : i64} {
  func.func @_sc_body(%arg0: i32, %arg1: i32, %arg2: memref<2x10240x32xf32, #tpu.memory_space<hbm>>, %arg3: memref<2x10240x32xf32, #tpu.memory_space<hbm>>, %arg4: memref<2x16x20480xi32, #tpu.memory_space<hbm>>, %arg5: memref<2x16x20480xi32, #tpu.memory_space<hbm>>, %arg6: memref<32xf32, #tpu.memory_space<hbm>>, %arg7: memref<32xf32, #tpu.memory_space<hbm>>, %arg8: memref<2x10240x32xf32, #tpu.memory_space<hbm>>, %arg9: memref<2x10240x32xf32, #tpu.memory_space<hbm>>, %arg10: memref<2x10240xf32, #tpu.memory_space<hbm>>, %arg11: memref<2x10240xf32, #tpu.memory_space<hbm>>, %arg12: memref<2x10240x32xf32, #tpu.memory_space<hbm>>, %arg13: memref<10240x32xf32, #tpu.memory_space<vmem_shared>>, %arg14: memref<10240x32xf32, #tpu.memory_space<vmem_shared>>, %arg15: memref<10240xf32, #tpu.memory_space<vmem_shared>>, %arg16: memref<10240xf32, #tpu.memory_space<vmem_shared>>, %arg17: memref<4096xi32, #tpu.memory_space<vmem>>, %arg18: memref<4096xi32, #tpu.memory_space<vmem>>, %arg19: memref<512x32xf32, #tpu.memory_space<vmem>>, %arg20: memref<512x32xf32, #tpu.memory_space<vmem>>, %arg21: memref<160x32xf32, #tpu.memory_space<vmem>>, %arg22: memref<160x32xf32, #tpu.memory_space<vmem>>, %arg23: memref<160x32xf32, #tpu.memory_space<vmem>>, %arg24: memref<640xf32, #tpu.memory_space<vmem>>, %arg25: memref<640xf32, #tpu.memory_space<vmem>>, %arg26: memref<640xf32, #tpu.memory_space<vmem>>, %arg27: memref<640xf32, #tpu.memory_space<vmem>>, %arg28: memref<512xf32, #tpu.memory_space<vmem>>, %arg29: memref<32xf32, #tpu.memory_space<vmem>>, %arg30: memref<32xf32, #tpu.memory_space<vmem>>, %arg31: memref<!tpu.dma_semaphore, #tpu.memory_space<semaphore_mem>>, %arg32: memref<!tpu.dma_semaphore, #tpu.memory_space<semaphore_mem>>, %arg33: memref<!tpu.dma_semaphore, #tpu.memory_space<semaphore_mem>>, %arg34: memref<!tpu.dma_semaphore, #tpu.memory_space<semaphore_mem>>, %arg35: memref<!tpu.dma_semaphore, #tpu.memory_space<semaphore_mem>>) attributes {dimension_semantics = [#tpu.dimension_semantics<core_parallel>, #tpu.dimension_semantics<subcore_parallel>], iteration_bounds = array<i64: 2, 16>, scalar_prefetch = 0 : i64, scratch_operands = 23 : i64, tpu.core_type = #tpu.core_type<sc_vector_subcore>, window_params = [{transform_indices = #map}, {transform_indices = #map}, {transform_indices = #map}, {transform_indices = #map}, {transform_indices = #map1}, {transform_indices = #map1}, {transform_indices = #map}, {transform_indices = #map}, {transform_indices = #map2}, {transform_indices = #map2}, {transform_indices = #map}]} {
    %mul3A = arith.constant 640 : i32
    %mul3A_0 = arith.muli %arg1, %mul3A : i32
    %scan3A = arith.constant 0 : i32
    %scan3A_1 = arith.constant 0 : i32
    %scan3A_2 = arith.constant 160 : i32
    %scan3A_3 = arith.addi %scan3A_1, %scan3A_2 : i32
    %scan3A_4 = arith.constant 1 : i32
    %scan3A_5 = scf.for %scan3A_102 = %scan3A_1 to %scan3A_3 step %scan3A_4 iter_args(%scan3A_103 = %scan3A) -> (i32)  : i32 {
      %broadcast_in_dim3A = arith.constant 0.000000e+00 : f32
      %broadcast_in_dim3A_104 = vector.broadcast %broadcast_in_dim3A : f32 to vector<16xf32>
      %swap3A = arith.index_cast %scan3A_102 : i32 to index
      %swap3A_105 = arith.constant 0 : index
      %swap3A_106 = tpu.vector_load %arg23[%swap3A, %swap3A_105] {strides = array<i32>} : memref<160x32xf32, #tpu.memory_space<vmem>>, vector<16xf32>,
      tpu.vector_store %arg23[%swap3A, %swap3A_105], %broadcast_in_dim3A_104 {strides = array<i32>} : memref<160x32xf32, #tpu.memory_space<vmem>>, vector<16xf32>,
      %broadcast_in_dim3A_107 = arith.constant 0.000000e+00 : f32
      %broadcast_in_dim3A_108 = vector.broadcast %broadcast_in_dim3A_107 : f32 to vector<16xf32>
      %swap3A_109 = arith.index_cast %scan3A_102 : i32 to index
      %swap3A_110 = arith.constant 16 : index
      %swap3A_111 = tpu.vector_load %arg23[%swap3A_109, %swap3A_110] {strides = array<i32>} : memref<160x32xf32, #tpu.memory_space<vmem>>, vector<16xf32>,
      tpu.vector_store %arg23[%swap3A_109, %swap3A_110], %broadcast_in_dim3A_108 {strides = array<i32>} : memref<160x32xf32, #tpu.memory_space<vmem>>, vector<16xf32>,
      %scan3A_112 = arith.constant 0 : i32
      scf.yield %scan3A_112 : i32
    }
    %scan3A_6 = arith.constant 160 : i32
    %scan3A_7 = arith.constant 0 : i32
    %scan3A_8 = arith.constant 0 : i32
    %scan3A_9 = arith.constant 4 : i32
    %scan3A_10 = arith.addi %scan3A_8, %scan3A_9 : i32
    %scan3A_11 = arith.constant 1 : i32
    %scan3A_12 = scf.for %scan3A_102 = %scan3A_8 to %scan3A_10 step %scan3A_11 iter_args(%scan3A_103 = %scan3A_7) -> (i32)  : i32 {
      %mul3A_104 = arith.constant 160 : i32
      %mul3A_105 = arith.muli %scan3A_102, %mul3A_104 : i32
      %add3A_106 = arith.addi %mul3A_0, %mul3A_105 : i32
      "tpu.region"() ({
        %run_scoped3A = tpu.sem_alloc : memref<!tpu.dma_semaphore, #tpu.memory_space<semaphore_mem>>
        %dma_start3A = arith.constant 0 : i32
        %dma_start3A_111 = tpu.memref_slice %arg13[%add3A_106, %dma_start3A] : memref<10240x32xf32, #tpu.memory_space<vmem_shared>> -> memref<160x32xf32, #tpu.memory_space<vmem_shared>>
        %dma_start3A_112 = arith.constant 0 : i32
        %dma_start3A_113 = tpu.memref_slice %arg13[%add3A_106, %dma_start3A_112] : memref<10240x32xf32, #tpu.memory_space<vmem_shared>> -> memref<160x32xf32, #tpu.memory_space<vmem_shared>>
        tpu.enqueue_dma source(%arg23 : memref<160x32xf32, #tpu.memory_space<vmem>>) target(%dma_start3A_113 : memref<160x32xf32, #tpu.memory_space<vmem_shared>>) target_semaphore(%run_scoped3A : memref<!tpu.dma_semaphore, #tpu.memory_space<semaphore_mem>>)
        %dma_wait3A = arith.constant 0 : i32
        %dma_wait3A_114 = tpu.memref_slice %arg13[%add3A_106, %dma_wait3A] : memref<10240x32xf32, #tpu.memory_space<vmem_shared>> -> memref<160x32xf32, #tpu.memory_space<vmem_shared>>
        %dma_wait3A_115 = arith.constant 0 : i32
        %dma_wait3A_116 = tpu.memref_slice %arg13[%add3A_106, %dma_wait3A_115] : memref<10240x32xf32, #tpu.memory_space<vmem_shared>> -> memref<160x32xf32, #tpu.memory_space<vmem_shared>>
        tpu.wait_dma2 semaphore(%run_scoped3A : memref<!tpu.dma_semaphore, #tpu.memory_space<semaphore_mem>>) src(%arg23 : memref<160x32xf32, #tpu.memory_space<vmem>>) dst(%dma_wait3A_116 : memref<160x32xf32, #tpu.memory_space<vmem_shared>>)
        tpu.yield
      }) : () -> ()
      %mul3A_107 = arith.constant 160 : i32
      %mul3A_108 = arith.muli %scan3A_102, %mul3A_107 : i32
      %add3A_109 = arith.addi %mul3A_0, %mul3A_108 : i32
      "tpu.region"() ({
        %run_scoped3A = tpu.sem_alloc : memref<!tpu.dma_semaphore, #tpu.memory_space<semaphore_mem>>
        %dma_start3A = arith.constant 0 : i32
        %dma_start3A_111 = tpu.memref_slice %arg14[%add3A_109, %dma_start3A] : memref<10240x32xf32, #tpu.memory_space<vmem_shared>> -> memref<160x32xf32, #tpu.memory_space<vmem_shared>>
        %dma_start3A_112 = arith.constant 0 : i32
        %dma_start3A_113 = tpu.memref_slice %arg14[%add3A_109, %dma_start3A_112] : memref<10240x32xf32, #tpu.memory_space<vmem_shared>> -> memref<160x32xf32, #tpu.memory_space<vmem_shared>>
        tpu.enqueue_dma source(%arg23 : memref<160x32xf32, #tpu.memory_space<vmem>>) target(%dma_start3A_113 : memref<160x32xf32, #tpu.memory_space<vmem_shared>>) target_semaphore(%run_scoped3A : memref<!tpu.dma_semaphore, #tpu.memory_space<semaphore_mem>>)
        %dma_wait3A = arith.constant 0 : i32
        %dma_wait3A_114 = tpu.memref_slice %arg14[%add3A_109, %dma_wait3A] : memref<10240x32xf32, #tpu.memory_space<vmem_shared>> -> memref<160x32xf32, #tpu.memory_space<vmem_shared>>
        %dma_wait3A_115 = arith.constant 0 : i32
        %dma_wait3A_116 = tpu.memref_slice %arg14[%add3A_109, %dma_wait3A_115] : memref<10240x32xf32, #tpu.memory_space<vmem_shared>> -> memref<160x32xf32, #tpu.memory_space<vmem_shared>>
        tpu.wait_dma2 semaphore(%run_scoped3A : memref<!tpu.dma_semaphore, #tpu.memory_space<semaphore_mem>>) src(%arg23 : memref<160x32xf32, #tpu.memory_space<vmem>>) dst(%dma_wait3A_116 : memref<160x32xf32, #tpu.memory_space<vmem_shared>>)
        tpu.yield
      }) : () -> ()
      %scan3A_110 = arith.constant 0 : i32
      scf.yield %scan3A_110 : i32
    }
    %scan3A_13 = arith.constant 4 : i32
    %scan3A_14 = arith.constant 0 : i32
    %scan3A_15 = arith.constant 0 : i32
    %scan3A_16 = arith.constant 40 : i32
    %scan3A_17 = arith.addi %scan3A_15, %scan3A_16 : i32
    %scan3A_18 = arith.constant 1 : i32
    %scan3A_19 = scf.for %scan3A_102 = %scan3A_15 to %scan3A_17 step %scan3A_18 iter_args(%scan3A_103 = %scan3A_14) -> (i32)  : i32 {
      %broadcast_in_dim3A = arith.constant 0.000000e+00 : f32
      %broadcast_in_dim3A_104 = vector.broadcast %broadcast_in_dim3A : f32 to vector<16xf32>
      %mul3A_105 = arith.constant 16 : i32
      %mul3A_106 = arith.muli %scan3A_102, %mul3A_105 : i32
      %swap3A = arith.index_cast %mul3A_106 : i32 to index
      %swap3A_107 = tpu.vector_load %arg26[%swap3A] {strides = array<i32>} : memref<640xf32, #tpu.memory_space<vmem>>, vector<16xf32>,
      tpu.vector_store %arg26[%swap3A], %broadcast_in_dim3A_104 {strides = array<i32>} : memref<640xf32, #tpu.memory_space<vmem>>, vector<16xf32>,
      %scan3A_108 = arith.constant 0 : i32
      scf.yield %scan3A_108 : i32
    }
    %scan3A_20 = arith.constant 40 : i32
    "tpu.region"() ({
      %run_scoped3A = tpu.sem_alloc : memref<!tpu.dma_semaphore, #tpu.memory_space<semaphore_mem>>
      %dma_start3A = tpu.memref_slice %arg15[%mul3A_0] : memref<10240xf32, #tpu.memory_space<vmem_shared>> -> memref<640xf32, #tpu.memory_space<vmem_shared>>
      %dma_start3A_102 = tpu.memref_slice %arg15[%mul3A_0] : memref<10240xf32, #tpu.memory_space<vmem_shared>> -> memref<640xf32, #tpu.memory_space<vmem_shared>>
      tpu.enqueue_dma source(%arg26 : memref<640xf32, #tpu.memory_space<vmem>>) target(%dma_start3A_102 : memref<640xf32, #tpu.memory_space<vmem_shared>>) target_semaphore(%run_scoped3A : memref<!tpu.dma_semaphore, #tpu.memory_space<semaphore_mem>>)
      %dma_wait3A = tpu.memref_slice %arg15[%mul3A_0] : memref<10240xf32, #tpu.memory_space<vmem_shared>> -> memref<640xf32, #tpu.memory_space<vmem_shared>>
      %dma_wait3A_103 = tpu.memref_slice %arg15[%mul3A_0] : memref<10240xf32, #tpu.memory_space<vmem_shared>> -> memref<640xf32, #tpu.memory_space<vmem_shared>>
      tpu.wait_dma2 semaphore(%run_scoped3A : memref<!tpu.dma_semaphore, #tpu.memory_space<semaphore_mem>>) src(%arg26 : memref<640xf32, #tpu.memory_space<vmem>>) dst(%dma_wait3A_103 : memref<640xf32, #tpu.memory_space<vmem_shared>>)
      tpu.yield
    }) : () -> ()
    "tpu.region"() ({
      %run_scoped3A = tpu.sem_alloc : memref<!tpu.dma_semaphore, #tpu.memory_space<semaphore_mem>>
      %dma_start3A = tpu.memref_slice %arg16[%mul3A_0] : memref<10240xf32, #tpu.memory_space<vmem_shared>> -> memref<640xf32, #tpu.memory_space<vmem_shared>>
      %dma_start3A_102 = tpu.memref_slice %arg16[%mul3A_0] : memref<10240xf32, #tpu.memory_space<vmem_shared>> -> memref<640xf32, #tpu.memory_space<vmem_shared>>
      tpu.enqueue_dma source(%arg26 : memref<640xf32, #tpu.memory_space<vmem>>) target(%dma_start3A_102 : memref<640xf32, #tpu.memory_space<vmem_shared>>) target_semaphore(%run_scoped3A : memref<!tpu.dma_semaphore, #tpu.memory_space<semaphore_mem>>)
      %dma_wait3A = tpu.memref_slice %arg16[%mul3A_0] : memref<10240xf32, #tpu.memory_space<vmem_shared>> -> memref<640xf32, #tpu.memory_space<vmem_shared>>
      %dma_wait3A_103 = tpu.memref_slice %arg16[%mul3A_0] : memref<10240xf32, #tpu.memory_space<vmem_shared>> -> memref<640xf32, #tpu.memory_space<vmem_shared>>
      tpu.wait_dma2 semaphore(%run_scoped3A : memref<!tpu.dma_semaphore, #tpu.memory_space<semaphore_mem>>) src(%arg26 : memref<640xf32, #tpu.memory_space<vmem>>) dst(%dma_wait3A_103 : memref<640xf32, #tpu.memory_space<vmem_shared>>)
      tpu.yield
    }) : () -> ()
    %scan3A_21 = arith.constant 0 : i32
    %scan3A_22 = arith.constant 0 : i32
    %scan3A_23 = arith.constant 32 : i32
    %scan3A_24 = arith.addi %scan3A_22, %scan3A_23 : i32
    %scan3A_25 = arith.constant 1 : i32
    %scan3A_26 = scf.for %scan3A_102 = %scan3A_22 to %scan3A_24 step %scan3A_25 iter_args(%scan3A_103 = %scan3A_21) -> (i32)  : i32 {
      %broadcast_in_dim3A = arith.constant 0.000000e+00 : f32
      %broadcast_in_dim3A_104 = vector.broadcast %broadcast_in_dim3A : f32 to vector<16xf32>
      %add3A_105 = arith.constant 1.000000e+00 : f32
      %add3A_106 = vector.broadcast %add3A_105 : f32 to vector<16xf32>
      %add3A_107 = arith.addf %broadcast_in_dim3A_104, %add3A_106 : vector<16xf32>
      %mul3A_108 = arith.constant 16 : i32
      %mul3A_109 = arith.muli %scan3A_102, %mul3A_108 : i32
      %swap3A = arith.index_cast %mul3A_109 : i32 to index
      %swap3A_110 = tpu.vector_load %arg28[%swap3A] {strides = array<i32>} : memref<512xf32, #tpu.memory_space<vmem>>, vector<16xf32>,
      tpu.vector_store %arg28[%swap3A], %add3A_107 {strides = array<i32>} : memref<512xf32, #tpu.memory_space<vmem>>, vector<16xf32>,
      %scan3A_111 = arith.constant 0 : i32
      scf.yield %scan3A_111 : i32
    }
    %scan3A_27 = arith.constant 32 : i32
    "tpu.region"() ({
      %run_scoped3A = tpu.sem_alloc : memref<!tpu.dma_semaphore, #tpu.memory_space<semaphore_mem>>
      tpu.enqueue_dma source(%arg6 : memref<32xf32, #tpu.memory_space<hbm>>) target(%arg29 : memref<32xf32, #tpu.memory_space<vmem>>) target_semaphore(%run_scoped3A : memref<!tpu.dma_semaphore, #tpu.memory_space<semaphore_mem>>)
      tpu.wait_dma2 semaphore(%run_scoped3A : memref<!tpu.dma_semaphore, #tpu.memory_space<semaphore_mem>>) src(%arg6 : memref<32xf32, #tpu.memory_space<hbm>>) dst(%arg29 : memref<32xf32, #tpu.memory_space<vmem>>)
      tpu.yield
    }) : () -> ()
    "tpu.region"() ({
      %run_scoped3A = tpu.sem_alloc : memref<!tpu.dma_semaphore, #tpu.memory_space<semaphore_mem>>
      tpu.enqueue_dma source(%arg7 : memref<32xf32, #tpu.memory_space<hbm>>) target(%arg30 : memref<32xf32, #tpu.memory_space<vmem>>) target_semaphore(%run_scoped3A : memref<!tpu.dma_semaphore, #tpu.memory_space<semaphore_mem>>)
      tpu.wait_dma2 semaphore(%run_scoped3A : memref<!tpu.dma_semaphore, #tpu.memory_space<semaphore_mem>>) src(%arg7 : memref<32xf32, #tpu.memory_space<hbm>>) dst(%arg30 : memref<32xf32, #tpu.memory_space<vmem>>)
      tpu.yield
    }) : () -> ()
    %barrier3A = arith.constant 0 : index
    tpu.barrier barrier_id(%barrier3A)
    %scan3A_28 = arith.constant 0 : i32
    %scan3A_29 = arith.constant 0 : i32
    %scan3A_30 = arith.constant 5 : i32
    %scan3A_31 = arith.addi %scan3A_29, %scan3A_30 : i32
    %scan3A_32 = arith.constant 1 : i32
    %scan3A_33 = scf.for %scan3A_102 = %scan3A_29 to %scan3A_31 step %scan3A_32 iter_args(%scan3A_103 = %scan3A_28) -> (i32)  : i32 {
      %mul3A_104 = arith.constant 8 : i32
      %mul3A_105 = arith.muli %scan3A_102, %mul3A_104 : i32
      %mul3A_106 = arith.constant 512 : i32
      %mul3A_107 = arith.muli %mul3A_105, %mul3A_106 : i32
      "tpu.region"() ({
        %run_scoped3A = tpu.sem_alloc : memref<!tpu.dma_semaphore, #tpu.memory_space<semaphore_mem>>
        %dma_start3A_124 = tpu.memref_slice %arg4[%arg0, %arg1, %mul3A_107] : memref<2x16x20480xi32, #tpu.memory_space<hbm>> -> memref<1x1x4096xi32, #tpu.memory_space<hbm>>
        %dma_start3A_125 = tpu.memref_squeeze %dma_start3A_124 : memref<1x1x4096xi32, #tpu.memory_space<hbm>> -> memref<4096xi32, #tpu.memory_space<hbm>>
        %dma_start3A_126 = tpu.memref_slice %arg4[%arg0, %arg1, %mul3A_107] : memref<2x16x20480xi32, #tpu.memory_space<hbm>> -> memref<1x1x4096xi32, #tpu.memory_space<hbm>>
        %dma_start3A_127 = tpu.memref_squeeze %dma_start3A_126 : memref<1x1x4096xi32, #tpu.memory_space<hbm>> -> memref<4096xi32, #tpu.memory_space<hbm>>
        tpu.enqueue_dma source(%dma_start3A_127 : memref<4096xi32, #tpu.memory_space<hbm>>) target(%arg17 : memref<4096xi32, #tpu.memory_space<vmem>>) target_semaphore(%run_scoped3A : memref<!tpu.dma_semaphore, #tpu.memory_space<semaphore_mem>>)
        %dma_wait3A = tpu.memref_slice %arg4[%arg0, %arg1, %mul3A_107] : memref<2x16x20480xi32, #tpu.memory_space<hbm>> -> memref<1x1x4096xi32, #tpu.memory_space<hbm>>
        %dma_wait3A_128 = tpu.memref_squeeze %dma_wait3A : memref<1x1x4096xi32, #tpu.memory_space<hbm>> -> memref<4096xi32, #tpu.memory_space<hbm>>
        %dma_wait3A_129 = tpu.memref_slice %arg4[%arg0, %arg1, %mul3A_107] : memref<2x16x20480xi32, #tpu.memory_space<hbm>> -> memref<1x1x4096xi32, #tpu.memory_space<hbm>>
        %dma_wait3A_130 = tpu.memref_squeeze %dma_wait3A_129 : memref<1x1x4096xi32, #tpu.memory_space<hbm>> -> memref<4096xi32, #tpu.memory_space<hbm>>
        tpu.wait_dma2 semaphore(%run_scoped3A : memref<!tpu.dma_semaphore, #tpu.memory_space<semaphore_mem>>) src(%dma_wait3A_130 : memref<4096xi32, #tpu.memory_space<hbm>>) dst(%arg17 : memref<4096xi32, #tpu.memory_space<vmem>>)
        tpu.yield
      }) : () -> ()
      "tpu.region"() ({
        %run_scoped3A = tpu.sem_alloc : memref<!tpu.dma_semaphore, #tpu.memory_space<semaphore_mem>>
        %dma_start3A_124 = tpu.memref_slice %arg5[%arg0, %arg1, %mul3A_107] : memref<2x16x20480xi32, #tpu.memory_space<hbm>> -> memref<1x1x4096xi32, #tpu.memory_space<hbm>>
        %dma_start3A_125 = tpu.memref_squeeze %dma_start3A_124 : memref<1x1x4096xi32, #tpu.memory_space<hbm>> -> memref<4096xi32, #tpu.memory_space<hbm>>
        %dma_start3A_126 = tpu.memref_slice %arg5[%arg0, %arg1, %mul3A_107] : memref<2x16x20480xi32, #tpu.memory_space<hbm>> -> memref<1x1x4096xi32, #tpu.memory_space<hbm>>
        %dma_start3A_127 = tpu.memref_squeeze %dma_start3A_126 : memref<1x1x4096xi32, #tpu.memory_space<hbm>> -> memref<4096xi32, #tpu.memory_space<hbm>>
        tpu.enqueue_dma source(%dma_start3A_127 : memref<4096xi32, #tpu.memory_space<hbm>>) target(%arg18 : memref<4096xi32, #tpu.memory_space<vmem>>) target_semaphore(%run_scoped3A : memref<!tpu.dma_semaphore, #tpu.memory_space<semaphore_mem>>)
        %dma_wait3A = tpu.memref_slice %arg5[%arg0, %arg1, %mul3A_107] : memref<2x16x20480xi32, #tpu.memory_space<hbm>> -> memref<1x1x4096xi32, #tpu.memory_space<hbm>>
        %dma_wait3A_128 = tpu.memref_squeeze %dma_wait3A : memref<1x1x4096xi32, #tpu.memory_space<hbm>> -> memref<4096xi32, #tpu.memory_space<hbm>>
        %dma_wait3A_129 = tpu.memref_slice %arg5[%arg0, %arg1, %mul3A_107] : memref<2x16x20480xi32, #tpu.memory_space<hbm>> -> memref<1x1x4096xi32, #tpu.memory_space<hbm>>
        %dma_wait3A_130 = tpu.memref_squeeze %dma_wait3A_129 : memref<1x1x4096xi32, #tpu.memory_space<hbm>> -> memref<4096xi32, #tpu.memory_space<hbm>>
        tpu.wait_dma2 semaphore(%run_scoped3A : memref<!tpu.dma_semaphore, #tpu.memory_space<semaphore_mem>>) src(%dma_wait3A_130 : memref<4096xi32, #tpu.memory_space<hbm>>) dst(%arg18 : memref<4096xi32, #tpu.memory_space<vmem>>)
        tpu.yield
      }) : () -> ()
      %dma_start3A = arith.constant 0 : i32
      %dma_start3A_108 = tpu.memref_slice %arg17[%dma_start3A] : memref<4096xi32, #tpu.memory_space<vmem>> -> memref<512xi32, #tpu.memory_space<vmem>>
      %dma_start3A_109 = arith.constant 0 : i32
      %dma_start3A_110 = arith.constant 0 : i32
      %dma_start3A_111 = tpu.memref_slice %arg2[%arg0, %dma_start3A_109, %dma_start3A_110] : memref<2x10240x32xf32, #tpu.memory_space<hbm>> -> memref<1x10240x32xf32, #tpu.memory_space<hbm>>
      %dma_start3A_112 = tpu.memref_squeeze %dma_start3A_111 : memref<1x10240x32xf32, #tpu.memory_space<hbm>> -> memref<10240x32xf32, #tpu.memory_space<hbm>>
      %dma_start3A_113 = arith.constant 0 : i32
      %dma_start3A_114 = arith.constant 0 : i32
      %dma_start3A_115 = tpu.memref_slice %dma_start3A_112[%dma_start3A_113, %dma_start3A_114] : memref<10240x32xf32, #tpu.memory_space<hbm>> -> memref<10240x32xf32, #tpu.memory_space<hbm>>
      tpu.enqueue_indirect_dma source(%dma_start3A_115 : memref<10240x32xf32, #tpu.memory_space<hbm>>) target(%arg19 : memref<512x32xf32, #tpu.memory_space<vmem>>) offsets(%dma_start3A_108 : memref<512xi32, #tpu.memory_space<vmem>>) semaphore(%arg31 : memref<!tpu.dma_semaphore, #tpu.memory_space<semaphore_mem>>)
      %scan3A_116 = arith.constant 0 : i32
      %scan3A_117 = arith.constant 0 : i32
      %scan3A_118 = arith.constant 4 : i32
      %scan3A_119 = arith.addi %scan3A_117, %scan3A_118 : i32
      %scan3A_120 = arith.constant 1 : i32
      %scan3A_121 = scf.for %scan3A_124 = %scan3A_117 to %scan3A_119 step %scan3A_120 iter_args(%scan3A_125 = %scan3A_116) -> (i32)  : i32 {
        %mul3A_126 = arith.constant 2 : i32
        %mul3A_127 = arith.muli %mul3A_126, %scan3A_124 : i32
        %add3A_128 = arith.constant 1 : i32
        %add3A_129 = arith.addi %mul3A_127, %add3A_128 : i32
        %mul3A_130 = arith.constant 512 : i32
        %mul3A_131 = arith.muli %mul3A_127, %mul3A_130 : i32
        %dma_start3A_132 = tpu.memref_slice %arg18[%mul3A_131] : memref<4096xi32, #tpu.memory_space<vmem>> -> memref<512xi32, #tpu.memory_space<vmem>>
        %dma_start3A_133 = arith.constant 0 : i32
        %dma_start3A_134 = tpu.memref_slice %arg15[%dma_start3A_133] : memref<10240xf32, #tpu.memory_space<vmem_shared>> -> memref<10240xf32, #tpu.memory_space<vmem_shared>>
        tpu.enqueue_indirect_dma source(%arg28 : memref<512xf32, #tpu.memory_space<vmem>>) target(%dma_start3A_134 : memref<10240xf32, #tpu.memory_space<vmem_shared>>) offsets(%dma_start3A_132 : memref<512xi32, #tpu.memory_space<vmem>>) semaphore(%arg35 : memref<!tpu.dma_semaphore, #tpu.memory_space<semaphore_mem>>) {add = true}
        %mul3A_135 = arith.constant 512 : i32
        %mul3A_136 = arith.muli %mul3A_127, %mul3A_135 : i32
        %dma_start3A_137 = tpu.memref_slice %arg17[%mul3A_136] : memref<4096xi32, #tpu.memory_space<vmem>> -> memref<512xi32, #tpu.memory_space<vmem>>
        %dma_start3A_138 = arith.constant 0 : i32
        %dma_start3A_139 = tpu.memref_slice %arg16[%dma_start3A_138] : memref<10240xf32, #tpu.memory_space<vmem_shared>> -> memref<10240xf32, #tpu.memory_space<vmem_shared>>
        tpu.enqueue_indirect_dma source(%arg28 : memref<512xf32, #tpu.memory_space<vmem>>) target(%dma_start3A_139 : memref<10240xf32, #tpu.memory_space<vmem_shared>>) offsets(%dma_start3A_137 : memref<512xi32, #tpu.memory_space<vmem>>) semaphore(%arg35 : memref<!tpu.dma_semaphore, #tpu.memory_space<semaphore_mem>>) {add = true}
        %mul3A_140 = arith.constant 512 : i32
        %mul3A_141 = arith.muli %add3A_129, %mul3A_140 : i32
        %dma_start3A_142 = tpu.memref_slice %arg18[%mul3A_141] : memref<4096xi32, #tpu.memory_space<vmem>> -> memref<512xi32, #tpu.memory_space<vmem>>
        %dma_start3A_143 = arith.constant 0 : i32
        %dma_start3A_144 = tpu.memref_slice %arg15[%dma_start3A_143] : memref<10240xf32, #tpu.memory_space<vmem_shared>> -> memref<10240xf32, #tpu.memory_space<vmem_shared>>
        tpu.enqueue_indirect_dma source(%arg28 : memref<512xf32, #tpu.memory_space<vmem>>) target(%dma_start3A_144 : memref<10240xf32, #tpu.memory_space<vmem_shared>>) offsets(%dma_start3A_142 : memref<512xi32, #tpu.memory_space<vmem>>) semaphore(%arg35 : memref<!tpu.dma_semaphore, #tpu.memory_space<semaphore_mem>>) {add = true}
        %mul3A_145 = arith.constant 512 : i32
        %mul3A_146 = arith.muli %add3A_129, %mul3A_145 : i32
        %dma_start3A_147 = tpu.memref_slice %arg17[%mul3A_146] : memref<4096xi32, #tpu.memory_space<vmem>> -> memref<512xi32, #tpu.memory_space<vmem>>
        %dma_start3A_148 = arith.constant 0 : i32
        %dma_start3A_149 = tpu.memref_slice %arg16[%dma_start3A_148] : memref<10240xf32, #tpu.memory_space<vmem_shared>> -> memref<10240xf32, #tpu.memory_space<vmem_shared>>
        tpu.enqueue_indirect_dma source(%arg28 : memref<512xf32, #tpu.memory_space<vmem>>) target(%dma_start3A_149 : memref<10240xf32, #tpu.memory_space<vmem_shared>>) offsets(%dma_start3A_147 : memref<512xi32, #tpu.memory_space<vmem>>) semaphore(%arg35 : memref<!tpu.dma_semaphore, #tpu.memory_space<semaphore_mem>>) {add = true}
        %mul3A_150 = arith.constant 512 : i32
        %mul3A_151 = arith.muli %mul3A_127, %mul3A_150 : i32
        %dma_wait3A = tpu.memref_slice %arg17[%mul3A_151] : memref<4096xi32, #tpu.memory_space<vmem>> -> memref<512xi32, #tpu.memory_space<vmem>>
        %dma_wait3A_152 = arith.constant 0 : i32
        %dma_wait3A_153 = arith.constant 0 : i32
        %dma_wait3A_154 = tpu.memref_slice %arg2[%arg0, %dma_wait3A_152, %dma_wait3A_153] : memref<2x10240x32xf32, #tpu.memory_space<hbm>> -> memref<1x10240x32xf32, #tpu.memory_space<hbm>>
        %dma_wait3A_155 = tpu.memref_squeeze %dma_wait3A_154 : memref<1x10240x32xf32, #tpu.memory_space<hbm>> -> memref<10240x32xf32, #tpu.memory_space<hbm>>
        %dma_wait3A_156 = arith.constant 0 : i32
        %dma_wait3A_157 = arith.constant 0 : i32
        %dma_wait3A_158 = tpu.memref_slice %dma_wait3A_155[%dma_wait3A_156, %dma_wait3A_157] : memref<10240x32xf32, #tpu.memory_space<hbm>> -> memref<10240x32xf32, #tpu.memory_space<hbm>>
        tpu.wait_indirect_dma semaphore(%arg31 : memref<!tpu.dma_semaphore, #tpu.memory_space<semaphore_mem>>) src(%dma_wait3A_158 : memref<10240x32xf32, #tpu.memory_space<hbm>>) dst(%arg19 : memref<512x32xf32, #tpu.memory_space<vmem>>)
        %mul3A_159 = arith.constant 512 : i32
        %mul3A_160 = arith.muli %add3A_129, %mul3A_159 : i32
        %dma_start3A_161 = tpu.memref_slice %arg17[%mul3A_160] : memref<4096xi32, #tpu.memory_space<vmem>> -> memref<512xi32, #tpu.memory_space<vmem>>
        %dma_start3A_162 = arith.constant 0 : i32
        %dma_start3A_163 = arith.constant 0 : i32
        %dma_start3A_164 = tpu.memref_slice %arg2[%arg0, %dma_start3A_162, %dma_start3A_163] : memref<2x10240x32xf32, #tpu.memory_space<hbm>> -> memref<1x10240x32xf32, #tpu.memory_space<hbm>>
        %dma_start3A_165 = tpu.memref_squeeze %dma_start3A_164 : memref<1x10240x32xf32, #tpu.memory_space<hbm>> -> memref<10240x32xf32, #tpu.memory_space<hbm>>
        %dma_start3A_166 = arith.constant 0 : i32
        %dma_start3A_167 = arith.constant 0 : i32
        %dma_start3A_168 = tpu.memref_slice %dma_start3A_165[%dma_start3A_166, %dma_start3A_167] : memref<10240x32xf32, #tpu.memory_space<hbm>> -> memref<10240x32xf32, #tpu.memory_space<hbm>>
        tpu.enqueue_indirect_dma source(%dma_start3A_168 : memref<10240x32xf32, #tpu.memory_space<hbm>>) target(%arg20 : memref<512x32xf32, #tpu.memory_space<vmem>>) offsets(%dma_start3A_161 : memref<512xi32, #tpu.memory_space<vmem>>) semaphore(%arg32 : memref<!tpu.dma_semaphore, #tpu.memory_space<semaphore_mem>>)
        %mul3A_169 = arith.constant 512 : i32
        %mul3A_170 = arith.muli %mul3A_127, %mul3A_169 : i32
        %dma_start3A_171 = tpu.memref_slice %arg18[%mul3A_170] : memref<4096xi32, #tpu.memory_space<vmem>> -> memref<512xi32, #tpu.memory_space<vmem>>
        %dma_start3A_172 = arith.constant 0 : i32
        %dma_start3A_173 = arith.constant 0 : i32
        %dma_start3A_174 = tpu.memref_slice %arg13[%dma_start3A_172, %dma_start3A_173] : memref<10240x32xf32, #tpu.memory_space<vmem_shared>> -> memref<10240x32xf32, #tpu.memory_space<vmem_shared>>
        tpu.enqueue_indirect_dma source(%arg19 : memref<512x32xf32, #tpu.memory_space<vmem>>) target(%dma_start3A_174 : memref<10240x32xf32, #tpu.memory_space<vmem_shared>>) offsets(%dma_start3A_171 : memref<512xi32, #tpu.memory_space<vmem>>) semaphore(%arg33 : memref<!tpu.dma_semaphore, #tpu.memory_space<semaphore_mem>>) {add = true}
        %dma_wait3A_175 = tpu.memref_slice %arg17[%mul3A_160] : memref<4096xi32, #tpu.memory_space<vmem>> -> memref<512xi32, #tpu.memory_space<vmem>>
        %dma_wait3A_176 = arith.constant 0 : i32
        %dma_wait3A_177 = arith.constant 0 : i32
        %dma_wait3A_178 = tpu.memref_slice %arg2[%arg0, %dma_wait3A_176, %dma_wait3A_177] : memref<2x10240x32xf32, #tpu.memory_space<hbm>> -> memref<1x10240x32xf32, #tpu.memory_space<hbm>>
        %dma_wait3A_179 = tpu.memref_squeeze %dma_wait3A_178 : memref<1x10240x32xf32, #tpu.memory_space<hbm>> -> memref<10240x32xf32, #tpu.memory_space<hbm>>
        %dma_wait3A_180 = arith.constant 0 : i32
        %dma_wait3A_181 = arith.constant 0 : i32
        %dma_wait3A_182 = tpu.memref_slice %dma_wait3A_179[%dma_wait3A_180, %dma_wait3A_181] : memref<10240x32xf32, #tpu.memory_space<hbm>> -> memref<10240x32xf32, #tpu.memory_space<hbm>>
        tpu.wait_indirect_dma semaphore(%arg32 : memref<!tpu.dma_semaphore, #tpu.memory_space<semaphore_mem>>) src(%dma_wait3A_182 : memref<10240x32xf32, #tpu.memory_space<hbm>>) dst(%arg20 : memref<512x32xf32, #tpu.memory_space<vmem>>)
        %dma_wait3A_183 = tpu.memref_slice %arg18[%mul3A_170] : memref<4096xi32, #tpu.memory_space<vmem>> -> memref<512xi32, #tpu.memory_space<vmem>>
        %dma_wait3A_184 = arith.constant 0 : i32
        %dma_wait3A_185 = arith.constant 0 : i32
        %dma_wait3A_186 = tpu.memref_slice %arg13[%dma_wait3A_184, %dma_wait3A_185] : memref<10240x32xf32, #tpu.memory_space<vmem_shared>> -> memref<10240x32xf32, #tpu.memory_space<vmem_shared>>
        tpu.wait_indirect_dma semaphore(%arg33 : memref<!tpu.dma_semaphore, #tpu.memory_space<semaphore_mem>>) src(%arg19 : memref<512x32xf32, #tpu.memory_space<vmem>>) dst(%dma_wait3A_186 : memref<10240x32xf32, #tpu.memory_space<vmem_shared>>)
        %lt3A = arith.constant 3 : i32
        %lt3A_187 = arith.cmpi slt, %scan3A_124, %lt3A : i32
        %convert_element_type3A = arith.extui %lt3A_187 : i1 to i32
        %cond3A = arith.constant 0 : i32
        %cond3A_188 = arith.cmpi ne, %convert_element_type3A, %cond3A : i32
        scf.if %cond3A_188 {
          %add3A_220 = arith.constant 2 : i32
          %add3A_221 = arith.addi %mul3A_127, %add3A_220 : i32
          %mul3A_222 = arith.constant 512 : i32
          %mul3A_223 = arith.muli %add3A_221, %mul3A_222 : i32
          %dma_start3A_224 = tpu.memref_slice %arg17[%mul3A_223] : memref<4096xi32, #tpu.memory_space<vmem>> -> memref<512xi32, #tpu.memory_space<vmem>>
          %dma_start3A_225 = arith.constant 0 : i32
          %dma_start3A_226 = arith.constant 0 : i32
          %dma_start3A_227 = tpu.memref_slice %arg2[%arg0, %dma_start3A_225, %dma_start3A_226] : memref<2x10240x32xf32, #tpu.memory_space<hbm>> -> memref<1x10240x32xf32, #tpu.memory_space<hbm>>
          %dma_start3A_228 = tpu.memref_squeeze %dma_start3A_227 : memref<1x10240x32xf32, #tpu.memory_space<hbm>> -> memref<10240x32xf32, #tpu.memory_space<hbm>>
          %dma_start3A_229 = arith.constant 0 : i32
          %dma_start3A_230 = arith.constant 0 : i32
          %dma_start3A_231 = tpu.memref_slice %dma_start3A_228[%dma_start3A_229, %dma_start3A_230] : memref<10240x32xf32, #tpu.memory_space<hbm>> -> memref<10240x32xf32, #tpu.memory_space<hbm>>
          tpu.enqueue_indirect_dma source(%dma_start3A_231 : memref<10240x32xf32, #tpu.memory_space<hbm>>) target(%arg19 : memref<512x32xf32, #tpu.memory_space<vmem>>) offsets(%dma_start3A_224 : memref<512xi32, #tpu.memory_space<vmem>>) semaphore(%arg31 : memref<!tpu.dma_semaphore, #tpu.memory_space<semaphore_mem>>)
        } else {
        }
        %mul3A_189 = arith.constant 512 : i32
        %mul3A_190 = arith.muli %add3A_129, %mul3A_189 : i32
        %dma_start3A_191 = tpu.memref_slice %arg18[%mul3A_190] : memref<4096xi32, #tpu.memory_space<vmem>> -> memref<512xi32, #tpu.memory_space<vmem>>
        %dma_start3A_192 = arith.constant 0 : i32
        %dma_start3A_193 = arith.constant 0 : i32
        %dma_start3A_194 = tpu.memref_slice %arg13[%dma_start3A_192, %dma_start3A_193] : memref<10240x32xf32, #tpu.memory_space<vmem_shared>> -> memref<10240x32xf32, #tpu.memory_space<vmem_shared>>
        tpu.enqueue_indirect_dma source(%arg20 : memref<512x32xf32, #tpu.memory_space<vmem>>) target(%dma_start3A_194 : memref<10240x32xf32, #tpu.memory_space<vmem_shared>>) offsets(%dma_start3A_191 : memref<512xi32, #tpu.memory_space<vmem>>) semaphore(%arg34 : memref<!tpu.dma_semaphore, #tpu.memory_space<semaphore_mem>>) {add = true}
        %dma_wait3A_195 = tpu.memref_slice %arg18[%mul3A_190] : memref<4096xi32, #tpu.memory_space<vmem>> -> memref<512xi32, #tpu.memory_space<vmem>>
        %dma_wait3A_196 = arith.constant 0 : i32
        %dma_wait3A_197 = arith.constant 0 : i32
        %dma_wait3A_198 = tpu.memref_slice %arg13[%dma_wait3A_196, %dma_wait3A_197] : memref<10240x32xf32, #tpu.memory_space<vmem_shared>> -> memref<10240x32xf32, #tpu.memory_space<vmem_shared>>
        tpu.wait_indirect_dma semaphore(%arg34 : memref<!tpu.dma_semaphore, #tpu.memory_space<semaphore_mem>>) src(%arg20 : memref<512x32xf32, #tpu.memory_space<vmem>>) dst(%dma_wait3A_198 : memref<10240x32xf32, #tpu.memory_space<vmem_shared>>)
        %mul3A_199 = arith.constant 512 : i32
        %mul3A_200 = arith.muli %mul3A_127, %mul3A_199 : i32
        %dma_wait3A_201 = tpu.memref_slice %arg18[%mul3A_200] : memref<4096xi32, #tpu.memory_space<vmem>> -> memref<512xi32, #tpu.memory_space<vmem>>
        %dma_wait3A_202 = arith.constant 0 : i32
        %dma_wait3A_203 = tpu.memref_slice %arg15[%dma_wait3A_202] : memref<10240xf32, #tpu.memory_space<vmem_shared>> -> memref<10240xf32, #tpu.memory_space<vmem_shared>>
        tpu.wait_indirect_dma semaphore(%arg35 : memref<!tpu.dma_semaphore, #tpu.memory_space<semaphore_mem>>) src(%arg28 : memref<512xf32, #tpu.memory_space<vmem>>) dst(%dma_wait3A_203 : memref<10240xf32, #tpu.memory_space<vmem_shared>>)
        %mul3A_204 = arith.constant 512 : i32
        %mul3A_205 = arith.muli %mul3A_127, %mul3A_204 : i32
        %dma_wait3A_206 = tpu.memref_slice %arg17[%mul3A_205] : memref<4096xi32, #tpu.memory_space<vmem>> -> memref<512xi32, #tpu.memory_space<vmem>>
        %dma_wait3A_207 = arith.constant 0 : i32
        %dma_wait3A_208 = tpu.memref_slice %arg16[%dma_wait3A_207] : memref<10240xf32, #tpu.memory_space<vmem_shared>> -> memref<10240xf32, #tpu.memory_space<vmem_shared>>
        tpu.wait_indirect_dma semaphore(%arg35 : memref<!tpu.dma_semaphore, #tpu.memory_space<semaphore_mem>>) src(%arg28 : memref<512xf32, #tpu.memory_space<vmem>>) dst(%dma_wait3A_208 : memref<10240xf32, #tpu.memory_space<vmem_shared>>)
        %mul3A_209 = arith.constant 512 : i32
        %mul3A_210 = arith.muli %add3A_129, %mul3A_209 : i32
        %dma_wait3A_211 = tpu.memref_slice %arg18[%mul3A_210] : memref<4096xi32, #tpu.memory_space<vmem>> -> memref<512xi32, #tpu.memory_space<vmem>>
        %dma_wait3A_212 = arith.constant 0 : i32
        %dma_wait3A_213 = tpu.memref_slice %arg15[%dma_wait3A_212] : memref<10240xf32, #tpu.memory_space<vmem_shared>> -> memref<10240xf32, #tpu.memory_space<vmem_shared>>
        tpu.wait_indirect_dma semaphore(%arg35 : memref<!tpu.dma_semaphore, #tpu.memory_space<semaphore_mem>>) src(%arg28 : memref<512xf32, #tpu.memory_space<vmem>>) dst(%dma_wait3A_213 : memref<10240xf32, #tpu.memory_space<vmem_shared>>)
        %mul3A_214 = arith.constant 512 : i32
        %mul3A_215 = arith.muli %add3A_129, %mul3A_214 : i32
        %dma_wait3A_216 = tpu.memref_slice %arg17[%mul3A_215] : memref<4096xi32, #tpu.memory_space<vmem>> -> memref<512xi32, #tpu.memory_space<vmem>>
        %dma_wait3A_217 = arith.constant 0 : i32
        %dma_wait3A_218 = tpu.memref_slice %arg16[%dma_wait3A_217] : memref<10240xf32, #tpu.memory_space<vmem_shared>> -> memref<10240xf32, #tpu.memory_space<vmem_shared>>
        tpu.wait_indirect_dma semaphore(%arg35 : memref<!tpu.dma_semaphore, #tpu.memory_space<semaphore_mem>>) src(%arg28 : memref<512xf32, #tpu.memory_space<vmem>>) dst(%dma_wait3A_218 : memref<10240xf32, #tpu.memory_space<vmem_shared>>)
        %scan3A_219 = arith.constant 0 : i32
        scf.yield %scan3A_219 : i32
      }
      %scan3A_122 = arith.constant 4 : i32
      %scan3A_123 = arith.constant 0 : i32
      scf.yield %scan3A_123 : i32
    }
    %scan3A_34 = arith.constant 5 : i32
    %scan3A_35 = arith.constant 0 : i32
    %scan3A_36 = arith.constant 0 : i32
    %scan3A_37 = arith.constant 5 : i32
    %scan3A_38 = arith.addi %scan3A_36, %scan3A_37 : i32
    %scan3A_39 = arith.constant 1 : i32
    %scan3A_40 = scf.for %scan3A_102 = %scan3A_36 to %scan3A_38 step %scan3A_39 iter_args(%scan3A_103 = %scan3A_35) -> (i32)  : i32 {
      %mul3A_104 = arith.constant 8 : i32
      %mul3A_105 = arith.muli %scan3A_102, %mul3A_104 : i32
      %mul3A_106 = arith.constant 512 : i32
      %mul3A_107 = arith.muli %mul3A_105, %mul3A_106 : i32
      "tpu.region"() ({
        %run_scoped3A = tpu.sem_alloc : memref<!tpu.dma_semaphore, #tpu.memory_space<semaphore_mem>>
        %dma_start3A_124 = tpu.memref_slice %arg4[%arg0, %arg1, %mul3A_107] : memref<2x16x20480xi32, #tpu.memory_space<hbm>> -> memref<1x1x4096xi32, #tpu.memory_space<hbm>>
        %dma_start3A_125 = tpu.memref_squeeze %dma_start3A_124 : memref<1x1x4096xi32, #tpu.memory_space<hbm>> -> memref<4096xi32, #tpu.memory_space<hbm>>
        %dma_start3A_126 = tpu.memref_slice %arg4[%arg0, %arg1, %mul3A_107] : memref<2x16x20480xi32, #tpu.memory_space<hbm>> -> memref<1x1x4096xi32, #tpu.memory_space<hbm>>
        %dma_start3A_127 = tpu.memref_squeeze %dma_start3A_126 : memref<1x1x4096xi32, #tpu.memory_space<hbm>> -> memref<4096xi32, #tpu.memory_space<hbm>>
        tpu.enqueue_dma source(%dma_start3A_127 : memref<4096xi32, #tpu.memory_space<hbm>>) target(%arg17 : memref<4096xi32, #tpu.memory_space<vmem>>) target_semaphore(%run_scoped3A : memref<!tpu.dma_semaphore, #tpu.memory_space<semaphore_mem>>)
        %dma_wait3A = tpu.memref_slice %arg4[%arg0, %arg1, %mul3A_107] : memref<2x16x20480xi32, #tpu.memory_space<hbm>> -> memref<1x1x4096xi32, #tpu.memory_space<hbm>>
        %dma_wait3A_128 = tpu.memref_squeeze %dma_wait3A : memref<1x1x4096xi32, #tpu.memory_space<hbm>> -> memref<4096xi32, #tpu.memory_space<hbm>>
        %dma_wait3A_129 = tpu.memref_slice %arg4[%arg0, %arg1, %mul3A_107] : memref<2x16x20480xi32, #tpu.memory_space<hbm>> -> memref<1x1x4096xi32, #tpu.memory_space<hbm>>
        %dma_wait3A_130 = tpu.memref_squeeze %dma_wait3A_129 : memref<1x1x4096xi32, #tpu.memory_space<hbm>> -> memref<4096xi32, #tpu.memory_space<hbm>>
        tpu.wait_dma2 semaphore(%run_scoped3A : memref<!tpu.dma_semaphore, #tpu.memory_space<semaphore_mem>>) src(%dma_wait3A_130 : memref<4096xi32, #tpu.memory_space<hbm>>) dst(%arg17 : memref<4096xi32, #tpu.memory_space<vmem>>)
        tpu.yield
      }) : () -> ()
      "tpu.region"() ({
        %run_scoped3A = tpu.sem_alloc : memref<!tpu.dma_semaphore, #tpu.memory_space<semaphore_mem>>
        %dma_start3A_124 = tpu.memref_slice %arg5[%arg0, %arg1, %mul3A_107] : memref<2x16x20480xi32, #tpu.memory_space<hbm>> -> memref<1x1x4096xi32, #tpu.memory_space<hbm>>
        %dma_start3A_125 = tpu.memref_squeeze %dma_start3A_124 : memref<1x1x4096xi32, #tpu.memory_space<hbm>> -> memref<4096xi32, #tpu.memory_space<hbm>>
        %dma_start3A_126 = tpu.memref_slice %arg5[%arg0, %arg1, %mul3A_107] : memref<2x16x20480xi32, #tpu.memory_space<hbm>> -> memref<1x1x4096xi32, #tpu.memory_space<hbm>>
        %dma_start3A_127 = tpu.memref_squeeze %dma_start3A_126 : memref<1x1x4096xi32, #tpu.memory_space<hbm>> -> memref<4096xi32, #tpu.memory_space<hbm>>
        tpu.enqueue_dma source(%dma_start3A_127 : memref<4096xi32, #tpu.memory_space<hbm>>) target(%arg18 : memref<4096xi32, #tpu.memory_space<vmem>>) target_semaphore(%run_scoped3A : memref<!tpu.dma_semaphore, #tpu.memory_space<semaphore_mem>>)
        %dma_wait3A = tpu.memref_slice %arg5[%arg0, %arg1, %mul3A_107] : memref<2x16x20480xi32, #tpu.memory_space<hbm>> -> memref<1x1x4096xi32, #tpu.memory_space<hbm>>
        %dma_wait3A_128 = tpu.memref_squeeze %dma_wait3A : memref<1x1x4096xi32, #tpu.memory_space<hbm>> -> memref<4096xi32, #tpu.memory_space<hbm>>
        %dma_wait3A_129 = tpu.memref_slice %arg5[%arg0, %arg1, %mul3A_107] : memref<2x16x20480xi32, #tpu.memory_space<hbm>> -> memref<1x1x4096xi32, #tpu.memory_space<hbm>>
        %dma_wait3A_130 = tpu.memref_squeeze %dma_wait3A_129 : memref<1x1x4096xi32, #tpu.memory_space<hbm>> -> memref<4096xi32, #tpu.memory_space<hbm>>
        tpu.wait_dma2 semaphore(%run_scoped3A : memref<!tpu.dma_semaphore, #tpu.memory_space<semaphore_mem>>) src(%dma_wait3A_130 : memref<4096xi32, #tpu.memory_space<hbm>>) dst(%arg18 : memref<4096xi32, #tpu.memory_space<vmem>>)
        tpu.yield
      }) : () -> ()
      %dma_start3A = arith.constant 0 : i32
      %dma_start3A_108 = tpu.memref_slice %arg18[%dma_start3A] : memref<4096xi32, #tpu.memory_space<vmem>> -> memref<512xi32, #tpu.memory_space<vmem>>
      %dma_start3A_109 = arith.constant 0 : i32
      %dma_start3A_110 = arith.constant 0 : i32
      %dma_start3A_111 = tpu.memref_slice %arg3[%arg0, %dma_start3A_109, %dma_start3A_110] : memref<2x10240x32xf32, #tpu.memory_space<hbm>> -> memref<1x10240x32xf32, #tpu.memory_space<hbm>>
      %dma_start3A_112 = tpu.memref_squeeze %dma_start3A_111 : memref<1x10240x32xf32, #tpu.memory_space<hbm>> -> memref<10240x32xf32, #tpu.memory_space<hbm>>
      %dma_start3A_113 = arith.constant 0 : i32
      %dma_start3A_114 = arith.constant 0 : i32
      %dma_start3A_115 = tpu.memref_slice %dma_start3A_112[%dma_start3A_113, %dma_start3A_114] : memref<10240x32xf32, #tpu.memory_space<hbm>> -> memref<10240x32xf32, #tpu.memory_space<hbm>>
      tpu.enqueue_indirect_dma source(%dma_start3A_115 : memref<10240x32xf32, #tpu.memory_space<hbm>>) target(%arg19 : memref<512x32xf32, #tpu.memory_space<vmem>>) offsets(%dma_start3A_108 : memref<512xi32, #tpu.memory_space<vmem>>) semaphore(%arg31 : memref<!tpu.dma_semaphore, #tpu.memory_space<semaphore_mem>>)
      %scan3A_116 = arith.constant 0 : i32
      %scan3A_117 = arith.constant 0 : i32
      %scan3A_118 = arith.constant 4 : i32
      %scan3A_119 = arith.addi %scan3A_117, %scan3A_118 : i32
      %scan3A_120 = arith.constant 1 : i32
      %scan3A_121 = scf.for %scan3A_124 = %scan3A_117 to %scan3A_119 step %scan3A_120 iter_args(%scan3A_125 = %scan3A_116) -> (i32)  : i32 {
        %mul3A_126 = arith.constant 2 : i32
        %mul3A_127 = arith.muli %mul3A_126, %scan3A_124 : i32
        %add3A_128 = arith.constant 1 : i32
        %add3A_129 = arith.addi %mul3A_127, %add3A_128 : i32
        %mul3A_130 = arith.constant 512 : i32
        %mul3A_131 = arith.muli %mul3A_127, %mul3A_130 : i32
        %dma_wait3A = tpu.memref_slice %arg18[%mul3A_131] : memref<4096xi32, #tpu.memory_space<vmem>> -> memref<512xi32, #tpu.memory_space<vmem>>
        %dma_wait3A_132 = arith.constant 0 : i32
        %dma_wait3A_133 = arith.constant 0 : i32
        %dma_wait3A_134 = tpu.memref_slice %arg3[%arg0, %dma_wait3A_132, %dma_wait3A_133] : memref<2x10240x32xf32, #tpu.memory_space<hbm>> -> memref<1x10240x32xf32, #tpu.memory_space<hbm>>
        %dma_wait3A_135 = tpu.memref_squeeze %dma_wait3A_134 : memref<1x10240x32xf32, #tpu.memory_space<hbm>> -> memref<10240x32xf32, #tpu.memory_space<hbm>>
        %dma_wait3A_136 = arith.constant 0 : i32
        %dma_wait3A_137 = arith.constant 0 : i32
        %dma_wait3A_138 = tpu.memref_slice %dma_wait3A_135[%dma_wait3A_136, %dma_wait3A_137] : memref<10240x32xf32, #tpu.memory_space<hbm>> -> memref<10240x32xf32, #tpu.memory_space<hbm>>
        tpu.wait_indirect_dma semaphore(%arg31 : memref<!tpu.dma_semaphore, #tpu.memory_space<semaphore_mem>>) src(%dma_wait3A_138 : memref<10240x32xf32, #tpu.memory_space<hbm>>) dst(%arg19 : memref<512x32xf32, #tpu.memory_space<vmem>>)
        %mul3A_139 = arith.constant 512 : i32
        %mul3A_140 = arith.muli %add3A_129, %mul3A_139 : i32
        %dma_start3A_141 = tpu.memref_slice %arg18[%mul3A_140] : memref<4096xi32, #tpu.memory_space<vmem>> -> memref<512xi32, #tpu.memory_space<vmem>>
        %dma_start3A_142 = arith.constant 0 : i32
        %dma_start3A_143 = arith.constant 0 : i32
        %dma_start3A_144 = tpu.memref_slice %arg3[%arg0, %dma_start3A_142, %dma_start3A_143] : memref<2x10240x32xf32, #tpu.memory_space<hbm>> -> memref<1x10240x32xf32, #tpu.memory_space<hbm>>
        %dma_start3A_145 = tpu.memref_squeeze %dma_start3A_144 : memref<1x10240x32xf32, #tpu.memory_space<hbm>> -> memref<10240x32xf32, #tpu.memory_space<hbm>>
        %dma_start3A_146 = arith.constant 0 : i32
        %dma_start3A_147 = arith.constant 0 : i32
        %dma_start3A_148 = tpu.memref_slice %dma_start3A_145[%dma_start3A_146, %dma_start3A_147] : memref<10240x32xf32, #tpu.memory_space<hbm>> -> memref<10240x32xf32, #tpu.memory_space<hbm>>
        tpu.enqueue_indirect_dma source(%dma_start3A_148 : memref<10240x32xf32, #tpu.memory_space<hbm>>) target(%arg20 : memref<512x32xf32, #tpu.memory_space<vmem>>) offsets(%dma_start3A_141 : memref<512xi32, #tpu.memory_space<vmem>>) semaphore(%arg32 : memref<!tpu.dma_semaphore, #tpu.memory_space<semaphore_mem>>)
        %mul3A_149 = arith.constant 512 : i32
        %mul3A_150 = arith.muli %mul3A_127, %mul3A_149 : i32
        %dma_start3A_151 = tpu.memref_slice %arg17[%mul3A_150] : memref<4096xi32, #tpu.memory_space<vmem>> -> memref<512xi32, #tpu.memory_space<vmem>>
        %dma_start3A_152 = arith.constant 0 : i32
        %dma_start3A_153 = arith.constant 0 : i32
        %dma_start3A_154 = tpu.memref_slice %arg14[%dma_start3A_152, %dma_start3A_153] : memref<10240x32xf32, #tpu.memory_space<vmem_shared>> -> memref<10240x32xf32, #tpu.memory_space<vmem_shared>>
        tpu.enqueue_indirect_dma source(%arg19 : memref<512x32xf32, #tpu.memory_space<vmem>>) target(%dma_start3A_154 : memref<10240x32xf32, #tpu.memory_space<vmem_shared>>) offsets(%dma_start3A_151 : memref<512xi32, #tpu.memory_space<vmem>>) semaphore(%arg33 : memref<!tpu.dma_semaphore, #tpu.memory_space<semaphore_mem>>) {add = true}
        %dma_wait3A_155 = tpu.memref_slice %arg18[%mul3A_140] : memref<4096xi32, #tpu.memory_space<vmem>> -> memref<512xi32, #tpu.memory_space<vmem>>
        %dma_wait3A_156 = arith.constant 0 : i32
        %dma_wait3A_157 = arith.constant 0 : i32
        %dma_wait3A_158 = tpu.memref_slice %arg3[%arg0, %dma_wait3A_156, %dma_wait3A_157] : memref<2x10240x32xf32, #tpu.memory_space<hbm>> -> memref<1x10240x32xf32, #tpu.memory_space<hbm>>
        %dma_wait3A_159 = tpu.memref_squeeze %dma_wait3A_158 : memref<1x10240x32xf32, #tpu.memory_space<hbm>> -> memref<10240x32xf32, #tpu.memory_space<hbm>>
        %dma_wait3A_160 = arith.constant 0 : i32
        %dma_wait3A_161 = arith.constant 0 : i32
        %dma_wait3A_162 = tpu.memref_slice %dma_wait3A_159[%dma_wait3A_160, %dma_wait3A_161] : memref<10240x32xf32, #tpu.memory_space<hbm>> -> memref<10240x32xf32, #tpu.memory_space<hbm>>
        tpu.wait_indirect_dma semaphore(%arg32 : memref<!tpu.dma_semaphore, #tpu.memory_space<semaphore_mem>>) src(%dma_wait3A_162 : memref<10240x32xf32, #tpu.memory_space<hbm>>) dst(%arg20 : memref<512x32xf32, #tpu.memory_space<vmem>>)
        %dma_wait3A_163 = tpu.memref_slice %arg17[%mul3A_150] : memref<4096xi32, #tpu.memory_space<vmem>> -> memref<512xi32, #tpu.memory_space<vmem>>
        %dma_wait3A_164 = arith.constant 0 : i32
        %dma_wait3A_165 = arith.constant 0 : i32
        %dma_wait3A_166 = tpu.memref_slice %arg14[%dma_wait3A_164, %dma_wait3A_165] : memref<10240x32xf32, #tpu.memory_space<vmem_shared>> -> memref<10240x32xf32, #tpu.memory_space<vmem_shared>>
        tpu.wait_indirect_dma semaphore(%arg33 : memref<!tpu.dma_semaphore, #tpu.memory_space<semaphore_mem>>) src(%arg19 : memref<512x32xf32, #tpu.memory_space<vmem>>) dst(%dma_wait3A_166 : memref<10240x32xf32, #tpu.memory_space<vmem_shared>>)
        %lt3A = arith.constant 3 : i32
        %lt3A_167 = arith.cmpi slt, %scan3A_124, %lt3A : i32
        %convert_element_type3A = arith.extui %lt3A_167 : i1 to i32
        %cond3A = arith.constant 0 : i32
        %cond3A_168 = arith.cmpi ne, %convert_element_type3A, %cond3A : i32
        scf.if %cond3A_168 {
          %add3A_180 = arith.constant 2 : i32
          %add3A_181 = arith.addi %mul3A_127, %add3A_180 : i32
          %mul3A_182 = arith.constant 512 : i32
          %mul3A_183 = arith.muli %add3A_181, %mul3A_182 : i32
          %dma_start3A_184 = tpu.memref_slice %arg18[%mul3A_183] : memref<4096xi32, #tpu.memory_space<vmem>> -> memref<512xi32, #tpu.memory_space<vmem>>
          %dma_start3A_185 = arith.constant 0 : i32
          %dma_start3A_186 = arith.constant 0 : i32
          %dma_start3A_187 = tpu.memref_slice %arg3[%arg0, %dma_start3A_185, %dma_start3A_186] : memref<2x10240x32xf32, #tpu.memory_space<hbm>> -> memref<1x10240x32xf32, #tpu.memory_space<hbm>>
          %dma_start3A_188 = tpu.memref_squeeze %dma_start3A_187 : memref<1x10240x32xf32, #tpu.memory_space<hbm>> -> memref<10240x32xf32, #tpu.memory_space<hbm>>
          %dma_start3A_189 = arith.constant 0 : i32
          %dma_start3A_190 = arith.constant 0 : i32
          %dma_start3A_191 = tpu.memref_slice %dma_start3A_188[%dma_start3A_189, %dma_start3A_190] : memref<10240x32xf32, #tpu.memory_space<hbm>> -> memref<10240x32xf32, #tpu.memory_space<hbm>>
          tpu.enqueue_indirect_dma source(%dma_start3A_191 : memref<10240x32xf32, #tpu.memory_space<hbm>>) target(%arg19 : memref<512x32xf32, #tpu.memory_space<vmem>>) offsets(%dma_start3A_184 : memref<512xi32, #tpu.memory_space<vmem>>) semaphore(%arg31 : memref<!tpu.dma_semaphore, #tpu.memory_space<semaphore_mem>>)
        } else {
        }
        %mul3A_169 = arith.constant 512 : i32
        %mul3A_170 = arith.muli %add3A_129, %mul3A_169 : i32
        %dma_start3A_171 = tpu.memref_slice %arg17[%mul3A_170] : memref<4096xi32, #tpu.memory_space<vmem>> -> memref<512xi32, #tpu.memory_space<vmem>>
        %dma_start3A_172 = arith.constant 0 : i32
        %dma_start3A_173 = arith.constant 0 : i32
        %dma_start3A_174 = tpu.memref_slice %arg14[%dma_start3A_172, %dma_start3A_173] : memref<10240x32xf32, #tpu.memory_space<vmem_shared>> -> memref<10240x32xf32, #tpu.memory_space<vmem_shared>>
        tpu.enqueue_indirect_dma source(%arg20 : memref<512x32xf32, #tpu.memory_space<vmem>>) target(%dma_start3A_174 : memref<10240x32xf32, #tpu.memory_space<vmem_shared>>) offsets(%dma_start3A_171 : memref<512xi32, #tpu.memory_space<vmem>>) semaphore(%arg34 : memref<!tpu.dma_semaphore, #tpu.memory_space<semaphore_mem>>) {add = true}
        %dma_wait3A_175 = tpu.memref_slice %arg17[%mul3A_170] : memref<4096xi32, #tpu.memory_space<vmem>> -> memref<512xi32, #tpu.memory_space<vmem>>
        %dma_wait3A_176 = arith.constant 0 : i32
        %dma_wait3A_177 = arith.constant 0 : i32
        %dma_wait3A_178 = tpu.memref_slice %arg14[%dma_wait3A_176, %dma_wait3A_177] : memref<10240x32xf32, #tpu.memory_space<vmem_shared>> -> memref<10240x32xf32, #tpu.memory_space<vmem_shared>>
        tpu.wait_indirect_dma semaphore(%arg34 : memref<!tpu.dma_semaphore, #tpu.memory_space<semaphore_mem>>) src(%arg20 : memref<512x32xf32, #tpu.memory_space<vmem>>) dst(%dma_wait3A_178 : memref<10240x32xf32, #tpu.memory_space<vmem_shared>>)
        %scan3A_179 = arith.constant 0 : i32
        scf.yield %scan3A_179 : i32
      }
      %scan3A_122 = arith.constant 4 : i32
      %scan3A_123 = arith.constant 0 : i32
      scf.yield %scan3A_123 : i32
    }
    %scan3A_41 = arith.constant 5 : i32
    %barrier3A_42 = arith.constant 0 : index
    tpu.barrier barrier_id(%barrier3A_42)
    "tpu.region"() ({
      %run_scoped3A = tpu.sem_alloc : memref<!tpu.dma_semaphore, #tpu.memory_space<semaphore_mem>>
      %dma_start3A = tpu.memref_slice %arg15[%mul3A_0] : memref<10240xf32, #tpu.memory_space<vmem_shared>> -> memref<640xf32, #tpu.memory_space<vmem_shared>>
      %dma_start3A_102 = tpu.memref_slice %arg15[%mul3A_0] : memref<10240xf32, #tpu.memory_space<vmem_shared>> -> memref<640xf32, #tpu.memory_space<vmem_shared>>
      tpu.enqueue_dma source(%dma_start3A_102 : memref<640xf32, #tpu.memory_space<vmem_shared>>) target(%arg24 : memref<640xf32, #tpu.memory_space<vmem>>) target_semaphore(%run_scoped3A : memref<!tpu.dma_semaphore, #tpu.memory_space<semaphore_mem>>)
      %dma_wait3A = tpu.memref_slice %arg15[%mul3A_0] : memref<10240xf32, #tpu.memory_space<vmem_shared>> -> memref<640xf32, #tpu.memory_space<vmem_shared>>
      %dma_wait3A_103 = tpu.memref_slice %arg15[%mul3A_0] : memref<10240xf32, #tpu.memory_space<vmem_shared>> -> memref<640xf32, #tpu.memory_space<vmem_shared>>
      tpu.wait_dma2 semaphore(%run_scoped3A : memref<!tpu.dma_semaphore, #tpu.memory_space<semaphore_mem>>) src(%dma_wait3A_103 : memref<640xf32, #tpu.memory_space<vmem_shared>>) dst(%arg24 : memref<640xf32, #tpu.memory_space<vmem>>)
      tpu.yield
    }) : () -> ()
    "tpu.region"() ({
      %run_scoped3A = tpu.sem_alloc : memref<!tpu.dma_semaphore, #tpu.memory_space<semaphore_mem>>
      %dma_start3A = tpu.memref_slice %arg16[%mul3A_0] : memref<10240xf32, #tpu.memory_space<vmem_shared>> -> memref<640xf32, #tpu.memory_space<vmem_shared>>
      %dma_start3A_102 = tpu.memref_slice %arg16[%mul3A_0] : memref<10240xf32, #tpu.memory_space<vmem_shared>> -> memref<640xf32, #tpu.memory_space<vmem_shared>>
      tpu.enqueue_dma source(%dma_start3A_102 : memref<640xf32, #tpu.memory_space<vmem_shared>>) target(%arg25 : memref<640xf32, #tpu.memory_space<vmem>>) target_semaphore(%run_scoped3A : memref<!tpu.dma_semaphore, #tpu.memory_space<semaphore_mem>>)
      %dma_wait3A = tpu.memref_slice %arg16[%mul3A_0] : memref<10240xf32, #tpu.memory_space<vmem_shared>> -> memref<640xf32, #tpu.memory_space<vmem_shared>>
      %dma_wait3A_103 = tpu.memref_slice %arg16[%mul3A_0] : memref<10240xf32, #tpu.memory_space<vmem_shared>> -> memref<640xf32, #tpu.memory_space<vmem_shared>>
      tpu.wait_dma2 semaphore(%run_scoped3A : memref<!tpu.dma_semaphore, #tpu.memory_space<semaphore_mem>>) src(%dma_wait3A_103 : memref<640xf32, #tpu.memory_space<vmem_shared>>) dst(%arg25 : memref<640xf32, #tpu.memory_space<vmem>>)
      tpu.yield
    }) : () -> ()
    %scan3A_43 = arith.constant 0 : i32
    %scan3A_44 = arith.constant 0 : i32
    %scan3A_45 = arith.constant 40 : i32
    %scan3A_46 = arith.addi %scan3A_44, %scan3A_45 : i32
    %scan3A_47 = arith.constant 1 : i32
    %scan3A_48 = scf.for %scan3A_102 = %scan3A_44 to %scan3A_46 step %scan3A_47 iter_args(%scan3A_103 = %scan3A_43) -> (i32)  : i32 {
      %mul3A_104 = arith.constant 16 : i32
      %mul3A_105 = arith.muli %scan3A_102, %mul3A_104 : i32
      %broadcast_in_dim3A = arith.constant 0.000000e+00 : f32
      %broadcast_in_dim3A_106 = vector.broadcast %broadcast_in_dim3A : f32 to vector<16xf32>
      %add3A_107 = arith.constant 1.000000e+00 : f32
      %add3A_108 = vector.broadcast %add3A_107 : f32 to vector<16xf32>
      %add3A_109 = arith.addf %broadcast_in_dim3A_106, %add3A_108 : vector<16xf32>
      %get3A_110 = arith.index_cast %mul3A_105 : i32 to index
      %get3A_111 = tpu.vector_load %arg24[%get3A_110] {strides = array<i32>} : memref<640xf32, #tpu.memory_space<vmem>>, vector<16xf32>,
      %max3A = arith.constant 1.000000e+00 : f32
      %max3A_112 = vector.broadcast %max3A : f32 to vector<16xf32>
      %max3A_113 = arith.maximumf %get3A_111, %max3A_112 : vector<16xf32>
      %div3A = arith.divf %add3A_109, %max3A_113 : vector<16xf32>
      %swap3A = arith.index_cast %mul3A_105 : i32 to index
      %swap3A_114 = tpu.vector_load %arg26[%swap3A] {strides = array<i32>} : memref<640xf32, #tpu.memory_space<vmem>>, vector<16xf32>,
      tpu.vector_store %arg26[%swap3A], %div3A {strides = array<i32>} : memref<640xf32, #tpu.memory_space<vmem>>, vector<16xf32>,
      %get3A_115 = arith.index_cast %mul3A_105 : i32 to index
      %get3A_116 = tpu.vector_load %arg25[%get3A_115] {strides = array<i32>} : memref<640xf32, #tpu.memory_space<vmem>>, vector<16xf32>,
      %max3A_117 = arith.constant 1.000000e+00 : f32
      %max3A_118 = vector.broadcast %max3A_117 : f32 to vector<16xf32>
      %max3A_119 = arith.maximumf %get3A_116, %max3A_118 : vector<16xf32>
      %div3A_120 = arith.divf %add3A_109, %max3A_119 : vector<16xf32>
      %swap3A_121 = arith.index_cast %mul3A_105 : i32 to index
      %swap3A_122 = tpu.vector_load %arg27[%swap3A_121] {strides = array<i32>} : memref<640xf32, #tpu.memory_space<vmem>>, vector<16xf32>,
      tpu.vector_store %arg27[%swap3A_121], %div3A_120 {strides = array<i32>} : memref<640xf32, #tpu.memory_space<vmem>>, vector<16xf32>,
      %scan3A_123 = arith.constant 0 : i32
      scf.yield %scan3A_123 : i32
    }
    %scan3A_49 = arith.constant 40 : i32
    %get3A = arith.constant 0 : index
    %get3A_50 = tpu.vector_load %arg29[%get3A] {strides = array<i32>} : memref<32xf32, #tpu.memory_space<vmem>>, vector<16xf32>,
    %get3A_51 = arith.constant 0 : index
    %get3A_52 = tpu.vector_load %arg30[%get3A_51] {strides = array<i32>} : memref<32xf32, #tpu.memory_space<vmem>>, vector<16xf32>,
    %add3A = arith.addf %get3A_50, %get3A_52 : vector<16xf32>
    %get3A_53 = arith.constant 16 : index
    %get3A_54 = tpu.vector_load %arg29[%get3A_53] {strides = array<i32>} : memref<32xf32, #tpu.memory_space<vmem>>, vector<16xf32>,
    %get3A_55 = arith.constant 16 : index
    %get3A_56 = tpu.vector_load %arg30[%get3A_55] {strides = array<i32>} : memref<32xf32, #tpu.memory_space<vmem>>, vector<16xf32>,
    %add3A_57 = arith.addf %get3A_54, %get3A_56 : vector<16xf32>
    %scan3A_58 = arith.constant 0 : i32
    %scan3A_59 = arith.constant 0 : i32
    %scan3A_60 = arith.constant 4 : i32
    %scan3A_61 = arith.addi %scan3A_59, %scan3A_60 : i32
    %scan3A_62 = arith.constant 1 : i32
    %scan3A_63 = scf.for %scan3A_102 = %scan3A_59 to %scan3A_61 step %scan3A_62 iter_args(%scan3A_103 = %scan3A_58) -> (i32)  : i32 {
      %mul3A_104 = arith.constant 160 : i32
      %mul3A_105 = arith.muli %scan3A_102, %mul3A_104 : i32
      %add3A_106 = arith.addi %mul3A_0, %mul3A_105 : i32
      "tpu.region"() ({
        %run_scoped3A = tpu.sem_alloc : memref<!tpu.dma_semaphore, #tpu.memory_space<semaphore_mem>>
        %dma_start3A = arith.constant 0 : i32
        %dma_start3A_121 = tpu.memref_slice %arg13[%add3A_106, %dma_start3A] : memref<10240x32xf32, #tpu.memory_space<vmem_shared>> -> memref<160x32xf32, #tpu.memory_space<vmem_shared>>
        %dma_start3A_122 = arith.constant 0 : i32
        %dma_start3A_123 = tpu.memref_slice %arg13[%add3A_106, %dma_start3A_122] : memref<10240x32xf32, #tpu.memory_space<vmem_shared>> -> memref<160x32xf32, #tpu.memory_space<vmem_shared>>
        tpu.enqueue_dma source(%dma_start3A_123 : memref<160x32xf32, #tpu.memory_space<vmem_shared>>) target(%arg21 : memref<160x32xf32, #tpu.memory_space<vmem>>) target_semaphore(%run_scoped3A : memref<!tpu.dma_semaphore, #tpu.memory_space<semaphore_mem>>)
        %dma_wait3A = arith.constant 0 : i32
        %dma_wait3A_124 = tpu.memref_slice %arg13[%add3A_106, %dma_wait3A] : memref<10240x32xf32, #tpu.memory_space<vmem_shared>> -> memref<160x32xf32, #tpu.memory_space<vmem_shared>>
        %dma_wait3A_125 = arith.constant 0 : i32
        %dma_wait3A_126 = tpu.memref_slice %arg13[%add3A_106, %dma_wait3A_125] : memref<10240x32xf32, #tpu.memory_space<vmem_shared>> -> memref<160x32xf32, #tpu.memory_space<vmem_shared>>
        tpu.wait_dma2 semaphore(%run_scoped3A : memref<!tpu.dma_semaphore, #tpu.memory_space<semaphore_mem>>) src(%dma_wait3A_126 : memref<160x32xf32, #tpu.memory_space<vmem_shared>>) dst(%arg21 : memref<160x32xf32, #tpu.memory_space<vmem>>)
        tpu.yield
      }) : () -> ()
      %mul3A_107 = arith.constant 160 : i32
      %mul3A_108 = arith.muli %scan3A_102, %mul3A_107 : i32
      %add3A_109 = arith.addi %mul3A_0, %mul3A_108 : i32
      "tpu.region"() ({
        %run_scoped3A = tpu.sem_alloc : memref<!tpu.dma_semaphore, #tpu.memory_space<semaphore_mem>>
        %dma_start3A = arith.constant 0 : i32
        %dma_start3A_121 = tpu.memref_slice %arg14[%add3A_109, %dma_start3A] : memref<10240x32xf32, #tpu.memory_space<vmem_shared>> -> memref<160x32xf32, #tpu.memory_space<vmem_shared>>
        %dma_start3A_122 = arith.constant 0 : i32
        %dma_start3A_123 = tpu.memref_slice %arg14[%add3A_109, %dma_start3A_122] : memref<10240x32xf32, #tpu.memory_space<vmem_shared>> -> memref<160x32xf32, #tpu.memory_space<vmem_shared>>
        tpu.enqueue_dma source(%dma_start3A_123 : memref<160x32xf32, #tpu.memory_space<vmem_shared>>) target(%arg22 : memref<160x32xf32, #tpu.memory_space<vmem>>) target_semaphore(%run_scoped3A : memref<!tpu.dma_semaphore, #tpu.memory_space<semaphore_mem>>)
        %dma_wait3A = arith.constant 0 : i32
        %dma_wait3A_124 = tpu.memref_slice %arg14[%add3A_109, %dma_wait3A] : memref<10240x32xf32, #tpu.memory_space<vmem_shared>> -> memref<160x32xf32, #tpu.memory_space<vmem_shared>>
        %dma_wait3A_125 = arith.constant 0 : i32
        %dma_wait3A_126 = tpu.memref_slice %arg14[%add3A_109, %dma_wait3A_125] : memref<10240x32xf32, #tpu.memory_space<vmem_shared>> -> memref<160x32xf32, #tpu.memory_space<vmem_shared>>
        tpu.wait_dma2 semaphore(%run_scoped3A : memref<!tpu.dma_semaphore, #tpu.memory_space<semaphore_mem>>) src(%dma_wait3A_126 : memref<160x32xf32, #tpu.memory_space<vmem_shared>>) dst(%arg22 : memref<160x32xf32, #tpu.memory_space<vmem>>)
        tpu.yield
      }) : () -> ()
      %scan3A_110 = arith.constant 0 : i32
      %scan3A_111 = arith.constant 0 : i32
      %scan3A_112 = arith.constant 160 : i32
      %scan3A_113 = arith.addi %scan3A_111, %scan3A_112 : i32
      %scan3A_114 = arith.constant 1 : i32
      %scan3A_115 = scf.for %scan3A_121 = %scan3A_111 to %scan3A_113 step %scan3A_114 iter_args(%scan3A_122 = %scan3A_110) -> (i32)  : i32 {
        %broadcast_in_dim3A = arith.constant 0 : i32
        %broadcast_in_dim3A_123 = vector.broadcast %broadcast_in_dim3A : i32 to vector<16xi32>
        %mul3A_124 = arith.constant 160 : i32
        %mul3A_125 = arith.muli %scan3A_102, %mul3A_124 : i32
        %add3A_126 = arith.addi %mul3A_125, %scan3A_121 : i32
        %add3A_127 = vector.broadcast %add3A_126 : i32 to vector<16xi32>
        %add3A_128 = arith.addi %broadcast_in_dim3A_123, %add3A_127 : vector<16xi32>
        %gather3A = tpu.vector_load_idx %arg26[%add3A_128] : memref<640xf32, #tpu.memory_space<vmem>>[vector<16xi32>], vector<16xf32>,
        %gather3A_129 = tpu.vector_load_idx %arg27[%add3A_128] : memref<640xf32, #tpu.memory_space<vmem>>[vector<16xi32>], vector<16xf32>,
        %get3A_130 = arith.index_cast %scan3A_121 : i32 to index
        %get3A_131 = arith.constant 0 : index
        %get3A_132 = tpu.vector_load %arg21[%get3A_130, %get3A_131] {strides = array<i32>} : memref<160x32xf32, #tpu.memory_space<vmem>>, vector<16xf32>,
        %mul3A_133 = arith.mulf %get3A_132, %gather3A : vector<16xf32>
        %get3A_134 = arith.index_cast %scan3A_121 : i32 to index
        %get3A_135 = arith.constant 0 : index
        %get3A_136 = tpu.vector_load %arg22[%get3A_134, %get3A_135] {strides = array<i32>} : memref<160x32xf32, #tpu.memory_space<vmem>>, vector<16xf32>,
        %mul3A_137 = arith.mulf %get3A_136, %gather3A_129 : vector<16xf32>
        %add3A_138 = arith.addf %mul3A_133, %mul3A_137 : vector<16xf32>
        %add3A_139 = arith.addf %add3A_138, %add3A : vector<16xf32>
        %get3A_140 = arith.index_cast %scan3A_121 : i32 to index
        %get3A_141 = arith.constant 16 : index
        %get3A_142 = tpu.vector_load %arg21[%get3A_140, %get3A_141] {strides = array<i32>} : memref<160x32xf32, #tpu.memory_space<vmem>>, vector<16xf32>,
        %mul3A_143 = arith.mulf %get3A_142, %gather3A : vector<16xf32>
        %get3A_144 = arith.index_cast %scan3A_121 : i32 to index
        %get3A_145 = arith.constant 16 : index
        %get3A_146 = tpu.vector_load %arg22[%get3A_144, %get3A_145] {strides = array<i32>} : memref<160x32xf32, #tpu.memory_space<vmem>>, vector<16xf32>,
        %mul3A_147 = arith.mulf %get3A_146, %gather3A_129 : vector<16xf32>
        %add3A_148 = arith.addf %mul3A_143, %mul3A_147 : vector<16xf32>
        %add3A_149 = arith.addf %add3A_148, %add3A_57 : vector<16xf32>
        %max3A = arith.constant 0.000000e+00 : f32
        %max3A_150 = vector.broadcast %max3A : f32 to vector<16xf32>
        %max3A_151 = arith.maximumf %add3A_139, %max3A_150 : vector<16xf32>
        %swap3A = arith.index_cast %scan3A_121 : i32 to index
        %swap3A_152 = arith.constant 0 : index
        %swap3A_153 = tpu.vector_load %arg23[%swap3A, %swap3A_152] {strides = array<i32>} : memref<160x32xf32, #tpu.memory_space<vmem>>, vector<16xf32>,
        tpu.vector_store %arg23[%swap3A, %swap3A_152], %max3A_151 {strides = array<i32>} : memref<160x32xf32, #tpu.memory_space<vmem>>, vector<16xf32>,
        %max3A_154 = arith.constant 0.000000e+00 : f32
        %max3A_155 = vector.broadcast %max3A_154 : f32 to vector<16xf32>
        %max3A_156 = arith.maximumf %add3A_149, %max3A_155 : vector<16xf32>
        %swap3A_157 = arith.index_cast %scan3A_121 : i32 to index
        %swap3A_158 = arith.constant 16 : index
        %swap3A_159 = tpu.vector_load %arg23[%swap3A_157, %swap3A_158] {strides = array<i32>} : memref<160x32xf32, #tpu.memory_space<vmem>>, vector<16xf32>,
        tpu.vector_store %arg23[%swap3A_157, %swap3A_158], %max3A_156 {strides = array<i32>} : memref<160x32xf32, #tpu.memory_space<vmem>>, vector<16xf32>,
        %scan3A_160 = arith.constant 0 : i32
        scf.yield %scan3A_160 : i32
      }
      %scan3A_116 = arith.constant 160 : i32
      %mul3A_117 = arith.constant 160 : i32
      %mul3A_118 = arith.muli %scan3A_102, %mul3A_117 : i32
      %add3A_119 = arith.addi %mul3A_0, %mul3A_118 : i32
      "tpu.region"() ({
        %run_scoped3A = tpu.sem_alloc : memref<!tpu.dma_semaphore, #tpu.memory_space<semaphore_mem>>
        %dma_start3A = arith.constant 0 : i32
        %dma_start3A_121 = tpu.memref_slice %arg12[%arg0, %add3A_119, %dma_start3A] : memref<2x10240x32xf32, #tpu.memory_space<hbm>> -> memref<1x160x32xf32, #tpu.memory_space<hbm>>
        %dma_start3A_122 = tpu.memref_squeeze %dma_start3A_121 : memref<1x160x32xf32, #tpu.memory_space<hbm>> -> memref<160x32xf32, #tpu.memory_space<hbm>>
        %dma_start3A_123 = arith.constant 0 : i32
        %dma_start3A_124 = tpu.memref_slice %arg12[%arg0, %add3A_119, %dma_start3A_123] : memref<2x10240x32xf32, #tpu.memory_space<hbm>> -> memref<1x160x32xf32, #tpu.memory_space<hbm>>
        %dma_start3A_125 = tpu.memref_squeeze %dma_start3A_124 : memref<1x160x32xf32, #tpu.memory_space<hbm>> -> memref<160x32xf32, #tpu.memory_space<hbm>>
        tpu.enqueue_dma source(%arg23 : memref<160x32xf32, #tpu.memory_space<vmem>>) target(%dma_start3A_125 : memref<160x32xf32, #tpu.memory_space<hbm>>) target_semaphore(%run_scoped3A : memref<!tpu.dma_semaphore, #tpu.memory_space<semaphore_mem>>)
        %dma_wait3A = arith.constant 0 : i32
        %dma_wait3A_126 = tpu.memref_slice %arg12[%arg0, %add3A_119, %dma_wait3A] : memref<2x10240x32xf32, #tpu.memory_space<hbm>> -> memref<1x160x32xf32, #tpu.memory_space<hbm>>
        %dma_wait3A_127 = tpu.memref_squeeze %dma_wait3A_126 : memref<1x160x32xf32, #tpu.memory_space<hbm>> -> memref<160x32xf32, #tpu.memory_space<hbm>>
        %dma_wait3A_128 = arith.constant 0 : i32
        %dma_wait3A_129 = tpu.memref_slice %arg12[%arg0, %add3A_119, %dma_wait3A_128] : memref<2x10240x32xf32, #tpu.memory_space<hbm>> -> memref<1x160x32xf32, #tpu.memory_space<hbm>>
        %dma_wait3A_130 = tpu.memref_squeeze %dma_wait3A_129 : memref<1x160x32xf32, #tpu.memory_space<hbm>> -> memref<160x32xf32, #tpu.memory_space<hbm>>
        tpu.wait_dma2 semaphore(%run_scoped3A : memref<!tpu.dma_semaphore, #tpu.memory_space<semaphore_mem>>) src(%arg23 : memref<160x32xf32, #tpu.memory_space<vmem>>) dst(%dma_wait3A_130 : memref<160x32xf32, #tpu.memory_space<hbm>>)
        tpu.yield
      }) : () -> ()
      %scan3A_120 = arith.constant 0 : i32
      scf.yield %scan3A_120 : i32
    }
    %scan3A_64 = arith.constant 4 : i32
    %scan3A_65 = arith.constant 0 : i32
    %scan3A_66 = arith.constant 0 : i32
    %scan3A_67 = arith.constant 160 : i32
    %scan3A_68 = arith.addi %scan3A_66, %scan3A_67 : i32
    %scan3A_69 = arith.constant 1 : i32
    %scan3A_70 = scf.for %scan3A_102 = %scan3A_66 to %scan3A_68 step %scan3A_69 iter_args(%scan3A_103 = %scan3A_65) -> (i32)  : i32 {
      %broadcast_in_dim3A = arith.constant 0.000000e+00 : f32
      %broadcast_in_dim3A_104 = vector.broadcast %broadcast_in_dim3A : f32 to vector<16xf32>
      %swap3A = arith.index_cast %scan3A_102 : i32 to index
      %swap3A_105 = arith.constant 0 : index
      %swap3A_106 = tpu.vector_load %arg21[%swap3A, %swap3A_105] {strides = array<i32>} : memref<160x32xf32, #tpu.memory_space<vmem>>, vector<16xf32>,
      tpu.vector_store %arg21[%swap3A, %swap3A_105], %broadcast_in_dim3A_104 {strides = array<i32>} : memref<160x32xf32, #tpu.memory_space<vmem>>, vector<16xf32>,
      %broadcast_in_dim3A_107 = arith.constant 0.000000e+00 : f32
      %broadcast_in_dim3A_108 = vector.broadcast %broadcast_in_dim3A_107 : f32 to vector<16xf32>
      %swap3A_109 = arith.index_cast %scan3A_102 : i32 to index
      %swap3A_110 = arith.constant 16 : index
      %swap3A_111 = tpu.vector_load %arg21[%swap3A_109, %swap3A_110] {strides = array<i32>} : memref<160x32xf32, #tpu.memory_space<vmem>>, vector<16xf32>,
      tpu.vector_store %arg21[%swap3A_109, %swap3A_110], %broadcast_in_dim3A_108 {strides = array<i32>} : memref<160x32xf32, #tpu.memory_space<vmem>>, vector<16xf32>,
      %scan3A_112 = arith.constant 0 : i32
      scf.yield %scan3A_112 : i32
    }
    %scan3A_71 = arith.constant 160 : i32
    %scan3A_72 = arith.constant 0 : i32
    %scan3A_73 = arith.constant 0 : i32
    %scan3A_74 = arith.constant 4 : i32
    %scan3A_75 = arith.addi %scan3A_73, %scan3A_74 : i32
    %scan3A_76 = arith.constant 1 : i32
    %scan3A_77 = scf.for %scan3A_102 = %scan3A_73 to %scan3A_75 step %scan3A_76 iter_args(%scan3A_103 = %scan3A_72) -> (i32)  : i32 {
      %mul3A_104 = arith.constant 160 : i32
      %mul3A_105 = arith.muli %scan3A_102, %mul3A_104 : i32
      %add3A_106 = arith.addi %mul3A_0, %mul3A_105 : i32
      "tpu.region"() ({
        %run_scoped3A = tpu.sem_alloc : memref<!tpu.dma_semaphore, #tpu.memory_space<semaphore_mem>>
        %dma_start3A = arith.constant 0 : i32
        %dma_start3A_111 = tpu.memref_slice %arg13[%add3A_106, %dma_start3A] : memref<10240x32xf32, #tpu.memory_space<vmem_shared>> -> memref<160x32xf32, #tpu.memory_space<vmem_shared>>
        %dma_start3A_112 = arith.constant 0 : i32
        %dma_start3A_113 = tpu.memref_slice %arg13[%add3A_106, %dma_start3A_112] : memref<10240x32xf32, #tpu.memory_space<vmem_shared>> -> memref<160x32xf32, #tpu.memory_space<vmem_shared>>
        tpu.enqueue_dma source(%arg21 : memref<160x32xf32, #tpu.memory_space<vmem>>) target(%dma_start3A_113 : memref<160x32xf32, #tpu.memory_space<vmem_shared>>) target_semaphore(%run_scoped3A : memref<!tpu.dma_semaphore, #tpu.memory_space<semaphore_mem>>)
        %dma_wait3A = arith.constant 0 : i32
        %dma_wait3A_114 = tpu.memref_slice %arg13[%add3A_106, %dma_wait3A] : memref<10240x32xf32, #tpu.memory_space<vmem_shared>> -> memref<160x32xf32, #tpu.memory_space<vmem_shared>>
        %dma_wait3A_115 = arith.constant 0 : i32
        %dma_wait3A_116 = tpu.memref_slice %arg13[%add3A_106, %dma_wait3A_115] : memref<10240x32xf32, #tpu.memory_space<vmem_shared>> -> memref<160x32xf32, #tpu.memory_space<vmem_shared>>
        tpu.wait_dma2 semaphore(%run_scoped3A : memref<!tpu.dma_semaphore, #tpu.memory_space<semaphore_mem>>) src(%arg21 : memref<160x32xf32, #tpu.memory_space<vmem>>) dst(%dma_wait3A_116 : memref<160x32xf32, #tpu.memory_space<vmem_shared>>)
        tpu.yield
      }) : () -> ()
      %mul3A_107 = arith.constant 160 : i32
      %mul3A_108 = arith.muli %scan3A_102, %mul3A_107 : i32
      %add3A_109 = arith.addi %mul3A_0, %mul3A_108 : i32
      "tpu.region"() ({
        %run_scoped3A = tpu.sem_alloc : memref<!tpu.dma_semaphore, #tpu.memory_space<semaphore_mem>>
        %dma_start3A = arith.constant 0 : i32
        %dma_start3A_111 = tpu.memref_slice %arg14[%add3A_109, %dma_start3A] : memref<10240x32xf32, #tpu.memory_space<vmem_shared>> -> memref<160x32xf32, #tpu.memory_space<vmem_shared>>
        %dma_start3A_112 = arith.constant 0 : i32
        %dma_start3A_113 = tpu.memref_slice %arg14[%add3A_109, %dma_start3A_112] : memref<10240x32xf32, #tpu.memory_space<vmem_shared>> -> memref<160x32xf32, #tpu.memory_space<vmem_shared>>
        tpu.enqueue_dma source(%arg21 : memref<160x32xf32, #tpu.memory_space<vmem>>) target(%dma_start3A_113 : memref<160x32xf32, #tpu.memory_space<vmem_shared>>) target_semaphore(%run_scoped3A : memref<!tpu.dma_semaphore, #tpu.memory_space<semaphore_mem>>)
        %dma_wait3A = arith.constant 0 : i32
        %dma_wait3A_114 = tpu.memref_slice %arg14[%add3A_109, %dma_wait3A] : memref<10240x32xf32, #tpu.memory_space<vmem_shared>> -> memref<160x32xf32, #tpu.memory_space<vmem_shared>>
        %dma_wait3A_115 = arith.constant 0 : i32
        %dma_wait3A_116 = tpu.memref_slice %arg14[%add3A_109, %dma_wait3A_115] : memref<10240x32xf32, #tpu.memory_space<vmem_shared>> -> memref<160x32xf32, #tpu.memory_space<vmem_shared>>
        tpu.wait_dma2 semaphore(%run_scoped3A : memref<!tpu.dma_semaphore, #tpu.memory_space<semaphore_mem>>) src(%arg21 : memref<160x32xf32, #tpu.memory_space<vmem>>) dst(%dma_wait3A_116 : memref<160x32xf32, #tpu.memory_space<vmem_shared>>)
        tpu.yield
      }) : () -> ()
      %scan3A_110 = arith.constant 0 : i32
      scf.yield %scan3A_110 : i32
    }
    %scan3A_78 = arith.constant 4 : i32
    %barrier3A_79 = arith.constant 0 : index
    tpu.barrier barrier_id(%barrier3A_79)
    %scan3A_80 = arith.constant 0 : i32
    %scan3A_81 = arith.constant 0 : i32
    %scan3A_82 = arith.constant 5 : i32
    %scan3A_83 = arith.addi %scan3A_81, %scan3A_82 : i32
    %scan3A_84 = arith.constant 1 : i32
    %scan3A_85 = scf.for %scan3A_102 = %scan3A_81 to %scan3A_83 step %scan3A_84 iter_args(%scan3A_103 = %scan3A_80) -> (i32)  : i32 {
      %mul3A_104 = arith.constant 8 : i32
      %mul3A_105 = arith.muli %scan3A_102, %mul3A_104 : i32
      %mul3A_106 = arith.constant 512 : i32
      %mul3A_107 = arith.muli %mul3A_105, %mul3A_106 : i32
      "tpu.region"() ({
        %run_scoped3A = tpu.sem_alloc : memref<!tpu.dma_semaphore, #tpu.memory_space<semaphore_mem>>
        %dma_start3A_124 = tpu.memref_slice %arg4[%arg0, %arg1, %mul3A_107] : memref<2x16x20480xi32, #tpu.memory_space<hbm>> -> memref<1x1x4096xi32, #tpu.memory_space<hbm>>
        %dma_start3A_125 = tpu.memref_squeeze %dma_start3A_124 : memref<1x1x4096xi32, #tpu.memory_space<hbm>> -> memref<4096xi32, #tpu.memory_space<hbm>>
        %dma_start3A_126 = tpu.memref_slice %arg4[%arg0, %arg1, %mul3A_107] : memref<2x16x20480xi32, #tpu.memory_space<hbm>> -> memref<1x1x4096xi32, #tpu.memory_space<hbm>>
        %dma_start3A_127 = tpu.memref_squeeze %dma_start3A_126 : memref<1x1x4096xi32, #tpu.memory_space<hbm>> -> memref<4096xi32, #tpu.memory_space<hbm>>
        tpu.enqueue_dma source(%dma_start3A_127 : memref<4096xi32, #tpu.memory_space<hbm>>) target(%arg17 : memref<4096xi32, #tpu.memory_space<vmem>>) target_semaphore(%run_scoped3A : memref<!tpu.dma_semaphore, #tpu.memory_space<semaphore_mem>>)
        %dma_wait3A = tpu.memref_slice %arg4[%arg0, %arg1, %mul3A_107] : memref<2x16x20480xi32, #tpu.memory_space<hbm>> -> memref<1x1x4096xi32, #tpu.memory_space<hbm>>
        %dma_wait3A_128 = tpu.memref_squeeze %dma_wait3A : memref<1x1x4096xi32, #tpu.memory_space<hbm>> -> memref<4096xi32, #tpu.memory_space<hbm>>
        %dma_wait3A_129 = tpu.memref_slice %arg4[%arg0, %arg1, %mul3A_107] : memref<2x16x20480xi32, #tpu.memory_space<hbm>> -> memref<1x1x4096xi32, #tpu.memory_space<hbm>>
        %dma_wait3A_130 = tpu.memref_squeeze %dma_wait3A_129 : memref<1x1x4096xi32, #tpu.memory_space<hbm>> -> memref<4096xi32, #tpu.memory_space<hbm>>
        tpu.wait_dma2 semaphore(%run_scoped3A : memref<!tpu.dma_semaphore, #tpu.memory_space<semaphore_mem>>) src(%dma_wait3A_130 : memref<4096xi32, #tpu.memory_space<hbm>>) dst(%arg17 : memref<4096xi32, #tpu.memory_space<vmem>>)
        tpu.yield
      }) : () -> ()
      "tpu.region"() ({
        %run_scoped3A = tpu.sem_alloc : memref<!tpu.dma_semaphore, #tpu.memory_space<semaphore_mem>>
        %dma_start3A_124 = tpu.memref_slice %arg5[%arg0, %arg1, %mul3A_107] : memref<2x16x20480xi32, #tpu.memory_space<hbm>> -> memref<1x1x4096xi32, #tpu.memory_space<hbm>>
        %dma_start3A_125 = tpu.memref_squeeze %dma_start3A_124 : memref<1x1x4096xi32, #tpu.memory_space<hbm>> -> memref<4096xi32, #tpu.memory_space<hbm>>
        %dma_start3A_126 = tpu.memref_slice %arg5[%arg0, %arg1, %mul3A_107] : memref<2x16x20480xi32, #tpu.memory_space<hbm>> -> memref<1x1x4096xi32, #tpu.memory_space<hbm>>
        %dma_start3A_127 = tpu.memref_squeeze %dma_start3A_126 : memref<1x1x4096xi32, #tpu.memory_space<hbm>> -> memref<4096xi32, #tpu.memory_space<hbm>>
        tpu.enqueue_dma source(%dma_start3A_127 : memref<4096xi32, #tpu.memory_space<hbm>>) target(%arg18 : memref<4096xi32, #tpu.memory_space<vmem>>) target_semaphore(%run_scoped3A : memref<!tpu.dma_semaphore, #tpu.memory_space<semaphore_mem>>)
        %dma_wait3A = tpu.memref_slice %arg5[%arg0, %arg1, %mul3A_107] : memref<2x16x20480xi32, #tpu.memory_space<hbm>> -> memref<1x1x4096xi32, #tpu.memory_space<hbm>>
        %dma_wait3A_128 = tpu.memref_squeeze %dma_wait3A : memref<1x1x4096xi32, #tpu.memory_space<hbm>> -> memref<4096xi32, #tpu.memory_space<hbm>>
        %dma_wait3A_129 = tpu.memref_slice %arg5[%arg0, %arg1, %mul3A_107] : memref<2x16x20480xi32, #tpu.memory_space<hbm>> -> memref<1x1x4096xi32, #tpu.memory_space<hbm>>
        %dma_wait3A_130 = tpu.memref_squeeze %dma_wait3A_129 : memref<1x1x4096xi32, #tpu.memory_space<hbm>> -> memref<4096xi32, #tpu.memory_space<hbm>>
        tpu.wait_dma2 semaphore(%run_scoped3A : memref<!tpu.dma_semaphore, #tpu.memory_space<semaphore_mem>>) src(%dma_wait3A_130 : memref<4096xi32, #tpu.memory_space<hbm>>) dst(%arg18 : memref<4096xi32, #tpu.memory_space<vmem>>)
        tpu.yield
      }) : () -> ()
      %dma_start3A = arith.constant 0 : i32
      %dma_start3A_108 = tpu.memref_slice %arg17[%dma_start3A] : memref<4096xi32, #tpu.memory_space<vmem>> -> memref<512xi32, #tpu.memory_space<vmem>>
      %dma_start3A_109 = arith.constant 0 : i32
      %dma_start3A_110 = arith.constant 0 : i32
      %dma_start3A_111 = tpu.memref_slice %arg12[%arg0, %dma_start3A_109, %dma_start3A_110] : memref<2x10240x32xf32, #tpu.memory_space<hbm>> -> memref<1x10240x32xf32, #tpu.memory_space<hbm>>
      %dma_start3A_112 = tpu.memref_squeeze %dma_start3A_111 : memref<1x10240x32xf32, #tpu.memory_space<hbm>> -> memref<10240x32xf32, #tpu.memory_space<hbm>>
      %dma_start3A_113 = arith.constant 0 : i32
      %dma_start3A_114 = arith.constant 0 : i32
      %dma_start3A_115 = tpu.memref_slice %dma_start3A_112[%dma_start3A_113, %dma_start3A_114] : memref<10240x32xf32, #tpu.memory_space<hbm>> -> memref<10240x32xf32, #tpu.memory_space<hbm>>
      tpu.enqueue_indirect_dma source(%dma_start3A_115 : memref<10240x32xf32, #tpu.memory_space<hbm>>) target(%arg19 : memref<512x32xf32, #tpu.memory_space<vmem>>) offsets(%dma_start3A_108 : memref<512xi32, #tpu.memory_space<vmem>>) semaphore(%arg31 : memref<!tpu.dma_semaphore, #tpu.memory_space<semaphore_mem>>)
      %scan3A_116 = arith.constant 0 : i32
      %scan3A_117 = arith.constant 0 : i32
      %scan3A_118 = arith.constant 4 : i32
      %scan3A_119 = arith.addi %scan3A_117, %scan3A_118 : i32
      %scan3A_120 = arith.constant 1 : i32
      %scan3A_121 = scf.for %scan3A_124 = %scan3A_117 to %scan3A_119 step %scan3A_120 iter_args(%scan3A_125 = %scan3A_116) -> (i32)  : i32 {
        %mul3A_126 = arith.constant 2 : i32
        %mul3A_127 = arith.muli %mul3A_126, %scan3A_124 : i32
        %add3A_128 = arith.constant 1 : i32
        %add3A_129 = arith.addi %mul3A_127, %add3A_128 : i32
        %mul3A_130 = arith.constant 512 : i32
        %mul3A_131 = arith.muli %mul3A_127, %mul3A_130 : i32
        %dma_wait3A = tpu.memref_slice %arg17[%mul3A_131] : memref<4096xi32, #tpu.memory_space<vmem>> -> memref<512xi32, #tpu.memory_space<vmem>>
        %dma_wait3A_132 = arith.constant 0 : i32
        %dma_wait3A_133 = arith.constant 0 : i32
        %dma_wait3A_134 = tpu.memref_slice %arg12[%arg0, %dma_wait3A_132, %dma_wait3A_133] : memref<2x10240x32xf32, #tpu.memory_space<hbm>> -> memref<1x10240x32xf32, #tpu.memory_space<hbm>>
        %dma_wait3A_135 = tpu.memref_squeeze %dma_wait3A_134 : memref<1x10240x32xf32, #tpu.memory_space<hbm>> -> memref<10240x32xf32, #tpu.memory_space<hbm>>
        %dma_wait3A_136 = arith.constant 0 : i32
        %dma_wait3A_137 = arith.constant 0 : i32
        %dma_wait3A_138 = tpu.memref_slice %dma_wait3A_135[%dma_wait3A_136, %dma_wait3A_137] : memref<10240x32xf32, #tpu.memory_space<hbm>> -> memref<10240x32xf32, #tpu.memory_space<hbm>>
        tpu.wait_indirect_dma semaphore(%arg31 : memref<!tpu.dma_semaphore, #tpu.memory_space<semaphore_mem>>) src(%dma_wait3A_138 : memref<10240x32xf32, #tpu.memory_space<hbm>>) dst(%arg19 : memref<512x32xf32, #tpu.memory_space<vmem>>)
        %mul3A_139 = arith.constant 512 : i32
        %mul3A_140 = arith.muli %add3A_129, %mul3A_139 : i32
        %dma_start3A_141 = tpu.memref_slice %arg17[%mul3A_140] : memref<4096xi32, #tpu.memory_space<vmem>> -> memref<512xi32, #tpu.memory_space<vmem>>
        %dma_start3A_142 = arith.constant 0 : i32
        %dma_start3A_143 = arith.constant 0 : i32
        %dma_start3A_144 = tpu.memref_slice %arg12[%arg0, %dma_start3A_142, %dma_start3A_143] : memref<2x10240x32xf32, #tpu.memory_space<hbm>> -> memref<1x10240x32xf32, #tpu.memory_space<hbm>>
        %dma_start3A_145 = tpu.memref_squeeze %dma_start3A_144 : memref<1x10240x32xf32, #tpu.memory_space<hbm>> -> memref<10240x32xf32, #tpu.memory_space<hbm>>
        %dma_start3A_146 = arith.constant 0 : i32
        %dma_start3A_147 = arith.constant 0 : i32
        %dma_start3A_148 = tpu.memref_slice %dma_start3A_145[%dma_start3A_146, %dma_start3A_147] : memref<10240x32xf32, #tpu.memory_space<hbm>> -> memref<10240x32xf32, #tpu.memory_space<hbm>>
        tpu.enqueue_indirect_dma source(%dma_start3A_148 : memref<10240x32xf32, #tpu.memory_space<hbm>>) target(%arg20 : memref<512x32xf32, #tpu.memory_space<vmem>>) offsets(%dma_start3A_141 : memref<512xi32, #tpu.memory_space<vmem>>) semaphore(%arg32 : memref<!tpu.dma_semaphore, #tpu.memory_space<semaphore_mem>>)
        %mul3A_149 = arith.constant 512 : i32
        %mul3A_150 = arith.muli %mul3A_127, %mul3A_149 : i32
        %dma_start3A_151 = tpu.memref_slice %arg18[%mul3A_150] : memref<4096xi32, #tpu.memory_space<vmem>> -> memref<512xi32, #tpu.memory_space<vmem>>
        %dma_start3A_152 = arith.constant 0 : i32
        %dma_start3A_153 = arith.constant 0 : i32
        %dma_start3A_154 = tpu.memref_slice %arg13[%dma_start3A_152, %dma_start3A_153] : memref<10240x32xf32, #tpu.memory_space<vmem_shared>> -> memref<10240x32xf32, #tpu.memory_space<vmem_shared>>
        tpu.enqueue_indirect_dma source(%arg19 : memref<512x32xf32, #tpu.memory_space<vmem>>) target(%dma_start3A_154 : memref<10240x32xf32, #tpu.memory_space<vmem_shared>>) offsets(%dma_start3A_151 : memref<512xi32, #tpu.memory_space<vmem>>) semaphore(%arg33 : memref<!tpu.dma_semaphore, #tpu.memory_space<semaphore_mem>>) {add = true}
        %dma_wait3A_155 = tpu.memref_slice %arg17[%mul3A_140] : memref<4096xi32, #tpu.memory_space<vmem>> -> memref<512xi32, #tpu.memory_space<vmem>>
        %dma_wait3A_156 = arith.constant 0 : i32
        %dma_wait3A_157 = arith.constant 0 : i32
        %dma_wait3A_158 = tpu.memref_slice %arg12[%arg0, %dma_wait3A_156, %dma_wait3A_157] : memref<2x10240x32xf32, #tpu.memory_space<hbm>> -> memref<1x10240x32xf32, #tpu.memory_space<hbm>>
        %dma_wait3A_159 = tpu.memref_squeeze %dma_wait3A_158 : memref<1x10240x32xf32, #tpu.memory_space<hbm>> -> memref<10240x32xf32, #tpu.memory_space<hbm>>
        %dma_wait3A_160 = arith.constant 0 : i32
        %dma_wait3A_161 = arith.constant 0 : i32
        %dma_wait3A_162 = tpu.memref_slice %dma_wait3A_159[%dma_wait3A_160, %dma_wait3A_161] : memref<10240x32xf32, #tpu.memory_space<hbm>> -> memref<10240x32xf32, #tpu.memory_space<hbm>>
        tpu.wait_indirect_dma semaphore(%arg32 : memref<!tpu.dma_semaphore, #tpu.memory_space<semaphore_mem>>) src(%dma_wait3A_162 : memref<10240x32xf32, #tpu.memory_space<hbm>>) dst(%arg20 : memref<512x32xf32, #tpu.memory_space<vmem>>)
        %dma_wait3A_163 = tpu.memref_slice %arg18[%mul3A_150] : memref<4096xi32, #tpu.memory_space<vmem>> -> memref<512xi32, #tpu.memory_space<vmem>>
        %dma_wait3A_164 = arith.constant 0 : i32
        %dma_wait3A_165 = arith.constant 0 : i32
        %dma_wait3A_166 = tpu.memref_slice %arg13[%dma_wait3A_164, %dma_wait3A_165] : memref<10240x32xf32, #tpu.memory_space<vmem_shared>> -> memref<10240x32xf32, #tpu.memory_space<vmem_shared>>
        tpu.wait_indirect_dma semaphore(%arg33 : memref<!tpu.dma_semaphore, #tpu.memory_space<semaphore_mem>>) src(%arg19 : memref<512x32xf32, #tpu.memory_space<vmem>>) dst(%dma_wait3A_166 : memref<10240x32xf32, #tpu.memory_space<vmem_shared>>)
        %lt3A = arith.constant 3 : i32
        %lt3A_167 = arith.cmpi slt, %scan3A_124, %lt3A : i32
        %convert_element_type3A = arith.extui %lt3A_167 : i1 to i32
        %cond3A = arith.constant 0 : i32
        %cond3A_168 = arith.cmpi ne, %convert_element_type3A, %cond3A : i32
        scf.if %cond3A_168 {
          %add3A_180 = arith.constant 2 : i32
          %add3A_181 = arith.addi %mul3A_127, %add3A_180 : i32
          %mul3A_182 = arith.constant 512 : i32
          %mul3A_183 = arith.muli %add3A_181, %mul3A_182 : i32
          %dma_start3A_184 = tpu.memref_slice %arg17[%mul3A_183] : memref<4096xi32, #tpu.memory_space<vmem>> -> memref<512xi32, #tpu.memory_space<vmem>>
          %dma_start3A_185 = arith.constant 0 : i32
          %dma_start3A_186 = arith.constant 0 : i32
          %dma_start3A_187 = tpu.memref_slice %arg12[%arg0, %dma_start3A_185, %dma_start3A_186] : memref<2x10240x32xf32, #tpu.memory_space<hbm>> -> memref<1x10240x32xf32, #tpu.memory_space<hbm>>
          %dma_start3A_188 = tpu.memref_squeeze %dma_start3A_187 : memref<1x10240x32xf32, #tpu.memory_space<hbm>> -> memref<10240x32xf32, #tpu.memory_space<hbm>>
          %dma_start3A_189 = arith.constant 0 : i32
          %dma_start3A_190 = arith.constant 0 : i32
          %dma_start3A_191 = tpu.memref_slice %dma_start3A_188[%dma_start3A_189, %dma_start3A_190] : memref<10240x32xf32, #tpu.memory_space<hbm>> -> memref<10240x32xf32, #tpu.memory_space<hbm>>
          tpu.enqueue_indirect_dma source(%dma_start3A_191 : memref<10240x32xf32, #tpu.memory_space<hbm>>) target(%arg19 : memref<512x32xf32, #tpu.memory_space<vmem>>) offsets(%dma_start3A_184 : memref<512xi32, #tpu.memory_space<vmem>>) semaphore(%arg31 : memref<!tpu.dma_semaphore, #tpu.memory_space<semaphore_mem>>)
        } else {
        }
        %mul3A_169 = arith.constant 512 : i32
        %mul3A_170 = arith.muli %add3A_129, %mul3A_169 : i32
        %dma_start3A_171 = tpu.memref_slice %arg18[%mul3A_170] : memref<4096xi32, #tpu.memory_space<vmem>> -> memref<512xi32, #tpu.memory_space<vmem>>
        %dma_start3A_172 = arith.constant 0 : i32
        %dma_start3A_173 = arith.constant 0 : i32
        %dma_start3A_174 = tpu.memref_slice %arg13[%dma_start3A_172, %dma_start3A_173] : memref<10240x32xf32, #tpu.memory_space<vmem_shared>> -> memref<10240x32xf32, #tpu.memory_space<vmem_shared>>
        tpu.enqueue_indirect_dma source(%arg20 : memref<512x32xf32, #tpu.memory_space<vmem>>) target(%dma_start3A_174 : memref<10240x32xf32, #tpu.memory_space<vmem_shared>>) offsets(%dma_start3A_171 : memref<512xi32, #tpu.memory_space<vmem>>) semaphore(%arg34 : memref<!tpu.dma_semaphore, #tpu.memory_space<semaphore_mem>>) {add = true}
        %dma_wait3A_175 = tpu.memref_slice %arg18[%mul3A_170] : memref<4096xi32, #tpu.memory_space<vmem>> -> memref<512xi32, #tpu.memory_space<vmem>>
        %dma_wait3A_176 = arith.constant 0 : i32
        %dma_wait3A_177 = arith.constant 0 : i32
        %dma_wait3A_178 = tpu.memref_slice %arg13[%dma_wait3A_176, %dma_wait3A_177] : memref<10240x32xf32, #tpu.memory_space<vmem_shared>> -> memref<10240x32xf32, #tpu.memory_space<vmem_shared>>
        tpu.wait_indirect_dma semaphore(%arg34 : memref<!tpu.dma_semaphore, #tpu.memory_space<semaphore_mem>>) src(%arg20 : memref<512x32xf32, #tpu.memory_space<vmem>>) dst(%dma_wait3A_178 : memref<10240x32xf32, #tpu.memory_space<vmem_shared>>)
        %scan3A_179 = arith.constant 0 : i32
        scf.yield %scan3A_179 : i32
      }
      %scan3A_122 = arith.constant 4 : i32
      %scan3A_123 = arith.constant 0 : i32
      scf.yield %scan3A_123 : i32
    }
    %scan3A_86 = arith.constant 5 : i32
    %scan3A_87 = arith.constant 0 : i32
    %scan3A_88 = arith.constant 0 : i32
    %scan3A_89 = arith.constant 5 : i32
    %scan3A_90 = arith.addi %scan3A_88, %scan3A_89 : i32
    %scan3A_91 = arith.constant 1 : i32
    %scan3A_92 = scf.for %scan3A_102 = %scan3A_88 to %scan3A_90 step %scan3A_91 iter_args(%scan3A_103 = %scan3A_87) -> (i32)  : i32 {
      %mul3A_104 = arith.constant 8 : i32
      %mul3A_105 = arith.muli %scan3A_102, %mul3A_104 : i32
      %mul3A_106 = arith.constant 512 : i32
      %mul3A_107 = arith.muli %mul3A_105, %mul3A_106 : i32
      "tpu.region"() ({
        %run_scoped3A = tpu.sem_alloc : memref<!tpu.dma_semaphore, #tpu.memory_space<semaphore_mem>>
        %dma_start3A_124 = tpu.memref_slice %arg4[%arg0, %arg1, %mul3A_107] : memref<2x16x20480xi32, #tpu.memory_space<hbm>> -> memref<1x1x4096xi32, #tpu.memory_space<hbm>>
        %dma_start3A_125 = tpu.memref_squeeze %dma_start3A_124 : memref<1x1x4096xi32, #tpu.memory_space<hbm>> -> memref<4096xi32, #tpu.memory_space<hbm>>
        %dma_start3A_126 = tpu.memref_slice %arg4[%arg0, %arg1, %mul3A_107] : memref<2x16x20480xi32, #tpu.memory_space<hbm>> -> memref<1x1x4096xi32, #tpu.memory_space<hbm>>
        %dma_start3A_127 = tpu.memref_squeeze %dma_start3A_126 : memref<1x1x4096xi32, #tpu.memory_space<hbm>> -> memref<4096xi32, #tpu.memory_space<hbm>>
        tpu.enqueue_dma source(%dma_start3A_127 : memref<4096xi32, #tpu.memory_space<hbm>>) target(%arg17 : memref<4096xi32, #tpu.memory_space<vmem>>) target_semaphore(%run_scoped3A : memref<!tpu.dma_semaphore, #tpu.memory_space<semaphore_mem>>)
        %dma_wait3A = tpu.memref_slice %arg4[%arg0, %arg1, %mul3A_107] : memref<2x16x20480xi32, #tpu.memory_space<hbm>> -> memref<1x1x4096xi32, #tpu.memory_space<hbm>>
        %dma_wait3A_128 = tpu.memref_squeeze %dma_wait3A : memref<1x1x4096xi32, #tpu.memory_space<hbm>> -> memref<4096xi32, #tpu.memory_space<hbm>>
        %dma_wait3A_129 = tpu.memref_slice %arg4[%arg0, %arg1, %mul3A_107] : memref<2x16x20480xi32, #tpu.memory_space<hbm>> -> memref<1x1x4096xi32, #tpu.memory_space<hbm>>
        %dma_wait3A_130 = tpu.memref_squeeze %dma_wait3A_129 : memref<1x1x4096xi32, #tpu.memory_space<hbm>> -> memref<4096xi32, #tpu.memory_space<hbm>>
        tpu.wait_dma2 semaphore(%run_scoped3A : memref<!tpu.dma_semaphore, #tpu.memory_space<semaphore_mem>>) src(%dma_wait3A_130 : memref<4096xi32, #tpu.memory_space<hbm>>) dst(%arg17 : memref<4096xi32, #tpu.memory_space<vmem>>)
        tpu.yield
      }) : () -> ()
      "tpu.region"() ({
        %run_scoped3A = tpu.sem_alloc : memref<!tpu.dma_semaphore, #tpu.memory_space<semaphore_mem>>
        %dma_start3A_124 = tpu.memref_slice %arg5[%arg0, %arg1, %mul3A_107] : memref<2x16x20480xi32, #tpu.memory_space<hbm>> -> memref<1x1x4096xi32, #tpu.memory_space<hbm>>
        %dma_start3A_125 = tpu.memref_squeeze %dma_start3A_124 : memref<1x1x4096xi32, #tpu.memory_space<hbm>> -> memref<4096xi32, #tpu.memory_space<hbm>>
        %dma_start3A_126 = tpu.memref_slice %arg5[%arg0, %arg1, %mul3A_107] : memref<2x16x20480xi32, #tpu.memory_space<hbm>> -> memref<1x1x4096xi32, #tpu.memory_space<hbm>>
        %dma_start3A_127 = tpu.memref_squeeze %dma_start3A_126 : memref<1x1x4096xi32, #tpu.memory_space<hbm>> -> memref<4096xi32, #tpu.memory_space<hbm>>
        tpu.enqueue_dma source(%dma_start3A_127 : memref<4096xi32, #tpu.memory_space<hbm>>) target(%arg18 : memref<4096xi32, #tpu.memory_space<vmem>>) target_semaphore(%run_scoped3A : memref<!tpu.dma_semaphore, #tpu.memory_space<semaphore_mem>>)
        %dma_wait3A = tpu.memref_slice %arg5[%arg0, %arg1, %mul3A_107] : memref<2x16x20480xi32, #tpu.memory_space<hbm>> -> memref<1x1x4096xi32, #tpu.memory_space<hbm>>
        %dma_wait3A_128 = tpu.memref_squeeze %dma_wait3A : memref<1x1x4096xi32, #tpu.memory_space<hbm>> -> memref<4096xi32, #tpu.memory_space<hbm>>
        %dma_wait3A_129 = tpu.memref_slice %arg5[%arg0, %arg1, %mul3A_107] : memref<2x16x20480xi32, #tpu.memory_space<hbm>> -> memref<1x1x4096xi32, #tpu.memory_space<hbm>>
        %dma_wait3A_130 = tpu.memref_squeeze %dma_wait3A_129 : memref<1x1x4096xi32, #tpu.memory_space<hbm>> -> memref<4096xi32, #tpu.memory_space<hbm>>
        tpu.wait_dma2 semaphore(%run_scoped3A : memref<!tpu.dma_semaphore, #tpu.memory_space<semaphore_mem>>) src(%dma_wait3A_130 : memref<4096xi32, #tpu.memory_space<hbm>>) dst(%arg18 : memref<4096xi32, #tpu.memory_space<vmem>>)
        tpu.yield
      }) : () -> ()
      %dma_start3A = arith.constant 0 : i32
      %dma_start3A_108 = tpu.memref_slice %arg18[%dma_start3A] : memref<4096xi32, #tpu.memory_space<vmem>> -> memref<512xi32, #tpu.memory_space<vmem>>
      %dma_start3A_109 = arith.constant 0 : i32
      %dma_start3A_110 = arith.constant 0 : i32
      %dma_start3A_111 = tpu.memref_slice %arg12[%arg0, %dma_start3A_109, %dma_start3A_110] : memref<2x10240x32xf32, #tpu.memory_space<hbm>> -> memref<1x10240x32xf32, #tpu.memory_space<hbm>>
      %dma_start3A_112 = tpu.memref_squeeze %dma_start3A_111 : memref<1x10240x32xf32, #tpu.memory_space<hbm>> -> memref<10240x32xf32, #tpu.memory_space<hbm>>
      %dma_start3A_113 = arith.constant 0 : i32
      %dma_start3A_114 = arith.constant 0 : i32
      %dma_start3A_115 = tpu.memref_slice %dma_start3A_112[%dma_start3A_113, %dma_start3A_114] : memref<10240x32xf32, #tpu.memory_space<hbm>> -> memref<10240x32xf32, #tpu.memory_space<hbm>>
      tpu.enqueue_indirect_dma source(%dma_start3A_115 : memref<10240x32xf32, #tpu.memory_space<hbm>>) target(%arg19 : memref<512x32xf32, #tpu.memory_space<vmem>>) offsets(%dma_start3A_108 : memref<512xi32, #tpu.memory_space<vmem>>) semaphore(%arg31 : memref<!tpu.dma_semaphore, #tpu.memory_space<semaphore_mem>>)
      %scan3A_116 = arith.constant 0 : i32
      %scan3A_117 = arith.constant 0 : i32
      %scan3A_118 = arith.constant 4 : i32
      %scan3A_119 = arith.addi %scan3A_117, %scan3A_118 : i32
      %scan3A_120 = arith.constant 1 : i32
      %scan3A_121 = scf.for %scan3A_124 = %scan3A_117 to %scan3A_119 step %scan3A_120 iter_args(%scan3A_125 = %scan3A_116) -> (i32)  : i32 {
        %mul3A_126 = arith.constant 2 : i32
        %mul3A_127 = arith.muli %mul3A_126, %scan3A_124 : i32
        %add3A_128 = arith.constant 1 : i32
        %add3A_129 = arith.addi %mul3A_127, %add3A_128 : i32
        %mul3A_130 = arith.constant 512 : i32
        %mul3A_131 = arith.muli %mul3A_127, %mul3A_130 : i32
        %dma_wait3A = tpu.memref_slice %arg18[%mul3A_131] : memref<4096xi32, #tpu.memory_space<vmem>> -> memref<512xi32, #tpu.memory_space<vmem>>
        %dma_wait3A_132 = arith.constant 0 : i32
        %dma_wait3A_133 = arith.constant 0 : i32
        %dma_wait3A_134 = tpu.memref_slice %arg12[%arg0, %dma_wait3A_132, %dma_wait3A_133] : memref<2x10240x32xf32, #tpu.memory_space<hbm>> -> memref<1x10240x32xf32, #tpu.memory_space<hbm>>
        %dma_wait3A_135 = tpu.memref_squeeze %dma_wait3A_134 : memref<1x10240x32xf32, #tpu.memory_space<hbm>> -> memref<10240x32xf32, #tpu.memory_space<hbm>>
        %dma_wait3A_136 = arith.constant 0 : i32
        %dma_wait3A_137 = arith.constant 0 : i32
        %dma_wait3A_138 = tpu.memref_slice %dma_wait3A_135[%dma_wait3A_136, %dma_wait3A_137] : memref<10240x32xf32, #tpu.memory_space<hbm>> -> memref<10240x32xf32, #tpu.memory_space<hbm>>
        tpu.wait_indirect_dma semaphore(%arg31 : memref<!tpu.dma_semaphore, #tpu.memory_space<semaphore_mem>>) src(%dma_wait3A_138 : memref<10240x32xf32, #tpu.memory_space<hbm>>) dst(%arg19 : memref<512x32xf32, #tpu.memory_space<vmem>>)
        %mul3A_139 = arith.constant 512 : i32
        %mul3A_140 = arith.muli %add3A_129, %mul3A_139 : i32
        %dma_start3A_141 = tpu.memref_slice %arg18[%mul3A_140] : memref<4096xi32, #tpu.memory_space<vmem>> -> memref<512xi32, #tpu.memory_space<vmem>>
        %dma_start3A_142 = arith.constant 0 : i32
        %dma_start3A_143 = arith.constant 0 : i32
        %dma_start3A_144 = tpu.memref_slice %arg12[%arg0, %dma_start3A_142, %dma_start3A_143] : memref<2x10240x32xf32, #tpu.memory_space<hbm>> -> memref<1x10240x32xf32, #tpu.memory_space<hbm>>
        %dma_start3A_145 = tpu.memref_squeeze %dma_start3A_144 : memref<1x10240x32xf32, #tpu.memory_space<hbm>> -> memref<10240x32xf32, #tpu.memory_space<hbm>>
        %dma_start3A_146 = arith.constant 0 : i32
        %dma_start3A_147 = arith.constant 0 : i32
        %dma_start3A_148 = tpu.memref_slice %dma_start3A_145[%dma_start3A_146, %dma_start3A_147] : memref<10240x32xf32, #tpu.memory_space<hbm>> -> memref<10240x32xf32, #tpu.memory_space<hbm>>
        tpu.enqueue_indirect_dma source(%dma_start3A_148 : memref<10240x32xf32, #tpu.memory_space<hbm>>) target(%arg20 : memref<512x32xf32, #tpu.memory_space<vmem>>) offsets(%dma_start3A_141 : memref<512xi32, #tpu.memory_space<vmem>>) semaphore(%arg32 : memref<!tpu.dma_semaphore, #tpu.memory_space<semaphore_mem>>)
        %mul3A_149 = arith.constant 512 : i32
        %mul3A_150 = arith.muli %mul3A_127, %mul3A_149 : i32
        %dma_start3A_151 = tpu.memref_slice %arg17[%mul3A_150] : memref<4096xi32, #tpu.memory_space<vmem>> -> memref<512xi32, #tpu.memory_space<vmem>>
        %dma_start3A_152 = arith.constant 0 : i32
        %dma_start3A_153 = arith.constant 0 : i32
        %dma_start3A_154 = tpu.memref_slice %arg14[%dma_start3A_152, %dma_start3A_153] : memref<10240x32xf32, #tpu.memory_space<vmem_shared>> -> memref<10240x32xf32, #tpu.memory_space<vmem_shared>>
        tpu.enqueue_indirect_dma source(%arg19 : memref<512x32xf32, #tpu.memory_space<vmem>>) target(%dma_start3A_154 : memref<10240x32xf32, #tpu.memory_space<vmem_shared>>) offsets(%dma_start3A_151 : memref<512xi32, #tpu.memory_space<vmem>>) semaphore(%arg33 : memref<!tpu.dma_semaphore, #tpu.memory_space<semaphore_mem>>) {add = true}
        %dma_wait3A_155 = tpu.memref_slice %arg18[%mul3A_140] : memref<4096xi32, #tpu.memory_space<vmem>> -> memref<512xi32, #tpu.memory_space<vmem>>
        %dma_wait3A_156 = arith.constant 0 : i32
        %dma_wait3A_157 = arith.constant 0 : i32
        %dma_wait3A_158 = tpu.memref_slice %arg12[%arg0, %dma_wait3A_156, %dma_wait3A_157] : memref<2x10240x32xf32, #tpu.memory_space<hbm>> -> memref<1x10240x32xf32, #tpu.memory_space<hbm>>
        %dma_wait3A_159 = tpu.memref_squeeze %dma_wait3A_158 : memref<1x10240x32xf32, #tpu.memory_space<hbm>> -> memref<10240x32xf32, #tpu.memory_space<hbm>>
        %dma_wait3A_160 = arith.constant 0 : i32
        %dma_wait3A_161 = arith.constant 0 : i32
        %dma_wait3A_162 = tpu.memref_slice %dma_wait3A_159[%dma_wait3A_160, %dma_wait3A_161] : memref<10240x32xf32, #tpu.memory_space<hbm>> -> memref<10240x32xf32, #tpu.memory_space<hbm>>
        tpu.wait_indirect_dma semaphore(%arg32 : memref<!tpu.dma_semaphore, #tpu.memory_space<semaphore_mem>>) src(%dma_wait3A_162 : memref<10240x32xf32, #tpu.memory_space<hbm>>) dst(%arg20 : memref<512x32xf32, #tpu.memory_space<vmem>>)
        %dma_wait3A_163 = tpu.memref_slice %arg17[%mul3A_150] : memref<4096xi32, #tpu.memory_space<vmem>> -> memref<512xi32, #tpu.memory_space<vmem>>
        %dma_wait3A_164 = arith.constant 0 : i32
        %dma_wait3A_165 = arith.constant 0 : i32
        %dma_wait3A_166 = tpu.memref_slice %arg14[%dma_wait3A_164, %dma_wait3A_165] : memref<10240x32xf32, #tpu.memory_space<vmem_shared>> -> memref<10240x32xf32, #tpu.memory_space<vmem_shared>>
        tpu.wait_indirect_dma semaphore(%arg33 : memref<!tpu.dma_semaphore, #tpu.memory_space<semaphore_mem>>) src(%arg19 : memref<512x32xf32, #tpu.memory_space<vmem>>) dst(%dma_wait3A_166 : memref<10240x32xf32, #tpu.memory_space<vmem_shared>>)
        %lt3A = arith.constant 3 : i32
        %lt3A_167 = arith.cmpi slt, %scan3A_124, %lt3A : i32
        %convert_element_type3A = arith.extui %lt3A_167 : i1 to i32
        %cond3A = arith.constant 0 : i32
        %cond3A_168 = arith.cmpi ne, %convert_element_type3A, %cond3A : i32
        scf.if %cond3A_168 {
          %add3A_180 = arith.constant 2 : i32
          %add3A_181 = arith.addi %mul3A_127, %add3A_180 : i32
          %mul3A_182 = arith.constant 512 : i32
          %mul3A_183 = arith.muli %add3A_181, %mul3A_182 : i32
          %dma_start3A_184 = tpu.memref_slice %arg18[%mul3A_183] : memref<4096xi32, #tpu.memory_space<vmem>> -> memref<512xi32, #tpu.memory_space<vmem>>
          %dma_start3A_185 = arith.constant 0 : i32
          %dma_start3A_186 = arith.constant 0 : i32
          %dma_start3A_187 = tpu.memref_slice %arg12[%arg0, %dma_start3A_185, %dma_start3A_186] : memref<2x10240x32xf32, #tpu.memory_space<hbm>> -> memref<1x10240x32xf32, #tpu.memory_space<hbm>>
          %dma_start3A_188 = tpu.memref_squeeze %dma_start3A_187 : memref<1x10240x32xf32, #tpu.memory_space<hbm>> -> memref<10240x32xf32, #tpu.memory_space<hbm>>
          %dma_start3A_189 = arith.constant 0 : i32
          %dma_start3A_190 = arith.constant 0 : i32
          %dma_start3A_191 = tpu.memref_slice %dma_start3A_188[%dma_start3A_189, %dma_start3A_190] : memref<10240x32xf32, #tpu.memory_space<hbm>> -> memref<10240x32xf32, #tpu.memory_space<hbm>>
          tpu.enqueue_indirect_dma source(%dma_start3A_191 : memref<10240x32xf32, #tpu.memory_space<hbm>>) target(%arg19 : memref<512x32xf32, #tpu.memory_space<vmem>>) offsets(%dma_start3A_184 : memref<512xi32, #tpu.memory_space<vmem>>) semaphore(%arg31 : memref<!tpu.dma_semaphore, #tpu.memory_space<semaphore_mem>>)
        } else {
        }
        %mul3A_169 = arith.constant 512 : i32
        %mul3A_170 = arith.muli %add3A_129, %mul3A_169 : i32
        %dma_start3A_171 = tpu.memref_slice %arg17[%mul3A_170] : memref<4096xi32, #tpu.memory_space<vmem>> -> memref<512xi32, #tpu.memory_space<vmem>>
        %dma_start3A_172 = arith.constant 0 : i32
        %dma_start3A_173 = arith.constant 0 : i32
        %dma_start3A_174 = tpu.memref_slice %arg14[%dma_start3A_172, %dma_start3A_173] : memref<10240x32xf32, #tpu.memory_space<vmem_shared>> -> memref<10240x32xf32, #tpu.memory_space<vmem_shared>>
        tpu.enqueue_indirect_dma source(%arg20 : memref<512x32xf32, #tpu.memory_space<vmem>>) target(%dma_start3A_174 : memref<10240x32xf32, #tpu.memory_space<vmem_shared>>) offsets(%dma_start3A_171 : memref<512xi32, #tpu.memory_space<vmem>>) semaphore(%arg34 : memref<!tpu.dma_semaphore, #tpu.memory_space<semaphore_mem>>) {add = true}
        %dma_wait3A_175 = tpu.memref_slice %arg17[%mul3A_170] : memref<4096xi32, #tpu.memory_space<vmem>> -> memref<512xi32, #tpu.memory_space<vmem>>
        %dma_wait3A_176 = arith.constant 0 : i32
        %dma_wait3A_177 = arith.constant 0 : i32
        %dma_wait3A_178 = tpu.memref_slice %arg14[%dma_wait3A_176, %dma_wait3A_177] : memref<10240x32xf32, #tpu.memory_space<vmem_shared>> -> memref<10240x32xf32, #tpu.memory_space<vmem_shared>>
        tpu.wait_indirect_dma semaphore(%arg34 : memref<!tpu.dma_semaphore, #tpu.memory_space<semaphore_mem>>) src(%arg20 : memref<512x32xf32, #tpu.memory_space<vmem>>) dst(%dma_wait3A_178 : memref<10240x32xf32, #tpu.memory_space<vmem_shared>>)
        %scan3A_179 = arith.constant 0 : i32
        scf.yield %scan3A_179 : i32
      }
      %scan3A_122 = arith.constant 4 : i32
      %scan3A_123 = arith.constant 0 : i32
      scf.yield %scan3A_123 : i32
    }
    %scan3A_93 = arith.constant 5 : i32
    %barrier3A_94 = arith.constant 0 : index
    tpu.barrier barrier_id(%barrier3A_94)
    %scan3A_95 = arith.constant 0 : i32
    %scan3A_96 = arith.constant 0 : i32
    %scan3A_97 = arith.constant 4 : i32
    %scan3A_98 = arith.addi %scan3A_96, %scan3A_97 : i32
    %scan3A_99 = arith.constant 1 : i32
    %scan3A_100 = scf.for %scan3A_102 = %scan3A_96 to %scan3A_98 step %scan3A_99 iter_args(%scan3A_103 = %scan3A_95) -> (i32)  : i32 {
      %mul3A_104 = arith.constant 160 : i32
      %mul3A_105 = arith.muli %scan3A_102, %mul3A_104 : i32
      %add3A_106 = arith.addi %mul3A_0, %mul3A_105 : i32
      "tpu.region"() ({
        %run_scoped3A = tpu.sem_alloc : memref<!tpu.dma_semaphore, #tpu.memory_space<semaphore_mem>>
        %dma_start3A = arith.constant 0 : i32
        %dma_start3A_117 = tpu.memref_slice %arg13[%add3A_106, %dma_start3A] : memref<10240x32xf32, #tpu.memory_space<vmem_shared>> -> memref<160x32xf32, #tpu.memory_space<vmem_shared>>
        %dma_start3A_118 = arith.constant 0 : i32
        %dma_start3A_119 = tpu.memref_slice %arg13[%add3A_106, %dma_start3A_118] : memref<10240x32xf32, #tpu.memory_space<vmem_shared>> -> memref<160x32xf32, #tpu.memory_space<vmem_shared>>
        tpu.enqueue_dma source(%dma_start3A_119 : memref<160x32xf32, #tpu.memory_space<vmem_shared>>) target(%arg21 : memref<160x32xf32, #tpu.memory_space<vmem>>) target_semaphore(%run_scoped3A : memref<!tpu.dma_semaphore, #tpu.memory_space<semaphore_mem>>)
        %dma_wait3A = arith.constant 0 : i32
        %dma_wait3A_120 = tpu.memref_slice %arg13[%add3A_106, %dma_wait3A] : memref<10240x32xf32, #tpu.memory_space<vmem_shared>> -> memref<160x32xf32, #tpu.memory_space<vmem_shared>>
        %dma_wait3A_121 = arith.constant 0 : i32
        %dma_wait3A_122 = tpu.memref_slice %arg13[%add3A_106, %dma_wait3A_121] : memref<10240x32xf32, #tpu.memory_space<vmem_shared>> -> memref<160x32xf32, #tpu.memory_space<vmem_shared>>
        tpu.wait_dma2 semaphore(%run_scoped3A : memref<!tpu.dma_semaphore, #tpu.memory_space<semaphore_mem>>) src(%dma_wait3A_122 : memref<160x32xf32, #tpu.memory_space<vmem_shared>>) dst(%arg21 : memref<160x32xf32, #tpu.memory_space<vmem>>)
        tpu.yield
      }) : () -> ()
      %mul3A_107 = arith.constant 160 : i32
      %mul3A_108 = arith.muli %scan3A_102, %mul3A_107 : i32
      %add3A_109 = arith.addi %mul3A_0, %mul3A_108 : i32
      "tpu.region"() ({
        %run_scoped3A = tpu.sem_alloc : memref<!tpu.dma_semaphore, #tpu.memory_space<semaphore_mem>>
        %dma_start3A = arith.constant 0 : i32
        %dma_start3A_117 = tpu.memref_slice %arg8[%arg0, %add3A_109, %dma_start3A] : memref<2x10240x32xf32, #tpu.memory_space<hbm>> -> memref<1x160x32xf32, #tpu.memory_space<hbm>>
        %dma_start3A_118 = tpu.memref_squeeze %dma_start3A_117 : memref<1x160x32xf32, #tpu.memory_space<hbm>> -> memref<160x32xf32, #tpu.memory_space<hbm>>
        %dma_start3A_119 = arith.constant 0 : i32
        %dma_start3A_120 = tpu.memref_slice %arg8[%arg0, %add3A_109, %dma_start3A_119] : memref<2x10240x32xf32, #tpu.memory_space<hbm>> -> memref<1x160x32xf32, #tpu.memory_space<hbm>>
        %dma_start3A_121 = tpu.memref_squeeze %dma_start3A_120 : memref<1x160x32xf32, #tpu.memory_space<hbm>> -> memref<160x32xf32, #tpu.memory_space<hbm>>
        tpu.enqueue_dma source(%arg21 : memref<160x32xf32, #tpu.memory_space<vmem>>) target(%dma_start3A_121 : memref<160x32xf32, #tpu.memory_space<hbm>>) target_semaphore(%run_scoped3A : memref<!tpu.dma_semaphore, #tpu.memory_space<semaphore_mem>>)
        %dma_wait3A = arith.constant 0 : i32
        %dma_wait3A_122 = tpu.memref_slice %arg8[%arg0, %add3A_109, %dma_wait3A] : memref<2x10240x32xf32, #tpu.memory_space<hbm>> -> memref<1x160x32xf32, #tpu.memory_space<hbm>>
        %dma_wait3A_123 = tpu.memref_squeeze %dma_wait3A_122 : memref<1x160x32xf32, #tpu.memory_space<hbm>> -> memref<160x32xf32, #tpu.memory_space<hbm>>
        %dma_wait3A_124 = arith.constant 0 : i32
        %dma_wait3A_125 = tpu.memref_slice %arg8[%arg0, %add3A_109, %dma_wait3A_124] : memref<2x10240x32xf32, #tpu.memory_space<hbm>> -> memref<1x160x32xf32, #tpu.memory_space<hbm>>
        %dma_wait3A_126 = tpu.memref_squeeze %dma_wait3A_125 : memref<1x160x32xf32, #tpu.memory_space<hbm>> -> memref<160x32xf32, #tpu.memory_space<hbm>>
        tpu.wait_dma2 semaphore(%run_scoped3A : memref<!tpu.dma_semaphore, #tpu.memory_space<semaphore_mem>>) src(%arg21 : memref<160x32xf32, #tpu.memory_space<vmem>>) dst(%dma_wait3A_126 : memref<160x32xf32, #tpu.memory_space<hbm>>)
        tpu.yield
      }) : () -> ()
      %mul3A_110 = arith.constant 160 : i32
      %mul3A_111 = arith.muli %scan3A_102, %mul3A_110 : i32
      %add3A_112 = arith.addi %mul3A_0, %mul3A_111 : i32
      "tpu.region"() ({
        %run_scoped3A = tpu.sem_alloc : memref<!tpu.dma_semaphore, #tpu.memory_space<semaphore_mem>>
        %dma_start3A = arith.constant 0 : i32
        %dma_start3A_117 = tpu.memref_slice %arg14[%add3A_112, %dma_start3A] : memref<10240x32xf32, #tpu.memory_space<vmem_shared>> -> memref<160x32xf32, #tpu.memory_space<vmem_shared>>
        %dma_start3A_118 = arith.constant 0 : i32
        %dma_start3A_119 = tpu.memref_slice %arg14[%add3A_112, %dma_start3A_118] : memref<10240x32xf32, #tpu.memory_space<vmem_shared>> -> memref<160x32xf32, #tpu.memory_space<vmem_shared>>
        tpu.enqueue_dma source(%dma_start3A_119 : memref<160x32xf32, #tpu.memory_space<vmem_shared>>) target(%arg22 : memref<160x32xf32, #tpu.memory_space<vmem>>) target_semaphore(%run_scoped3A : memref<!tpu.dma_semaphore, #tpu.memory_space<semaphore_mem>>)
        %dma_wait3A = arith.constant 0 : i32
        %dma_wait3A_120 = tpu.memref_slice %arg14[%add3A_112, %dma_wait3A] : memref<10240x32xf32, #tpu.memory_space<vmem_shared>> -> memref<160x32xf32, #tpu.memory_space<vmem_shared>>
        %dma_wait3A_121 = arith.constant 0 : i32
        %dma_wait3A_122 = tpu.memref_slice %arg14[%add3A_112, %dma_wait3A_121] : memref<10240x32xf32, #tpu.memory_space<vmem_shared>> -> memref<160x32xf32, #tpu.memory_space<vmem_shared>>
        tpu.wait_dma2 semaphore(%run_scoped3A : memref<!tpu.dma_semaphore, #tpu.memory_space<semaphore_mem>>) src(%dma_wait3A_122 : memref<160x32xf32, #tpu.memory_space<vmem_shared>>) dst(%arg22 : memref<160x32xf32, #tpu.memory_space<vmem>>)
        tpu.yield
      }) : () -> ()
      %mul3A_113 = arith.constant 160 : i32
      %mul3A_114 = arith.muli %scan3A_102, %mul3A_113 : i32
      %add3A_115 = arith.addi %mul3A_0, %mul3A_114 : i32
      "tpu.region"() ({
        %run_scoped3A = tpu.sem_alloc : memref<!tpu.dma_semaphore, #tpu.memory_space<semaphore_mem>>
        %dma_start3A = arith.constant 0 : i32
        %dma_start3A_117 = tpu.memref_slice %arg9[%arg0, %add3A_115, %dma_start3A] : memref<2x10240x32xf32, #tpu.memory_space<hbm>> -> memref<1x160x32xf32, #tpu.memory_space<hbm>>
        %dma_start3A_118 = tpu.memref_squeeze %dma_start3A_117 : memref<1x160x32xf32, #tpu.memory_space<hbm>> -> memref<160x32xf32, #tpu.memory_space<hbm>>
        %dma_start3A_119 = arith.constant 0 : i32
        %dma_start3A_120 = tpu.memref_slice %arg9[%arg0, %add3A_115, %dma_start3A_119] : memref<2x10240x32xf32, #tpu.memory_space<hbm>> -> memref<1x160x32xf32, #tpu.memory_space<hbm>>
        %dma_start3A_121 = tpu.memref_squeeze %dma_start3A_120 : memref<1x160x32xf32, #tpu.memory_space<hbm>> -> memref<160x32xf32, #tpu.memory_space<hbm>>
        tpu.enqueue_dma source(%arg22 : memref<160x32xf32, #tpu.memory_space<vmem>>) target(%dma_start3A_121 : memref<160x32xf32, #tpu.memory_space<hbm>>) target_semaphore(%run_scoped3A : memref<!tpu.dma_semaphore, #tpu.memory_space<semaphore_mem>>)
        %dma_wait3A = arith.constant 0 : i32
        %dma_wait3A_122 = tpu.memref_slice %arg9[%arg0, %add3A_115, %dma_wait3A] : memref<2x10240x32xf32, #tpu.memory_space<hbm>> -> memref<1x160x32xf32, #tpu.memory_space<hbm>>
        %dma_wait3A_123 = tpu.memref_squeeze %dma_wait3A_122 : memref<1x160x32xf32, #tpu.memory_space<hbm>> -> memref<160x32xf32, #tpu.memory_space<hbm>>
        %dma_wait3A_124 = arith.constant 0 : i32
        %dma_wait3A_125 = tpu.memref_slice %arg9[%arg0, %add3A_115, %dma_wait3A_124] : memref<2x10240x32xf32, #tpu.memory_space<hbm>> -> memref<1x160x32xf32, #tpu.memory_space<hbm>>
        %dma_wait3A_126 = tpu.memref_squeeze %dma_wait3A_125 : memref<1x160x32xf32, #tpu.memory_space<hbm>> -> memref<160x32xf32, #tpu.memory_space<hbm>>
        tpu.wait_dma2 semaphore(%run_scoped3A : memref<!tpu.dma_semaphore, #tpu.memory_space<semaphore_mem>>) src(%arg22 : memref<160x32xf32, #tpu.memory_space<vmem>>) dst(%dma_wait3A_126 : memref<160x32xf32, #tpu.memory_space<hbm>>)
        tpu.yield
      }) : () -> ()
      %scan3A_116 = arith.constant 0 : i32
      scf.yield %scan3A_116 : i32
    }
    %scan3A_101 = arith.constant 4 : i32
    "tpu.region"() ({
      %run_scoped3A = tpu.sem_alloc : memref<!tpu.dma_semaphore, #tpu.memory_space<semaphore_mem>>
      %dma_start3A = tpu.memref_slice %arg10[%arg0, %mul3A_0] : memref<2x10240xf32, #tpu.memory_space<hbm>> -> memref<1x640xf32, #tpu.memory_space<hbm>>
      %dma_start3A_102 = tpu.memref_squeeze %dma_start3A : memref<1x640xf32, #tpu.memory_space<hbm>> -> memref<640xf32, #tpu.memory_space<hbm>>
      %dma_start3A_103 = tpu.memref_slice %arg10[%arg0, %mul3A_0] : memref<2x10240xf32, #tpu.memory_space<hbm>> -> memref<1x640xf32, #tpu.memory_space<hbm>>
      %dma_start3A_104 = tpu.memref_squeeze %dma_start3A_103 : memref<1x640xf32, #tpu.memory_space<hbm>> -> memref<640xf32, #tpu.memory_space<hbm>>
      tpu.enqueue_dma source(%arg24 : memref<640xf32, #tpu.memory_space<vmem>>) target(%dma_start3A_104 : memref<640xf32, #tpu.memory_space<hbm>>) target_semaphore(%run_scoped3A : memref<!tpu.dma_semaphore, #tpu.memory_space<semaphore_mem>>)
      %dma_wait3A = tpu.memref_slice %arg10[%arg0, %mul3A_0] : memref<2x10240xf32, #tpu.memory_space<hbm>> -> memref<1x640xf32, #tpu.memory_space<hbm>>
      %dma_wait3A_105 = tpu.memref_squeeze %dma_wait3A : memref<1x640xf32, #tpu.memory_space<hbm>> -> memref<640xf32, #tpu.memory_space<hbm>>
      %dma_wait3A_106 = tpu.memref_slice %arg10[%arg0, %mul3A_0] : memref<2x10240xf32, #tpu.memory_space<hbm>> -> memref<1x640xf32, #tpu.memory_space<hbm>>
      %dma_wait3A_107 = tpu.memref_squeeze %dma_wait3A_106 : memref<1x640xf32, #tpu.memory_space<hbm>> -> memref<640xf32, #tpu.memory_space<hbm>>
      tpu.wait_dma2 semaphore(%run_scoped3A : memref<!tpu.dma_semaphore, #tpu.memory_space<semaphore_mem>>) src(%arg24 : memref<640xf32, #tpu.memory_space<vmem>>) dst(%dma_wait3A_107 : memref<640xf32, #tpu.memory_space<hbm>>)
      tpu.yield
    }) : () -> ()
    "tpu.region"() ({
      %run_scoped3A = tpu.sem_alloc : memref<!tpu.dma_semaphore, #tpu.memory_space<semaphore_mem>>
      %dma_start3A = tpu.memref_slice %arg11[%arg0, %mul3A_0] : memref<2x10240xf32, #tpu.memory_space<hbm>> -> memref<1x640xf32, #tpu.memory_space<hbm>>
      %dma_start3A_102 = tpu.memref_squeeze %dma_start3A : memref<1x640xf32, #tpu.memory_space<hbm>> -> memref<640xf32, #tpu.memory_space<hbm>>
      %dma_start3A_103 = tpu.memref_slice %arg11[%arg0, %mul3A_0] : memref<2x10240xf32, #tpu.memory_space<hbm>> -> memref<1x640xf32, #tpu.memory_space<hbm>>
      %dma_start3A_104 = tpu.memref_squeeze %dma_start3A_103 : memref<1x640xf32, #tpu.memory_space<hbm>> -> memref<640xf32, #tpu.memory_space<hbm>>
      tpu.enqueue_dma source(%arg25 : memref<640xf32, #tpu.memory_space<vmem>>) target(%dma_start3A_104 : memref<640xf32, #tpu.memory_space<hbm>>) target_semaphore(%run_scoped3A : memref<!tpu.dma_semaphore, #tpu.memory_space<semaphore_mem>>)
      %dma_wait3A = tpu.memref_slice %arg11[%arg0, %mul3A_0] : memref<2x10240xf32, #tpu.memory_space<hbm>> -> memref<1x640xf32, #tpu.memory_space<hbm>>
      %dma_wait3A_105 = tpu.memref_squeeze %dma_wait3A : memref<1x640xf32, #tpu.memory_space<hbm>> -> memref<640xf32, #tpu.memory_space<hbm>>
      %dma_wait3A_106 = tpu.memref_slice %arg11[%arg0, %mul3A_0] : memref<2x10240xf32, #tpu.memory_space<hbm>> -> memref<1x640xf32, #tpu.memory_space<hbm>>
      %dma_wait3A_107 = tpu.memref_squeeze %dma_wait3A_106 : memref<1x640xf32, #tpu.memory_space<hbm>> -> memref<640xf32, #tpu.memory_space<hbm>>
      tpu.wait_dma2 semaphore(%run_scoped3A : memref<!tpu.dma_semaphore, #tpu.memory_space<semaphore_mem>>) src(%arg25 : memref<640xf32, #tpu.memory_space<vmem>>) dst(%dma_wait3A_107 : memref<640xf32, #tpu.memory_space<hbm>>)
      tpu.yield
    }) : () -> ()
    return
  }
}

module attributes {stable_mosaic.version = 14 : i64} {
  func.func @_front_body(%arg0: memref<10000x128xf32, #tpu.memory_space<vmem>>, %arg1: memref<10000x128xf32, #tpu.memory_space<vmem>>, %arg2: memref<128x32xf32, #tpu.memory_space<vmem>>, %arg3: memref<128x32xf32, #tpu.memory_space<vmem>>, %arg4: memref<2x10240x32xf32, #tpu.memory_space<vmem>>, %arg5: memref<2x10240x32xf32, #tpu.memory_space<vmem>>) attributes {dimension_semantics = [], scalar_prefetch = 0 : i64, scratch_operands = 0 : i64, tpu.core_type = #tpu.core_type<tc>} {
    %get3A = arith.constant 0 : index
    %get3A_0 = arith.constant 0 : index
    %get3A_1 = vector.load %arg2[%get3A, %get3A_0] : memref<128x32xf32, #tpu.memory_space<vmem>>, vector<128x32xf32>
    %get3A_2 = arith.constant 0 : index
    %get3A_3 = arith.constant 0 : index
    %get3A_4 = vector.load %arg3[%get3A_2, %get3A_3] : memref<128x32xf32, #tpu.memory_space<vmem>>, vector<128x32xf32>
    %broadcast_in_dim3A = arith.constant 0.000000e+00 : f32
    %broadcast_in_dim3A_5 = vector.broadcast %broadcast_in_dim3A : f32 to vector<240x32xf32>
    %get3A_6 = arith.constant 0 : index
    %get3A_7 = arith.constant 0 : index
    %get3A_8 = vector.load %arg0[%get3A_6, %get3A_7] : memref<10000x128xf32, #tpu.memory_space<vmem>>, vector<10000x128xf32>
    %dot_general3A = arith.constant dense<0.000000e+00> : vector<10000x32xf32>
    %dot_general3A_9 = tpu.matmul %get3A_8, %get3A_1, %dot_general3A {dimension_numbers = #tpu.dot_dimension_numbers<[1], [0], [0], [1], [0, 0, 1, 1], [], []>, transpose_lhs_hint = false} : vector<10000x128xf32>, vector<128x32xf32>, vector<10000x32xf32> -> vector<10000x32xf32>
    %swap3A = arith.constant 0 : index
    %swap3A_10 = arith.constant 0 : index
    %swap3A_11 = arith.constant 0 : index
    %swap3A_12 = vector.load %arg4[%swap3A, %swap3A_10, %swap3A_11] : memref<2x10240x32xf32, #tpu.memory_space<vmem>>, vector<1x10000x32xf32>
    %swap3A_13 = vector.shape_cast %swap3A_12 : vector<1x10000x32xf32> to vector<10000x32xf32>
    %swap3A_14 = vector.shape_cast %dot_general3A_9 : vector<10000x32xf32> to vector<1x10000x32xf32>
    tpu.vector_store %arg4[%swap3A, %swap3A_10, %swap3A_11], %swap3A_14 {strides = array<i32>} : memref<2x10240x32xf32, #tpu.memory_space<vmem>>, vector<1x10000x32xf32>,
    %swap3A_15 = arith.constant 0 : index
    %swap3A_16 = arith.constant 10000 : index
    %swap3A_17 = arith.constant 0 : index
    %swap3A_18 = vector.load %arg4[%swap3A_15, %swap3A_16, %swap3A_17] : memref<2x10240x32xf32, #tpu.memory_space<vmem>>, vector<1x240x32xf32>
    %swap3A_19 = vector.shape_cast %swap3A_18 : vector<1x240x32xf32> to vector<240x32xf32>
    %swap3A_20 = vector.shape_cast %broadcast_in_dim3A_5 : vector<240x32xf32> to vector<1x240x32xf32>
    tpu.vector_store %arg4[%swap3A_15, %swap3A_16, %swap3A_17], %swap3A_20 {strides = array<i32>} : memref<2x10240x32xf32, #tpu.memory_space<vmem>>, vector<1x240x32xf32>,
    %dot_general3A_21 = arith.constant dense<0.000000e+00> : vector<10000x32xf32>
    %dot_general3A_22 = tpu.matmul %get3A_8, %get3A_4, %dot_general3A_21 {dimension_numbers = #tpu.dot_dimension_numbers<[1], [0], [0], [1], [0, 0, 1, 1], [], []>, transpose_lhs_hint = false} : vector<10000x128xf32>, vector<128x32xf32>, vector<10000x32xf32> -> vector<10000x32xf32>
    %swap3A_23 = arith.constant 0 : index
    %swap3A_24 = arith.constant 0 : index
    %swap3A_25 = arith.constant 0 : index
    %swap3A_26 = vector.load %arg5[%swap3A_23, %swap3A_24, %swap3A_25] : memref<2x10240x32xf32, #tpu.memory_space<vmem>>, vector<1x10000x32xf32>
    %swap3A_27 = vector.shape_cast %swap3A_26 : vector<1x10000x32xf32> to vector<10000x32xf32>
    %swap3A_28 = vector.shape_cast %dot_general3A_22 : vector<10000x32xf32> to vector<1x10000x32xf32>
    tpu.vector_store %arg5[%swap3A_23, %swap3A_24, %swap3A_25], %swap3A_28 {strides = array<i32>} : memref<2x10240x32xf32, #tpu.memory_space<vmem>>, vector<1x10000x32xf32>,
    %swap3A_29 = arith.constant 0 : index
    %swap3A_30 = arith.constant 10000 : index
    %swap3A_31 = arith.constant 0 : index
    %swap3A_32 = vector.load %arg5[%swap3A_29, %swap3A_30, %swap3A_31] : memref<2x10240x32xf32, #tpu.memory_space<vmem>>, vector<1x240x32xf32>
    %swap3A_33 = vector.shape_cast %swap3A_32 : vector<1x240x32xf32> to vector<240x32xf32>
    %swap3A_34 = vector.shape_cast %broadcast_in_dim3A_5 : vector<240x32xf32> to vector<1x240x32xf32>
    tpu.vector_store %arg5[%swap3A_29, %swap3A_30, %swap3A_31], %swap3A_34 {strides = array<i32>} : memref<2x10240x32xf32, #tpu.memory_space<vmem>>, vector<1x240x32xf32>,
    %get3A_35 = arith.constant 0 : index
    %get3A_36 = arith.constant 0 : index
    %get3A_37 = vector.load %arg1[%get3A_35, %get3A_36] : memref<10000x128xf32, #tpu.memory_space<vmem>>, vector<10000x128xf32>
    %dot_general3A_38 = arith.constant dense<0.000000e+00> : vector<10000x32xf32>
    %dot_general3A_39 = tpu.matmul %get3A_37, %get3A_1, %dot_general3A_38 {dimension_numbers = #tpu.dot_dimension_numbers<[1], [0], [0], [1], [0, 0, 1, 1], [], []>, transpose_lhs_hint = false} : vector<10000x128xf32>, vector<128x32xf32>, vector<10000x32xf32> -> vector<10000x32xf32>
    %swap3A_40 = arith.constant 1 : index
    %swap3A_41 = arith.constant 0 : index
    %swap3A_42 = arith.constant 0 : index
    %swap3A_43 = vector.load %arg4[%swap3A_40, %swap3A_41, %swap3A_42] : memref<2x10240x32xf32, #tpu.memory_space<vmem>>, vector<1x10000x32xf32>
    %swap3A_44 = vector.shape_cast %swap3A_43 : vector<1x10000x32xf32> to vector<10000x32xf32>
    %swap3A_45 = vector.shape_cast %dot_general3A_39 : vector<10000x32xf32> to vector<1x10000x32xf32>
    tpu.vector_store %arg4[%swap3A_40, %swap3A_41, %swap3A_42], %swap3A_45 {strides = array<i32>} : memref<2x10240x32xf32, #tpu.memory_space<vmem>>, vector<1x10000x32xf32>,
    %swap3A_46 = arith.constant 1 : index
    %swap3A_47 = arith.constant 10000 : index
    %swap3A_48 = arith.constant 0 : index
    %swap3A_49 = vector.load %arg4[%swap3A_46, %swap3A_47, %swap3A_48] : memref<2x10240x32xf32, #tpu.memory_space<vmem>>, vector<1x240x32xf32>
    %swap3A_50 = vector.shape_cast %swap3A_49 : vector<1x240x32xf32> to vector<240x32xf32>
    %swap3A_51 = vector.shape_cast %broadcast_in_dim3A_5 : vector<240x32xf32> to vector<1x240x32xf32>
    tpu.vector_store %arg4[%swap3A_46, %swap3A_47, %swap3A_48], %swap3A_51 {strides = array<i32>} : memref<2x10240x32xf32, #tpu.memory_space<vmem>>, vector<1x240x32xf32>,
    %dot_general3A_52 = arith.constant dense<0.000000e+00> : vector<10000x32xf32>
    %dot_general3A_53 = tpu.matmul %get3A_37, %get3A_4, %dot_general3A_52 {dimension_numbers = #tpu.dot_dimension_numbers<[1], [0], [0], [1], [0, 0, 1, 1], [], []>, transpose_lhs_hint = false} : vector<10000x128xf32>, vector<128x32xf32>, vector<10000x32xf32> -> vector<10000x32xf32>
    %swap3A_54 = arith.constant 1 : index
    %swap3A_55 = arith.constant 0 : index
    %swap3A_56 = arith.constant 0 : index
    %swap3A_57 = vector.load %arg5[%swap3A_54, %swap3A_55, %swap3A_56] : memref<2x10240x32xf32, #tpu.memory_space<vmem>>, vector<1x10000x32xf32>
    %swap3A_58 = vector.shape_cast %swap3A_57 : vector<1x10000x32xf32> to vector<10000x32xf32>
    %swap3A_59 = vector.shape_cast %dot_general3A_53 : vector<10000x32xf32> to vector<1x10000x32xf32>
    tpu.vector_store %arg5[%swap3A_54, %swap3A_55, %swap3A_56], %swap3A_59 {strides = array<i32>} : memref<2x10240x32xf32, #tpu.memory_space<vmem>>, vector<1x10000x32xf32>,
    %swap3A_60 = arith.constant 1 : index
    %swap3A_61 = arith.constant 10000 : index
    %swap3A_62 = arith.constant 0 : index
    %swap3A_63 = vector.load %arg5[%swap3A_60, %swap3A_61, %swap3A_62] : memref<2x10240x32xf32, #tpu.memory_space<vmem>>, vector<1x240x32xf32>
    %swap3A_64 = vector.shape_cast %swap3A_63 : vector<1x240x32xf32> to vector<240x32xf32>
    %swap3A_65 = vector.shape_cast %broadcast_in_dim3A_5 : vector<240x32xf32> to vector<1x240x32xf32>
    tpu.vector_store %arg5[%swap3A_60, %swap3A_61, %swap3A_62], %swap3A_65 {strides = array<i32>} : memref<2x10240x32xf32, #tpu.memory_space<vmem>>, vector<1x240x32xf32>,
    return
  }
}

module attributes {stable_mosaic.version = 14 : i64} {
  func.func @_finish_body(%arg0: i32, %arg1: i32, %arg2: memref<1x2048x32xf32, #tpu.memory_space<vmem>>, %arg3: memref<1x2048x32xf32, #tpu.memory_space<vmem>>, %arg4: memref<1x1x2048xf32, #tpu.memory_space<vmem>>, %arg5: memref<1x1x2048xf32, #tpu.memory_space<vmem>>, %arg6: memref<1x1x2048xi32, #tpu.memory_space<vmem>>, %arg7: memref<32x128xf32, #tpu.memory_space<vmem>>, %arg8: memref<128xf32, #tpu.memory_space<vmem>>, %arg9: memref<32x128xf32, #tpu.memory_space<vmem>>, %arg10: memref<128xf32, #tpu.memory_space<vmem>>, %arg11: memref<1024x128xf32, #tpu.memory_space<vmem>>, %arg12: memref<128x128xf32, #tpu.memory_space<vmem>>, %arg13: memref<128xf32, #tpu.memory_space<vmem>>, %arg14: memref<1024xi32, #tpu.memory_space<vmem>>, %arg15: memref<1024xi32, #tpu.memory_space<vmem>>, %arg16: memref<1024xf32, #tpu.memory_space<vmem>>, %arg17: memref<1024xf32, #tpu.memory_space<vmem>>, %arg18: memref<1024x128xf32, #tpu.memory_space<vmem>>, %arg19: memref<1024xf32, #tpu.memory_space<vmem>>, %arg20: memref<1024x128xf32, #tpu.memory_space<vmem>>) attributes {dimension_semantics = [#tpu.dimension_semantics<arbitrary>, #tpu.dimension_semantics<arbitrary>], iteration_bounds = array<i64: 2, 5>, scalar_prefetch = 0 : i64, scratch_operands = 3 : i64, tpu.core_type = #tpu.core_type<tc>, window_params = [{transform_indices = @transform_0, window_bounds = array<i64: 1, 2048, 32>}, {transform_indices = @transform_1, window_bounds = array<i64: 1, 2048, 32>}, {transform_indices = @transform_2, window_bounds = array<i64: 1, 1, 2048>}, {transform_indices = @transform_3, window_bounds = array<i64: 1, 1, 2048>}, {transform_indices = @transform_4, window_bounds = array<i64: 1, 1, 2048>}, {pipeline_mode = #tpu.pipeline_mode<synchronous>, transform_indices = @transform_5, window_bounds = array<i64: 32, 128>}, {pipeline_mode = #tpu.pipeline_mode<synchronous>, transform_indices = @transform_6, window_bounds = array<i64: 128>}, {pipeline_mode = #tpu.pipeline_mode<synchronous>, transform_indices = @transform_7, window_bounds = array<i64: 32, 128>}, {pipeline_mode = #tpu.pipeline_mode<synchronous>, transform_indices = @transform_8, window_bounds = array<i64: 128>}, {pipeline_mode = #tpu.pipeline_mode<synchronous>, transform_indices = @transform_9, window_bounds = array<i64: 1024, 128>}, {pipeline_mode = #tpu.pipeline_mode<synchronous>, transform_indices = @transform_10, window_bounds = array<i64: 128, 128>}, {pipeline_mode = #tpu.pipeline_mode<synchronous>, transform_indices = @transform_11, window_bounds = array<i64: 128>}, {pipeline_mode = #tpu.pipeline_mode<synchronous>, transform_indices = @transform_12, window_bounds = array<i64: 1024>}, {pipeline_mode = #tpu.pipeline_mode<synchronous>, transform_indices = @transform_13, window_bounds = array<i64: 1024>}, {pipeline_mode = #tpu.pipeline_mode<synchronous>, transform_indices = @transform_14, window_bounds = array<i64: 1024>}, {pipeline_mode = #tpu.pipeline_mode<synchronous>, transform_indices = @transform_15, window_bounds = array<i64: 1024>}]} {
    %eq3A = arith.constant 0 : i32
    %eq3A_0 = arith.cmpi eq, %arg1, %eq3A : i32
    %convert_element_type3A = arith.extui %eq3A_0 : i1 to i32
    %cond3A = arith.constant 0 : i32
    %cond3A_1 = arith.cmpi ne, %convert_element_type3A, %cond3A : i32
    scf.if %cond3A_1 {
      %broadcast_in_dim3A_100 = arith.constant 0.000000e+00 : f32
      %broadcast_in_dim3A_101 = vector.broadcast %broadcast_in_dim3A_100 : f32 to vector<1024x128xf32>
      %swap3A_102 = arith.constant 0 : index
      %swap3A_103 = arith.constant 0 : index
      %swap3A_104 = vector.load %arg18[%swap3A_102, %swap3A_103] : memref<1024x128xf32, #tpu.memory_space<vmem>>, vector<1024x128xf32>
      tpu.vector_store %arg18[%swap3A_102, %swap3A_103], %broadcast_in_dim3A_101 {strides = array<i32>} : memref<1024x128xf32, #tpu.memory_space<vmem>>, vector<1024x128xf32>,
      %broadcast_in_dim3A_105 = arith.constant 0.000000e+00 : f32
      %broadcast_in_dim3A_106 = vector.broadcast %broadcast_in_dim3A_105 : f32 to vector<1024xf32>
      %swap3A_107 = arith.constant 0 : index
      %swap3A_108 = vector.load %arg19[%swap3A_107] : memref<1024xf32, #tpu.memory_space<vmem>>, vector<1024xf32>
      tpu.vector_store %arg19[%swap3A_107], %broadcast_in_dim3A_106 {strides = array<i32>} : memref<1024xf32, #tpu.memory_space<vmem>>, vector<1024xf32>,
    } else {
    }
    %get3A = arith.constant 0 : index
    %get3A_2 = arith.constant 0 : index
    %get3A_3 = arith.constant 0 : index
    %get3A_4 = vector.load %arg4[%get3A, %get3A_2, %get3A_3] : memref<1x1x2048xf32, #tpu.memory_space<vmem>>, vector<1x1x2048xf32>
    %get3A_5 = vector.shape_cast %get3A_4 : vector<1x1x2048xf32> to vector<2048xf32>
    %get3A_6 = arith.constant 0 : index
    %get3A_7 = arith.constant 0 : index
    %get3A_8 = arith.constant 0 : index
    %get3A_9 = vector.load %arg5[%get3A_6, %get3A_7, %get3A_8] : memref<1x1x2048xf32, #tpu.memory_space<vmem>>, vector<1x1x2048xf32>
    %get3A_10 = vector.shape_cast %get3A_9 : vector<1x1x2048xf32> to vector<2048xf32>
    %get3A_11 = arith.constant 0 : index
    %get3A_12 = arith.constant 0 : index
    %get3A_13 = arith.constant 0 : index
    %get3A_14 = vector.load %arg2[%get3A_11, %get3A_12, %get3A_13] : memref<1x2048x32xf32, #tpu.memory_space<vmem>>, vector<1x2048x32xf32>
    %get3A_15 = vector.shape_cast %get3A_14 : vector<1x2048x32xf32> to vector<2048x32xf32>
    %max3A = arith.constant 1.000000e+00 : f32
    %max3A_16 = vector.broadcast %max3A : f32 to vector<2048xf32>
    %max3A_17 = arith.maximumf %get3A_5, %max3A_16 : vector<2048xf32>
    %div3A = arith.constant 1.000000e+00 : f32
    %div3A_18 = vector.broadcast %div3A : f32 to vector<2048xf32>
    %div3A_19 = arith.divf %div3A_18, %max3A_17 : vector<2048xf32>
    %broadcast_in_dim3A = vector.shape_cast %div3A_19 : vector<2048xf32> to vector<2048x1xf32>
    %mul3A = vector.broadcast %broadcast_in_dim3A : vector<2048x1xf32> to vector<2048x32xf32>
    %mul3A_20 = arith.mulf %get3A_15, %mul3A : vector<2048x32xf32>
    %get3A_21 = arith.constant 0 : index
    %get3A_22 = arith.constant 0 : index
    %get3A_23 = arith.constant 0 : index
    %get3A_24 = vector.load %arg3[%get3A_21, %get3A_22, %get3A_23] : memref<1x2048x32xf32, #tpu.memory_space<vmem>>, vector<1x2048x32xf32>
    %get3A_25 = vector.shape_cast %get3A_24 : vector<1x2048x32xf32> to vector<2048x32xf32>
    %max3A_26 = arith.constant 1.000000e+00 : f32
    %max3A_27 = vector.broadcast %max3A_26 : f32 to vector<2048xf32>
    %max3A_28 = arith.maximumf %get3A_10, %max3A_27 : vector<2048xf32>
    %div3A_29 = arith.constant 1.000000e+00 : f32
    %div3A_30 = vector.broadcast %div3A_29 : f32 to vector<2048xf32>
    %div3A_31 = arith.divf %div3A_30, %max3A_28 : vector<2048xf32>
    %broadcast_in_dim3A_32 = vector.shape_cast %div3A_31 : vector<2048xf32> to vector<2048x1xf32>
    %mul3A_33 = vector.broadcast %broadcast_in_dim3A_32 : vector<2048x1xf32> to vector<2048x32xf32>
    %mul3A_34 = arith.mulf %get3A_25, %mul3A_33 : vector<2048x32xf32>
    %get3A_35 = arith.constant 0 : index
    %get3A_36 = arith.constant 0 : index
    %get3A_37 = vector.load %arg7[%get3A_35, %get3A_36] : memref<32x128xf32, #tpu.memory_space<vmem>>, vector<32x128xf32>
    %dot_general3A = arith.constant dense<0.000000e+00> : vector<2048x128xf32>
    %dot_general3A_38 = tpu.matmul %mul3A_20, %get3A_37, %dot_general3A {dimension_numbers = #tpu.dot_dimension_numbers<[1], [0], [0], [1], [0, 0, 1, 1], [], []>, transpose_lhs_hint = false} : vector<2048x32xf32>, vector<32x128xf32>, vector<2048x128xf32> -> vector<2048x128xf32>
    %get3A_39 = arith.constant 0 : index
    %get3A_40 = arith.constant 0 : index
    %get3A_41 = vector.load %arg9[%get3A_39, %get3A_40] : memref<32x128xf32, #tpu.memory_space<vmem>>, vector<32x128xf32>
    %dot_general3A_42 = arith.constant dense<0.000000e+00> : vector<2048x128xf32>
    %dot_general3A_43 = tpu.matmul %mul3A_34, %get3A_41, %dot_general3A_42 {dimension_numbers = #tpu.dot_dimension_numbers<[1], [0], [0], [1], [0, 0, 1, 1], [], []>, transpose_lhs_hint = false} : vector<2048x32xf32>, vector<32x128xf32>, vector<2048x128xf32> -> vector<2048x128xf32>
    %add3A = arith.addf %dot_general3A_38, %dot_general3A_43 : vector<2048x128xf32>
    %get3A_44 = arith.constant 0 : index
    %get3A_45 = vector.load %arg8[%get3A_44] : memref<128xf32, #tpu.memory_space<vmem>>, vector<128xf32>
    %broadcast_in_dim3A_46 = vector.shape_cast %get3A_45 : vector<128xf32> to vector<1x128xf32>
    %add3A_47 = vector.broadcast %broadcast_in_dim3A_46 : vector<1x128xf32> to vector<2048x128xf32>
    %add3A_48 = arith.addf %add3A, %add3A_47 : vector<2048x128xf32>
    %get3A_49 = arith.constant 0 : index
    %get3A_50 = vector.load %arg10[%get3A_49] : memref<128xf32, #tpu.memory_space<vmem>>, vector<128xf32>
    %broadcast_in_dim3A_51 = vector.shape_cast %get3A_50 : vector<128xf32> to vector<1x128xf32>
    %add3A_52 = vector.broadcast %broadcast_in_dim3A_51 : vector<1x128xf32> to vector<2048x128xf32>
    %add3A_53 = arith.addf %add3A_48, %add3A_52 : vector<2048x128xf32>
    %max3A_54 = arith.constant 0.000000e+00 : f32
    %max3A_55 = vector.broadcast %max3A_54 : f32 to vector<2048x128xf32>
    %max3A_56 = arith.maximumf %add3A_53, %max3A_55 : vector<2048x128xf32>
    %get3A_57 = arith.constant 0 : index
    %get3A_58 = arith.constant 0 : index
    %get3A_59 = arith.constant 0 : index
    %get3A_60 = vector.load %arg6[%get3A_57, %get3A_58, %get3A_59] : memref<1x1x2048xi32, #tpu.memory_space<vmem>>, vector<1x1x2048xi32>
    %get3A_61 = vector.shape_cast %get3A_60 : vector<1x1x2048xi32> to vector<2048xi32>
    %broadcast_in_dim3A_62 = vector.shape_cast %get3A_61 : vector<2048xi32> to vector<2048x1xi32>
    %iota3A = tpu.iota {dimensions = array<i32: 1>} : vector<2048x1024xi32>
    %eq3A_63 = vector.broadcast %broadcast_in_dim3A_62 : vector<2048x1xi32> to vector<2048x1024xi32>
    %eq3A_64 = arith.cmpi eq, %eq3A_63, %iota3A : vector<2048x1024xi32>
    %convert_element_type3A_65 = arith.extui %eq3A_64 : vector<2048x1024xi1> to vector<2048x1024xi32>
    %convert_element_type3A_66 = arith.sitofp %convert_element_type3A_65 : vector<2048x1024xi32> to vector<2048x1024xf32>
    %convert_element_type3A_67 = arith.truncf %convert_element_type3A_66 : vector<2048x1024xf32> to vector<2048x1024xbf16>
    %get3A_68 = arith.constant 0 : index
    %get3A_69 = arith.constant 0 : index
    %get3A_70 = vector.load %arg18[%get3A_68, %get3A_69] : memref<1024x128xf32, #tpu.memory_space<vmem>>, vector<1024x128xf32>
    %convert_element_type3A_71 = arith.truncf %max3A_56 : vector<2048x128xf32> to vector<2048x128xbf16>
    %dot_general3A_72 = arith.constant dense<0.000000e+00> : vector<1024x128xf32>
    %dot_general3A_73 = tpu.matmul %convert_element_type3A_67, %convert_element_type3A_71, %dot_general3A_72 {dimension_numbers = #tpu.dot_dimension_numbers<[0], [0], [1], [1], [0, 1, 1, 1], [], []>, transpose_lhs_hint = false} : vector<2048x1024xbf16>, vector<2048x128xbf16>, vector<1024x128xf32> -> vector<1024x128xf32>
    %add3A_74 = arith.addf %get3A_70, %dot_general3A_73 : vector<1024x128xf32>
    %swap3A = arith.constant 0 : index
    %swap3A_75 = arith.constant 0 : index
    %swap3A_76 = vector.load %arg18[%swap3A, %swap3A_75] : memref<1024x128xf32, #tpu.memory_space<vmem>>, vector<1024x128xf32>
    tpu.vector_store %arg18[%swap3A, %swap3A_75], %add3A_74 {strides = array<i32>} : memref<1024x128xf32, #tpu.memory_space<vmem>>, vector<1024x128xf32>,
    %get3A_77 = arith.constant 0 : index
    %get3A_78 = vector.load %arg19[%get3A_77] : memref<1024xf32, #tpu.memory_space<vmem>>, vector<1024xf32>
    %convert_element_type3A_79 = arith.extui %eq3A_64 : vector<2048x1024xi1> to vector<2048x1024xi32>
    %convert_element_type3A_80 = arith.sitofp %convert_element_type3A_79 : vector<2048x1024xi32> to vector<2048x1024xf32>
    %reduce_sum3A = arith.constant dense<0.000000e+00> : vector<1024xf32>
    %reduce_sum3A_81 = vector.multi_reduction <add>, %convert_element_type3A_80, %reduce_sum3A [0] : vector<2048x1024xf32> to vector<1024xf32>
    %add3A_82 = arith.addf %get3A_78, %reduce_sum3A_81 : vector<1024xf32>
    %swap3A_83 = arith.constant 0 : index
    %swap3A_84 = vector.load %arg19[%swap3A_83] : memref<1024xf32, #tpu.memory_space<vmem>>, vector<1024xf32>
    tpu.vector_store %arg19[%swap3A_83], %add3A_82 {strides = array<i32>} : memref<1024xf32, #tpu.memory_space<vmem>>, vector<1024xf32>,
    %eq3A_85 = arith.constant 0 : i32
    %eq3A_86 = arith.cmpi eq, %arg0, %eq3A_85 : i32
    %eq3A_87 = arith.constant 4 : i32
    %eq3A_88 = arith.cmpi eq, %arg1, %eq3A_87 : i32
    %and3A = arith.andi %eq3A_86, %eq3A_88 : i1
    %convert_element_type3A_89 = arith.extui %and3A : i1 to i32
    %cond3A_90 = arith.constant 0 : i32
    %cond3A_91 = arith.cmpi ne, %convert_element_type3A_89, %cond3A_90 : i32
    scf.if %cond3A_91 {
      %get3A_100 = arith.constant 0 : index
      %get3A_101 = arith.constant 0 : index
      %get3A_102 = vector.load %arg18[%get3A_100, %get3A_101] : memref<1024x128xf32, #tpu.memory_space<vmem>>, vector<1024x128xf32>
      %get3A_103 = arith.constant 0 : index
      %get3A_104 = vector.load %arg19[%get3A_103] : memref<1024xf32, #tpu.memory_space<vmem>>, vector<1024xf32>
      %max3A_105 = arith.constant 1.000000e+00 : f32
      %max3A_106 = vector.broadcast %max3A_105 : f32 to vector<1024xf32>
      %max3A_107 = arith.maximumf %get3A_104, %max3A_106 : vector<1024xf32>
      %div3A_108 = arith.constant 1.000000e+00 : f32
      %div3A_109 = vector.broadcast %div3A_108 : f32 to vector<1024xf32>
      %div3A_110 = arith.divf %div3A_109, %max3A_107 : vector<1024xf32>
      %broadcast_in_dim3A_111 = vector.shape_cast %div3A_110 : vector<1024xf32> to vector<1024x1xf32>
      %mul3A_112 = vector.broadcast %broadcast_in_dim3A_111 : vector<1024x1xf32> to vector<1024x128xf32>
      %mul3A_113 = arith.mulf %get3A_102, %mul3A_112 : vector<1024x128xf32>
      %swap3A_114 = arith.constant 0 : index
      %swap3A_115 = arith.constant 0 : index
      %swap3A_116 = vector.load %arg20[%swap3A_114, %swap3A_115] : memref<1024x128xf32, #tpu.memory_space<vmem>>, vector<1024x128xf32>
      tpu.vector_store %arg20[%swap3A_114, %swap3A_115], %mul3A_113 {strides = array<i32>} : memref<1024x128xf32, #tpu.memory_space<vmem>>, vector<1024x128xf32>,
    } else {
    }
    %eq3A_92 = arith.constant 1 : i32
    %eq3A_93 = arith.cmpi eq, %arg0, %eq3A_92 : i32
    %eq3A_94 = arith.constant 4 : i32
    %eq3A_95 = arith.cmpi eq, %arg1, %eq3A_94 : i32
    %and3A_96 = arith.andi %eq3A_93, %eq3A_95 : i1
    %convert_element_type3A_97 = arith.extui %and3A_96 : i1 to i32
    %cond3A_98 = arith.constant 0 : i32
    %cond3A_99 = arith.cmpi ne, %convert_element_type3A_97, %cond3A_98 : i32
    scf.if %cond3A_99 {
      %get3A_100 = arith.constant 0 : index
      %get3A_101 = arith.constant 0 : index
      %get3A_102 = vector.load %arg18[%get3A_100, %get3A_101] : memref<1024x128xf32, #tpu.memory_space<vmem>>, vector<1024x128xf32>
      %get3A_103 = arith.constant 0 : index
      %get3A_104 = vector.load %arg19[%get3A_103] : memref<1024xf32, #tpu.memory_space<vmem>>, vector<1024xf32>
      %max3A_105 = arith.constant 1.000000e+00 : f32
      %max3A_106 = vector.broadcast %max3A_105 : f32 to vector<1024xf32>
      %max3A_107 = arith.maximumf %get3A_104, %max3A_106 : vector<1024xf32>
      %div3A_108 = arith.constant 1.000000e+00 : f32
      %div3A_109 = vector.broadcast %div3A_108 : f32 to vector<1024xf32>
      %div3A_110 = arith.divf %div3A_109, %max3A_107 : vector<1024xf32>
      %broadcast_in_dim3A_111 = vector.shape_cast %div3A_110 : vector<1024xf32> to vector<1024x1xf32>
      %mul3A_112 = vector.broadcast %broadcast_in_dim3A_111 : vector<1024x1xf32> to vector<1024x128xf32>
      %mul3A_113 = arith.mulf %get3A_102, %mul3A_112 : vector<1024x128xf32>
      %get3A_114 = arith.constant 0 : index
      %get3A_115 = arith.constant 0 : index
      %get3A_116 = vector.load %arg20[%get3A_114, %get3A_115] : memref<1024x128xf32, #tpu.memory_space<vmem>>, vector<1024x128xf32>
      %get3A_117 = arith.constant 0 : index
      %get3A_118 = arith.constant 0 : index
      %get3A_119 = vector.load %arg11[%get3A_117, %get3A_118] : memref<1024x128xf32, #tpu.memory_space<vmem>>, vector<1024x128xf32>
      %get3A_120 = arith.constant 0 : index
      %get3A_121 = arith.constant 0 : index
      %get3A_122 = vector.load %arg12[%get3A_120, %get3A_121] : memref<128x128xf32, #tpu.memory_space<vmem>>, vector<128x128xf32>
      %dot_general3A_123 = arith.constant dense<0.000000e+00> : vector<1024x128xf32>
      %dot_general3A_124 = tpu.matmul %get3A_119, %get3A_122, %dot_general3A_123 {dimension_numbers = #tpu.dot_dimension_numbers<[1], [0], [0], [1], [0, 0, 1, 1], [], []>, transpose_lhs_hint = false} : vector<1024x128xf32>, vector<128x128xf32>, vector<1024x128xf32> -> vector<1024x128xf32>
      %get3A_125 = arith.constant 0 : index
      %get3A_126 = vector.load %arg13[%get3A_125] : memref<128xf32, #tpu.memory_space<vmem>>, vector<128xf32>
      %broadcast_in_dim3A_127 = vector.shape_cast %get3A_126 : vector<128xf32> to vector<1x128xf32>
      %add3A_128 = vector.broadcast %broadcast_in_dim3A_127 : vector<1x128xf32> to vector<1024x128xf32>
      %add3A_129 = arith.addf %dot_general3A_124, %add3A_128 : vector<1024x128xf32>
      %max3A_130 = arith.constant 0.000000e+00 : f32
      %max3A_131 = vector.broadcast %max3A_130 : f32 to vector<1024x128xf32>
      %max3A_132 = arith.maximumf %add3A_129, %max3A_131 : vector<1024x128xf32>
      %iota3A_133 = tpu.iota {dimensions = array<i32: 0>} : vector<1024x1xi32>
      %squeeze3A = vector.shape_cast %iota3A_133 : vector<1024x1xi32> to vector<1024xi32>
      %get3A_134 = arith.constant 0 : index
      %get3A_135 = vector.load %arg14[%get3A_134] : memref<1024xi32, #tpu.memory_space<vmem>>, vector<1024xi32>
      %get3A_136 = arith.constant 0 : index
      %get3A_137 = vector.load %arg15[%get3A_136] : memref<1024xi32, #tpu.memory_space<vmem>>, vector<1024xi32>
      %eq3A_138 = arith.constant 1 : i32
      %eq3A_139 = vector.broadcast %eq3A_138 : i32 to vector<1024xi32>
      %eq3A_140 = arith.cmpi eq, %get3A_135, %eq3A_139 : vector<1024xi32>
      %select_n3A = arith.select %eq3A_140, %get3A_137, %squeeze3A : vector<1024xi1>, vector<1024xi32>
      %eq3A_141 = arith.constant 0 : i32
      %eq3A_142 = vector.broadcast %eq3A_141 : i32 to vector<1024xi32>
      %eq3A_143 = arith.cmpi eq, %get3A_135, %eq3A_142 : vector<1024xi32>
      %select_n3A_144 = arith.select %eq3A_143, %get3A_137, %squeeze3A : vector<1024xi1>, vector<1024xi32>
      %iota3A_145 = tpu.iota {dimensions = array<i32: 1>} : vector<1024x1024xi32>
      %broadcast_in_dim3A_146 = vector.shape_cast %select_n3A : vector<1024xi32> to vector<1024x1xi32>
      %eq3A_147 = vector.broadcast %broadcast_in_dim3A_146 : vector<1024x1xi32> to vector<1024x1024xi32>
      %eq3A_148 = arith.cmpi eq, %eq3A_147, %iota3A_145 : vector<1024x1024xi32>
      %convert_element_type3A_149 = arith.extui %eq3A_148 : vector<1024x1024xi1> to vector<1024x1024xi32>
      %convert_element_type3A_150 = arith.sitofp %convert_element_type3A_149 : vector<1024x1024xi32> to vector<1024x1024xf32>
      %convert_element_type3A_151 = arith.truncf %convert_element_type3A_150 : vector<1024x1024xf32> to vector<1024x1024xbf16>
      %broadcast_in_dim3A_152 = vector.shape_cast %select_n3A_144 : vector<1024xi32> to vector<1024x1xi32>
      %eq3A_153 = vector.broadcast %broadcast_in_dim3A_152 : vector<1024x1xi32> to vector<1024x1024xi32>
      %eq3A_154 = arith.cmpi eq, %eq3A_153, %iota3A_145 : vector<1024x1024xi32>
      %convert_element_type3A_155 = arith.extui %eq3A_154 : vector<1024x1024xi1> to vector<1024x1024xi32>
      %convert_element_type3A_156 = arith.sitofp %convert_element_type3A_155 : vector<1024x1024xi32> to vector<1024x1024xf32>
      %convert_element_type3A_157 = arith.truncf %convert_element_type3A_156 : vector<1024x1024xf32> to vector<1024x1024xbf16>
      %convert_element_type3A_158 = arith.truncf %get3A_116 : vector<1024x128xf32> to vector<1024x128xbf16>
      %dot_general3A_159 = arith.constant dense<0.000000e+00> : vector<1024x128xf32>
      %dot_general3A_160 = tpu.matmul %convert_element_type3A_151, %convert_element_type3A_158, %dot_general3A_159 {dimension_numbers = #tpu.dot_dimension_numbers<[1], [0], [0], [1], [0, 0, 1, 1], [], []>, transpose_lhs_hint = false} : vector<1024x1024xbf16>, vector<1024x128xbf16>, vector<1024x128xf32> -> vector<1024x128xf32>
      %convert_element_type3A_161 = arith.truncf %mul3A_113 : vector<1024x128xf32> to vector<1024x128xbf16>
      %dot_general3A_162 = arith.constant dense<0.000000e+00> : vector<1024x128xf32>
      %dot_general3A_163 = tpu.matmul %convert_element_type3A_157, %convert_element_type3A_161, %dot_general3A_162 {dimension_numbers = #tpu.dot_dimension_numbers<[1], [0], [0], [1], [0, 0, 1, 1], [], []>, transpose_lhs_hint = false} : vector<1024x1024xbf16>, vector<1024x128xbf16>, vector<1024x128xf32> -> vector<1024x128xf32>
      %add3A_164 = arith.addf %get3A_116, %max3A_132 : vector<1024x128xf32>
      %sub3A = arith.subf %add3A_164, %mul3A_113 : vector<1024x128xf32>
      %add3A_165 = arith.addf %dot_general3A_160, %max3A_132 : vector<1024x128xf32>
      %sub3A_166 = arith.subf %add3A_165, %dot_general3A_163 : vector<1024x128xf32>
      %mul3A_167 = arith.mulf %sub3A, %sub3A : vector<1024x128xf32>
      %reduce_sum3A_168 = arith.constant dense<0.000000e+00> : vector<1024xf32>
      %reduce_sum3A_169 = vector.multi_reduction <add>, %mul3A_167, %reduce_sum3A_168 [1] : vector<1024x128xf32> to vector<1024xf32>
      %sqrt3A = math.sqrt %reduce_sum3A_169 : vector<1024xf32>
      %swap3A_170 = arith.constant 0 : index
      %swap3A_171 = vector.load %arg16[%swap3A_170] : memref<1024xf32, #tpu.memory_space<vmem>>, vector<1024xf32>
      tpu.vector_store %arg16[%swap3A_170], %sqrt3A {strides = array<i32>} : memref<1024xf32, #tpu.memory_space<vmem>>, vector<1024xf32>,
      %mul3A_172 = arith.mulf %sub3A_166, %sub3A_166 : vector<1024x128xf32>
      %reduce_sum3A_173 = arith.constant dense<0.000000e+00> : vector<1024xf32>
      %reduce_sum3A_174 = vector.multi_reduction <add>, %mul3A_172, %reduce_sum3A_173 [1] : vector<1024x128xf32> to vector<1024xf32>
      %sqrt3A_175 = math.sqrt %reduce_sum3A_174 : vector<1024xf32>
      %swap3A_176 = arith.constant 0 : index
      %swap3A_177 = vector.load %arg17[%swap3A_176] : memref<1024xf32, #tpu.memory_space<vmem>>, vector<1024xf32>
      tpu.vector_store %arg17[%swap3A_176], %sqrt3A_175 {strides = array<i32>} : memref<1024xf32, #tpu.memory_space<vmem>>, vector<1024xf32>,
    } else {
    }
    return
  }
  func.func @transform_0(%arg0: i32, %arg1: i32) -> (i32, i32, i32) {
    %c0_i32 = arith.constant 0 : i32
    %c0_i32_0 = arith.constant 0 : i32
    return %arg0, %arg1, %c0_i32 : i32, i32, i32
  }
  func.func @transform_1(%arg0: i32, %arg1: i32) -> (i32, i32, i32) {
    %c0_i32 = arith.constant 0 : i32
    %c0_i32_0 = arith.constant 0 : i32
    return %arg0, %arg1, %c0_i32 : i32, i32, i32
  }
  func.func @transform_2(%arg0: i32, %arg1: i32) -> (i32, i32, i32) {
    %mul3A = arith.constant 5 : i32
    %mul3A_0 = arith.muli %arg0, %mul3A : i32
    %add3A = arith.addi %mul3A_0, %arg1 : i32
    %c0_i32 = arith.constant 0 : i32
    %c0_i32_1 = arith.constant 0 : i32
    %c0_i32_2 = arith.constant 0 : i32
    return %add3A, %c0_i32, %c0_i32_1 : i32, i32, i32
  }
  func.func @transform_3(%arg0: i32, %arg1: i32) -> (i32, i32, i32) {
    %mul3A = arith.constant 5 : i32
    %mul3A_0 = arith.muli %arg0, %mul3A : i32
    %add3A = arith.addi %mul3A_0, %arg1 : i32
    %c0_i32 = arith.constant 0 : i32
    %c0_i32_1 = arith.constant 0 : i32
    %c0_i32_2 = arith.constant 0 : i32
    return %add3A, %c0_i32, %c0_i32_1 : i32, i32, i32
  }
  func.func @transform_4(%arg0: i32, %arg1: i32) -> (i32, i32, i32) {
    %mul3A = arith.constant 5 : i32
    %mul3A_0 = arith.muli %arg0, %mul3A : i32
    %add3A = arith.addi %mul3A_0, %arg1 : i32
    %c0_i32 = arith.constant 0 : i32
    %c0_i32_1 = arith.constant 0 : i32
    %c0_i32_2 = arith.constant 0 : i32
    return %add3A, %c0_i32, %c0_i32_1 : i32, i32, i32
  }
  func.func @transform_5(%arg0: i32, %arg1: i32) -> (i32, i32) {
    %c0_i32 = arith.constant 0 : i32
    %c0_i32_0 = arith.constant 0 : i32
    %c0_i32_1 = arith.constant 0 : i32
    return %c0_i32, %c0_i32_0 : i32, i32
  }
  func.func @transform_6(%arg0: i32, %arg1: i32) -> i32 {
    %c0_i32 = arith.constant 0 : i32
    %c0_i32_0 = arith.constant 0 : i32
    return %c0_i32 : i32
  }
  func.func @transform_7(%arg0: i32, %arg1: i32) -> (i32, i32) {
    %c0_i32 = arith.constant 0 : i32
    %c0_i32_0 = arith.constant 0 : i32
    %c0_i32_1 = arith.constant 0 : i32
    return %c0_i32, %c0_i32_0 : i32, i32
  }
  func.func @transform_8(%arg0: i32, %arg1: i32) -> i32 {
    %c0_i32 = arith.constant 0 : i32
    %c0_i32_0 = arith.constant 0 : i32
    return %c0_i32 : i32
  }
  func.func @transform_9(%arg0: i32, %arg1: i32) -> (i32, i32) {
    %c0_i32 = arith.constant 0 : i32
    %c0_i32_0 = arith.constant 0 : i32
    %c0_i32_1 = arith.constant 0 : i32
    return %c0_i32, %c0_i32_0 : i32, i32
  }
  func.func @transform_10(%arg0: i32, %arg1: i32) -> (i32, i32) {
    %c0_i32 = arith.constant 0 : i32
    %c0_i32_0 = arith.constant 0 : i32
    %c0_i32_1 = arith.constant 0 : i32
    return %c0_i32, %c0_i32_0 : i32, i32
  }
  func.func @transform_11(%arg0: i32, %arg1: i32) -> i32 {
    %c0_i32 = arith.constant 0 : i32
    %c0_i32_0 = arith.constant 0 : i32
    return %c0_i32 : i32
  }
  func.func @transform_12(%arg0: i32, %arg1: i32) -> i32 {
    %c0_i32 = arith.constant 0 : i32
    %c0_i32_0 = arith.constant 0 : i32
    return %c0_i32 : i32
  }
  func.func @transform_13(%arg0: i32, %arg1: i32) -> i32 {
    %c0_i32 = arith.constant 0 : i32
    %c0_i32_0 = arith.constant 0 : i32
    return %c0_i32 : i32
  }
  func.func @transform_14(%arg0: i32, %arg1: i32) -> i32 {
    %c0_i32 = arith.constant 0 : i32
    %c0_i32_0 = arith.constant 0 : i32
    return %c0_i32 : i32
  }
  func.func @transform_15(%arg0: i32, %arg1: i32) -> i32 {
    %c0_i32 = arith.constant 0 : i32
    %c0_i32_0 = arith.constant 0 : i32
    return %c0_i32 : i32
  }
}

</mosaic_0001>

<sc_bundles>
// kernel: kernel.5.cloned.1.call-start
scs
__scs_entry_jumppad:
0x0: {  	(pc) =	sbr.rel $0x88, $3  }
0x1: {  	(tag) =	ssettag $0x0;
	lr =	simm.s32 $0x1  }
0x2: {  	[smem:$0x3F8E] =	sst lr;
	_ =	strace $0xD0000000  }
0x3: {  	_ = 	snop  }
0x4: {  	_ = 	snop  }
0x5: {  	_ = 	snop  }
0x6: {  	_ = 	snop  }
0x7: {  	_ = 	snop  }
__scs_overlays_trampoline_lowered:
0x8: {  	[smem:$0x3F9D] =	sst s0  }
0x9: {  	[smem:$0x3F9E] =	sst s1  }
0xa: {  	[smem:$0x3F9F] =	sst s2  }
0xb: {  	[smem:$0x3FA0] =	sst s3  }
0xc: {  	[smem:$0x3FA1] =	sst s4  }
0xd: {  	[smem:$0x3FA2] =	sst s5  }
0xe: {  	[smem:$0x3FA3] =	sst s6  }
0xf: {  	[smem:$0x3FA4] =	sst s7  }
0x10: {  	[smem:$0x3FA5] =	sst s8  }
0x11: {  	[smem:$0x3FA6] =	sst s9;
	s0 =	simm.s32 @!p0 $0x0  }
0x12: {  	s1 =	sld [smem:$0x3F8C];
	s0 =	simm.s32 @p0 $0x1  }
0x13: {  	[smem:$0x3FA7] =	sst s0;
	s0 =	simm.s32 @!p1 $0x0  }
0x14: {  	s2 =	sld [smem:$0x3F8B];
	s0 =	simm.s32 @p1 $0x1  }
0x15: {  	[smem:$0x3FA8] =	sst s0;
	s0 =	simm.s32 @!p2 $0x0  }
0x16: {  	s3 =	sld [smem:$0x3FDB];
	s0 =	simm.s32 @p2 $0x1  }
0x17: {  	s4 =	simm.s32 $0x1BF5;
	[smem:$0x3FAA] =	sst s0  }
0x18: {  	s0 =	sld [smem:$0x3F8D];
	_ =	swait.ge [sflag:s4], $0x0  }
0x19: {  	s7 =	sld [smem:$0x3F8E]  }
0x1a: {  	s8 =	sadd.s32 $0xFFFFE003, lr  }
0x1b: {  	s9 =	sadd.s32 $0xFFFFFEF7, lr;
	s5 =	simm.s32 $0xFFFFFFFF;
	p2 =	slt.u32 s8, $0xFFFFF086  }
0x1c: {  	p1 =	slt.u32 s9, $0xF7A;
	s5 =	simm.s32 @!p2 $0x0  }
0x1d: {  	s5 =	simm.s32 @p1 $0x1;
	p0 =	seq.s32 s7, s2  }
0x1e: {  	s7 =	smul.u32 @!p0 $0xF7A, s2;
	p2 =	seq.s32 @!p0 s5, $0x0  }
0x1f: {  	s9 =	smul.u32 $0xF7A, s1;
	s8 =	simm.s32 @!p0 $0x1BF5;
	p2 =	por !p2, p0  }
0x20: {  	[sflag:s8] =	ssyncset.s32 @!p0 $0xFFFFF086;
	s6 =	sadd.s32 @!p0 s3, s7;
	s7 =	simm.s32 @!p0 $0x108  }
0x21: {  	s3 =	sadd.s32 s3, s9;
	s6 =	sadd.s32 @!p0 $0x88, s6;
	s7 =	simm.s32 @p2 $0x1082  }
0x22: {  	[simem:s7], [sflag:s8] =	dma.local @!p0 [hbm:s6], $0xF7A  }
0x23: {  	s9 =	sor.u32 $0xD0000000, s2;
	s6 =	simm.s32 $0x108;
	_ =	swait.ge @!p0 [sflag:s8], $0x0  }
0x24: {  	s3 =	sadd.s32 $0x88, s3;
	s6 =	simm.s32 @!p1 $0x1082;
	[sflag:s4] =	ssyncset.s32 $0xFFFFF086  }
0x25: {  	[simem:s6], [sflag:s4] =	dma.local [hbm:s3], $0xF7A  }
0x26: {  	[smem:$0x3F8E] =	sst s1;
	(tag) =	ssettag s2;
	_ =	strace s9  }
0x27: {  	s1 =	sld [smem:$0x3F9E]  }
0x28: {  	s2 =	sld [smem:$0x3F9F]  }
0x29: {  	s4 =	sld [smem:$0x3FA1]  }
0x2a: {  	p0 =	seq.s32 s5, $0x0;
	s5 =	sld [smem:$0x3FA2]  }
0x2b: {  	s6 =	sld [smem:$0x3FA3]  }
0x2c: {  	s7 =	sld [smem:$0x3FA4]  }
0x2d: {  	s3 =	simm.s32 $0x108;
	s8 =	sld [smem:$0x3FA5]  }
0x2e: {  	s3 =	simm.s32 @!p0 $0x1082;
	s9 =	sld [smem:$0x3FA6]  }
0x2f: {  	lr =	sadd.s32 s0, s3;
	s0 =	sld [smem:$0x3F9D]  }
0x30: {  	s3 =	sld [smem:$0x3FA0]  }
0x31: {  	[smem:$0x3FA9] =	sst s10  }
0x32: {  	s10 =	sld [smem:$0x3FA7];
	_ =	sdelay $0x3  }
0x33: {  	p0 =	seq.s32 s10, $0x1;
	s10 =	sld [smem:$0x3FA9];
	_ =	sdelay $0x3  }
0x34: {  	[smem:$0x3FA9] =	sst s10  }
0x35: {  	s10 =	sld [smem:$0x3FA8];
	_ =	sdelay $0x3  }
0x36: {  	p1 =	seq.s32 s10, $0x1;
	s10 =	sld [smem:$0x3FA9];
	_ =	sdelay $0x3  }
0x37: {  	[smem:$0x3FA9] =	sst s10  }
0x38: {  	s10 =	sld [smem:$0x3FAA]  }
0x39: {  	_ = 	snop;
	(pc) =	sbr.ind lr, $3  }
0x3a: {  	_ = 	snop  }
0x3b: {  	_ = 	snop  }
0x3c: {  	p2 =	seq.s32 s10, $0x1;
	s10 =	sld [smem:$0x3FA9]  }
0x3d: {  	_ =	shalt  }
0x3e: {  	_ =	shalt  }
0x3f: {  	_ =	shalt  }
0x40: {  	_ =	shalt  }
0x41: {  	_ =	shalt  }
0x42: {  	_ =	shalt  }
0x43: {  	_ =	shalt  }
0x44: {  	_ =	shalt  }
0x45: {  	_ =	shalt  }
0x46: {  	_ =	shalt  }
0x47: {  	_ =	shalt  }
0x48: {  	_ =	shalt  }
0x49: {  	_ =	shalt  }
0x4a: {  	_ =	shalt  }
0x4b: {  	_ =	shalt  }
0x4c: {  	_ =	shalt  }
0x4d: {  	_ =	shalt  }
0x4e: {  	_ =	shalt  }
0x4f: {  	_ =	shalt  }
0x50: {  	_ =	shalt  }
0x51: {  	_ =	shalt  }
0x52: {  	_ =	shalt  }
0x53: {  	_ =	shalt  }
0x54: {  	_ =	shalt  }
0x55: {  	_ =	shalt  }
0x56: {  	_ =	shalt  }
0x57: {  	_ =	shalt  }
0x58: {  	_ =	shalt  }
0x59: {  	_ =	shalt  }
0x5a: {  	_ =	shalt  }
0x5b: {  	_ =	shalt  }
0x5c: {  	_ =	shalt  }
0x5d: {  	_ =	shalt  }
0x5e: {  	_ =	shalt  }
0x5f: {  	_ =	shalt  }
0x60: {  	_ =	shalt  }
0x61: {  	_ =	shalt  }
0x62: {  	_ =	shalt  }
0x63: {  	_ =	shalt  }
0x64: {  	_ =	shalt  }
0x65: {  	_ =	shalt  }
0x66: {  	_ =	shalt  }
0x67: {  	_ =	shalt  }
0x68: {  	_ =	shalt  }
0x69: {  	_ =	shalt  }
0x6a: {  	_ =	shalt  }
0x6b: {  	_ =	shalt  }
0x6c: {  	_ =	shalt  }
0x6d: {  	_ =	shalt  }
0x6e: {  	_ =	shalt  }
0x6f: {  	_ =	shalt  }
0x70: {  	_ =	shalt  }
0x71: {  	_ =	shalt  }
0x72: {  	_ =	shalt  }
0x73: {  	_ =	shalt  }
0x74: {  	_ =	shalt  }
0x75: {  	_ =	shalt  }
0x76: {  	_ =	shalt  }
0x77: {  	_ =	shalt  }
0x78: {  	_ =	shalt  }
0x79: {  	_ =	shalt  }
0x7a: {  	_ =	shalt  }
0x7b: {  	_ =	shalt  }
0x7c: {  	_ =	shalt  }
0x7d: {  	_ =	shalt  }
0x7e: {  	_ =	shalt  }
0x7f: {  	_ =	shalt  }
0x80: {  	_ =	shalt  }
0x81: {  	_ =	shalt  }
0x82: {  	_ =	shalt  }
0x83: {  	_ =	shalt  }
0x84: {  	_ =	shalt  }
0x85: {  	_ =	shalt  }
0x86: {  	_ =	shalt  }
0x87: {  	_ =	shalt  }
.Lfunc_end0:
.L_simem_size_0:
called_computation_lowered:
.L_overlay_start_0:
0x88: {  	s2 =	sld [smem:$0x3FD9]  }
0x89: {  	s3 =	sld [smem:$0x3FFE];
	_ =	sdelay $0x1  }
0x8a: {  	s1 =	srdreg.scid  }
0x8b: {  	s0 =	sand.u32 $0x1, s1  }
0x8c: {  	s17 =	sshll.u32 s0, $0xA;
	s2 =	sadd.s32 s3, s2  }
0x8d: {  	s2 =	sadd.s32 s2, s17  }
0x8e: {  	[smem:$0x3FB5] =	sst s2  }
0x8f: {  	_ = 	snop  }
0x90: {  	s2 =	sld [smem:$0x3FBF]  }
0x91: {  	s18 =	sld [smem:$0x3FBD];
	(tm) =	ssettm $0x1  }
0x92: {  	s4 =	sld [smem:$0x3FFB];
	_ =	sdelay $0x3  }
0x93: {  	_ =	strace s4  }
0x94: {  	s4 =	sld [smem:$0x3FFC];
	_ =	sdelay $0x3  }
0x95: {  	_ =	strace s4  }
0x96: {  	s4 =	sld [smem:$0x3FFD];
	_ =	sdelay $0x3  }
0x97: {  	_ =	strace s4  }
0x98: {  	_ =	strace $0x8FFFFFFF  }
0x99: {  	s19 =	sld [smem:$0x3FDB];
	_ =	sdelay $0x1  }
0x9a: {  	s5 =	simm.s32 $_scs_section_size  }
0x9b: {  	s6 =	simm.s32 $_size__tile_overlayer_lowered;
	s7 =	simm.s32 $_tile_overlayer_lowered  }
0x9c: {  	s22 =	simm.s32 $0x1BFF;
	s21 =	sshll.u32 s7, $0x1;
	s4 =	sadd.s32 s5, s19  }
0x9d: {  	s8 =	simm.s32 $0x0;
	s20 =	sshll.u32 s6, $0x1;
	s6 =	sadd.s32 s21, s4  }
0x9e: {  	[timem:s8], [sflag:s22] =	dma.local [hbm:s6], s20  }
0x9f: {  	_ =	swait.ge [sflag:s22], s20  }
0xa0: {  	s5 =	ssub.s32 $0x0, s20;
	[sflag:s22] =	ssyncset.done $0x0  }
0xa1: {  	[sflag:s22] =	ssyncadd.s32 s5;
	_ =	sdelay $0x1  }
0xa2: {  	s23 =	simm.s32 $0x1B8B  }
0xa3: {  	_ =	swait.ge [sflag:s23], $0x1  }
0xa4: {  	[sflag:s23] =	ssyncset.done $0x0  }
0xa5: {  	s25 =	simm.s32 $0x1B8E;
	s24 =	sld [smem:$0x3FFE];
	[sflag:s23] =	ssyncadd.s32 $0xFFFFFFFF  }
0xa6: {  	s26 =	simm.s32 $execute0_lowered;
	[smem:$0x3FD2] =	sst s25  }
0xa7: {  	s6 =	sshll.u32 s26, $0x1;
	_ =	strace $0x80000046;
	[dreg:$0x1] =	wrdreg $0xFFFFFFFF  }
0xa8: {  	s28 =	simm.s32 $_size_execute0_lowered;
	s4 =	sadd.s32 s4, s6;
	[dreg:$0x0] =	wrdreg $0x0  }
0xa9: {  	s6 =	sshll.u32 s28, $0x1;
	[dreg:$0x2] =	wrdreg s4  }
0xaa: {  	[dreg:$0x3] =	wrdreg s6  }
0xab: {  	[dreg:$0x4] =	wrdreg $0xC0  }
0xac: {  	_ =	task [dreg:s8], $0x5FFFF  }
0xad: {  	[dreg:$0x1] =	wrdreg $0xFFFFFFFF  }
0xae: {  	[dreg:$0x0] =	wrdreg $0x60  }
0xaf: {  	[dreg:$0x2] =	wrdreg s24  }
0xb0: {  	[dreg:$0x3] =	wrdreg s2  }
0xb1: {  	[dreg:$0x4] =	wrdreg s18  }
0xb2: {  	[dreg:$0x5] =	wrdreg $0x0  }
0xb3: {  	[dreg:$0x6] =	wrdreg $0x50000  }
0xb4: {  	[dreg:$0x7] =	wrdreg $0xA0000  }
0xb5: {  	[dreg:$0x8] =	wrdreg $0xA2800  }
0xb6: {  	[dreg:$0x9] =	wrdreg $0x9  }
0xb7: {  	_ =	task.clear_ibuf [dreg:s8], $0xAFFFF;
	_ =	strace $0x90000046  }
0xb8: {  	s29 =	simm.s32 $0x9;
	_ =	strace $0x80000048  }
0xb9: {  	_ =	swait.ge [sflag:s29], $0x1  }
0xba: {  	[sflag:s29] =	ssyncadd.s32 $0xFFFFFFFF  }
0xbb: {  	_ =	strace $0x90000048  }
0xbc: {  	_ =	sfence  }
0xbd: {  	s30 =	sld [smem:$0x0];
	_ =	sdelay $0x2  }
0xbe: {  	s31 =	sshll.u32 s1, $0xD;
	s1 =	sshrl.u32 s1, $0x2  }
0xbf: {  	s3 =	sand.u32 $0x4000, s31;
	s1 =	sadd.s32 s1, s30  }
0xc0: {  	s0 =	sor.u32 s3, s0;
	s1 =	sshll.u32 s1, $0x11  }
0xc1: {  	s0 =	sor.u32 s1, s0  }
0xc2: {  	s0 =	sadd.s32 $0x8F2B, s0  }
0xc3: {  	[sflag:s0] =	ssyncadd.remote.s32 $0x1  }
0xc4: {  	_ =	sfence.sel $0xFFFF  }
0xc5: {  	[dreg:$0x0] =	wrdreg $0xFFFFFFFF;
	(pc) =	sbr.abs _section_cstart, $3  }
0xc6: {  	[dreg:$0x1] =	wrdreg $0xFFFFFFFF  }
0xc7: {  	_ =	task.clear_ibuf [dreg:s8], $0x2FFFF;
	_ =	strace $0x9FFFFFFF  }
0xc8: {  	(tm) =	ssettm $0x7FFFFFFF  }
0xc9: {  	_ =	shalt  }
tec
execute0_lowered:
.L_overlay_start_1:
0x0: {  	(tag) =	ssettag $0x1  }
0x1: {  	s0 =	rddreg [dreg:$0x0]  }
0x2: {  	s2 =	rddreg [dreg:$0x3]  }
0x3: {  	s3 =	rddreg [dreg:$0x4]  }
0x4: {  	s7 =	rddreg [dreg:$0x5];
	s1 =	srdreg.scid  }
0x5: {  	s5 =	rddreg [dreg:$0x6];
	s6 =	stileid.u32;
	s8 =	simm.s32 $0x0  }
0x6: {  	s31 =	simm.s32 $0xB700;
	s1 =	sand.u32 $0x1, s1;
	s4 =	smul.u32 $0x5000, s6  }
0x7: {  	[smem:$0x7FF] =	sst s8;
	s17 =	smul.u32 $0x280, s6;
	s9 =	sadd.s32 $0x67800, s0  }
0x8: {  	s10 =	sadd.s32 $0x7B800, s0;
	s16 =	smul.u32 $0x50000, s1;
	_ =	strace $0x80000047  }
0x9: {  	s24 =	smul.u32 $0x2800, s1;
	s1 =	ssub.s32 $0x2, s1;
	s11 =	sadd.s32 $0x1400, s4  }
0xa: {  	s12 =	sshrl.u32 s1, $0x1;
	s13 =	sadd.s32 $0x2800, s4;
	s15 =	sadd.s32 $0x3C00, s4  }
0xb: {  	[dreg:$0x9] =	wrdreg s17;
	s23 =	sadd.s32 s4, s16;
	s8 =	sadd.s32 s17, s24  }
0xc: {  	s14 =	sadd.s32 s16, s11;
	s1 =	ssub.s32 s1, s12;
	s26 =	sadd.s32 s16, s13  }
0xd: {  	s19 =	sadd.s32 s16, s15;
	[dreg:$0x8] =	wrdreg s16;
	s6 =	sshrl.u32 s23, $0x3  }
0xe: {  	s25 =	sshrl.u32 s14, $0x3;
	s23 =	sshrl.u32 s16, $0x3;
	s16 =	sadd.s32 s13, s2  }
0xf: {  	s14 =	sshrl.u32 s26, $0x3;
	s18 =	sadd.s32 s9, s25;
	[dreg:$0x1a] =	wrdreg s16  }
0x10: {  	s8 =	sshrl.u32 s8, $0x3;
	s12 =	sadd.s32 s10, s25;
	[dreg:$0xa] =	wrdreg s18  }
0x11: {  	s20 =	sadd.s32 s9, s6;
	s22 =	sadd.s32 s10, s6;
	[dreg:$0xb] =	wrdreg s12  }
0x12: {  	s6 =	sadd.s32 s6, s0;
	s8 =	sadd.s32 s8, s0;
	[dreg:$0xe] =	wrdreg s20  }
0x13: {  	s24 =	sadd.s32 s23, s0;
	s0 =	sadd.s32 $0x3F800, s0;
	[dreg:$0x11] =	wrdreg s22  }
0x14: {  	s28 =	simm.s32 $0x10500;
	s18 =	sadd.s32 s9, s14;
	[dreg:$0x12] =	wrdreg s0  }
0x15: {  	s29 =	simm.s32 $0x2;
	s14 =	sadd.s32 s10, s14;
	[dreg:$0xc] =	wrdreg s18  }
0x16: {  	s30 =	simm.s32 $0x3;
	s25 =	sadd.s32 $0x8F800, s8;
	[dreg:$0xd] =	wrdreg s14  }
0x17: {  	s16 =	simm.s32 $0x18600;
	s26 =	sadd.s32 $0x90200, s8;
	[dreg:$0x13] =	wrdreg s25  }
0x18: {  	s12 =	sshrl.u32 s19, $0x3;
	s8 =	smax.u32 s1, $0x1;
	[dreg:$0x14] =	wrdreg s26  }
0x19: {  	s20 =	sadd.s32 $0x53800, s24;
	s19 =	sadd.s32 s15, s2;
	[dreg:$0x15] =	wrdreg s8  }
0x1a: {  	s22 =	sadd.s32 s0, s23;
	s23 =	sadd.s32 s15, s3;
	[dreg:$0x1c] =	wrdreg s19  }
0x1b: {  	s15 =	simm.s32 $0x6;
	s9 =	sadd.s32 s9, s12;
	[dreg:$0x1d] =	wrdreg s23  }
0x1c: {  	s21 =	sadd.s32 s10, s12;
	s10 =	sadd.s32 s4, s3;
	[dreg:$0xf] =	wrdreg s9  }
0x1d: {  	s12 =	sadd.s32 s11, s2;
	s14 =	sadd.s32 s11, s3;
	[dreg:$0x10] =	wrdreg s21  }
0x1e: {  	s18 =	sadd.s32 s13, s3;
	s11 =	sadd.s32 $0x17800, s6;
	[dreg:$0x17] =	wrdreg s10  }
0x1f: {  	s25 =	sadd.s32 s17, s7;
	s26 =	sadd.s32 s17, s5;
	[dreg:$0x18] =	wrdreg s12  }
0x20: {  	s17 =	simm.s32 $0xA500;
	s23 =	simm.s32 $0x200;
	[dreg:$0x19] =	wrdreg s14  }
0x21: {  	s13 =	simm.s32 $0xA700;
	s8 =	simm.s32 $0x18880;
	[dreg:$0x1b] =	wrdreg s18  }
0x22: {  	s21 =	sadd.s32 $0x3800, s24;
	s9 =	sadd.s32 s4, s2;
	[dreg:$0x1e] =	wrdreg s25  }
0x23: {  	s24 =	sadd.s32 $0x2B800, s6;
	[dreg:$0x1f] =	wrdreg s26;
	s18 =	simm.s32 $0xB500  }
0x24: {  	s25 =	simm.s32 $0x18B00;
	s26 =	simm.s32 $0x1;
	[smem:$0x7FD] =	sst s11  }
0x25: {  	s4 =	simm.s32 $0x4;
	s6 =	simm.s32 $0x5;
	[dreg:$0x16] =	wrdreg s9  }
0x26: {  	v0 =	vimm.f32 $0.0e+00;
	v1 =	vimm.f32 $1.000000000e+00;
	[smem:$0x7FC] =	sst s24;
	s24 =	simm.s32 $0xC500;
	s9 =	simm.s32 $0x0  }
.LBB2_1:
0x27: {  	[smem:$0x7FB] =	sst s9;
	s9 =	simm.s32 $0x80;
	s10 =	simm.s32 $0x0  }
.LBB2_2:
0x28: {  	p0 =	sne.s32 s9, $0x4F80;
	[tilespmem:s10+$0x16D00] =	vst v0;
	s12 =	smov.u32 s9;
	s9 =	sadd.s32 $0x80, s9  }
.Ltmp0:
0x29: {  	[tilespmem:s10+$0x16D10] =	vst v0;
	(pc) =	sbr.rel @p0 .LBB2_2-.Ltmp0, $2  }
0x2a: {  	_ =	sdelay $0x2  }
0x2b: {  	s10 =	sshra.s32 s12, $0x2  }
0x2c: {  	[tilespmem:s10+$0x16D00] =	vst v0  }
0x2d: {  	[tilespmem:s10+$0x16D10] =	vst v0;
	s0 =	rddreg [dreg:$0x16];
	s9 =	simm.s32 $0x16D00  }
0x2e: {  	[spmem:s0] =	stream.linear.scatter [tilespmem:s9], [sflag:$0x6], $0x1400, $0x38;
	[tilespmem:$0x18D40] =	vst v63  }
0x2f: {  	_ =	swait.ge [sflag:s15], $0x1400  }
0x30: {  	[sflag:s15] =	ssyncset.done $0x0  }
0x31: {  	s14 =	rddreg [dreg:$0x17];
	[sflag:s15] =	ssyncadd.s32 $0xFFFFEC00  }
0x32: {  	[spmem:s14] =	stream.linear.scatter [tilespmem:s9], [sflag:$0x6], $0x1400, $0x38;
	[tilespmem:$0x18D40] =	vst v63  }
0x33: {  	_ =	swait.ge [sflag:s15], $0x1400  }
0x34: {  	[sflag:s15] =	ssyncset.done $0x0  }
0x35: {  	s19 =	rddreg [dreg:$0x18];
	[sflag:s15] =	ssyncadd.s32 $0xFFFFEC00  }
0x36: {  	[spmem:s19] =	stream.linear.scatter [tilespmem:s9], [sflag:$0x6], $0x1400, $0x38;
	[tilespmem:$0x18D40] =	vst v63  }
0x37: {  	_ =	swait.ge [sflag:s15], $0x1400  }
0x38: {  	[sflag:s15] =	ssyncset.done $0x0  }
0x39: {  	s1 =	rddreg [dreg:$0x19];
	[sflag:s15] =	ssyncadd.s32 $0xFFFFEC00  }
0x3a: {  	[spmem:s1] =	stream.linear.scatter [tilespmem:s9], [sflag:$0x6], $0x1400, $0x38;
	[tilespmem:$0x18D40] =	vst v63  }
0x3b: {  	_ =	swait.ge [sflag:s15], $0x1400  }
0x3c: {  	[sflag:s15] =	ssyncset.done $0x0  }
0x3d: {  	s10 =	rddreg [dreg:$0x1a];
	[sflag:s15] =	ssyncadd.s32 $0xFFFFEC00  }
0x3e: {  	[spmem:s10] =	stream.linear.scatter [tilespmem:s9], [sflag:$0x6], $0x1400, $0x38;
	[tilespmem:$0x18D40] =	vst v63  }
0x3f: {  	_ =	swait.ge [sflag:s15], $0x1400  }
0x40: {  	[sflag:s15] =	ssyncset.done $0x0  }
0x41: {  	s12 =	rddreg [dreg:$0x1b];
	[sflag:s15] =	ssyncadd.s32 $0xFFFFEC00  }
0x42: {  	[spmem:s12] =	stream.linear.scatter [tilespmem:s9], [sflag:$0x6], $0x1400, $0x38;
	[tilespmem:$0x18D40] =	vst v63  }
0x43: {  	_ =	swait.ge [sflag:s15], $0x1400  }
0x44: {  	[sflag:s15] =	ssyncset.done $0x0  }
0x45: {  	s14 =	rddreg [dreg:$0x1c];
	[sflag:s15] =	ssyncadd.s32 $0xFFFFEC00  }
0x46: {  	[spmem:s14] =	stream.linear.scatter [tilespmem:s9], [sflag:$0x6], $0x1400, $0x38;
	[tilespmem:$0x18D40] =	vst v63  }
0x47: {  	_ =	swait.ge [sflag:s15], $0x1400  }
0x48: {  	[sflag:s15] =	ssyncset.done $0x0  }
0x49: {  	s19 =	rddreg [dreg:$0x1d];
	[sflag:s15] =	ssyncadd.s32 $0xFFFFEC00  }
0x4a: {  	[spmem:s19] =	stream.linear.scatter [tilespmem:s9], [sflag:$0x6], $0x1400, $0x38;
	[tilespmem:$0x18D40] =	vst v63  }
0x4b: {  	_ =	swait.ge [sflag:s15], $0x1400  }
0x4c: {  	[sflag:s15] =	ssyncset.done $0x0  }
0x4d: {  	[sflag:s15] =	ssyncadd.s32 $0xFFFFEC00  }
0x4e: {  	[tilespmem:$0x18600] =	vst v0  }
0x4f: {  	[tilespmem:$0x18610] =	vst v0  }
0x50: {  	[tilespmem:$0x18620] =	vst v0  }
0x51: {  	[tilespmem:$0x18630] =	vst v0  }
0x52: {  	[tilespmem:$0x18640] =	vst v0  }
0x53: {  	[tilespmem:$0x18650] =	vst v0  }
0x54: {  	[tilespmem:$0x18660] =	vst v0  }
0x55: {  	[tilespmem:$0x18670] =	vst v0  }
0x56: {  	[tilespmem:$0x18680] =	vst v0  }
0x57: {  	[tilespmem:$0x18690] =	vst v0  }
0x58: {  	[tilespmem:$0x186A0] =	vst v0  }
0x59: {  	[tilespmem:$0x186B0] =	vst v0  }
0x5a: {  	[tilespmem:$0x186C0] =	vst v0  }
0x5b: {  	[tilespmem:$0x186D0] =	vst v0  }
0x5c: {  	[tilespmem:$0x186E0] =	vst v0  }
0x5d: {  	[tilespmem:$0x186F0] =	vst v0  }
0x5e: {  	[tilespmem:$0x18700] =	vst v0  }
0x5f: {  	[tilespmem:$0x18710] =	vst v0  }
0x60: {  	[tilespmem:$0x18720] =	vst v0  }
0x61: {  	[tilespmem:$0x18730] =	vst v0  }
0x62: {  	[tilespmem:$0x18740] =	vst v0  }
0x63: {  	[tilespmem:$0x18750] =	vst v0  }
0x64: {  	[tilespmem:$0x18760] =	vst v0  }
0x65: {  	[tilespmem:$0x18770] =	vst v0  }
0x66: {  	[tilespmem:$0x18780] =	vst v0  }
0x67: {  	[tilespmem:$0x18790] =	vst v0  }
0x68: {  	[tilespmem:$0x187A0] =	vst v0  }
0x69: {  	[tilespmem:$0x187B0] =	vst v0  }
0x6a: {  	[tilespmem:$0x187C0] =	vst v0  }
0x6b: {  	[tilespmem:$0x187D0] =	vst v0  }
0x6c: {  	[tilespmem:$0x187E0] =	vst v0  }
0x6d: {  	[tilespmem:$0x187F0] =	vst v0  }
0x6e: {  	[tilespmem:$0x18800] =	vst v0  }
0x6f: {  	[tilespmem:$0x18810] =	vst v0  }
0x70: {  	[tilespmem:$0x18820] =	vst v0  }
0x71: {  	[tilespmem:$0x18830] =	vst v0  }
0x72: {  	[tilespmem:$0x18840] =	vst v0  }
0x73: {  	[tilespmem:$0x18850] =	vst v0  }
0x74: {  	[tilespmem:$0x18860] =	vst v0  }
0x75: {  	s1 =	rddreg [dreg:$0x1e];
	[tilespmem:$0x18870] =	vst v0  }
0x76: {  	[spmem:s1] =	stream.linear.scatter [tilespmem:s16], [sflag:$0x6], $0x280, $0x38;
	[tilespmem:$0x18D40] =	vst v63  }
0x77: {  	_ =	swait.ge [sflag:s15], $0x280  }
0x78: {  	[sflag:s15] =	ssyncset.done $0x0  }
0x79: {  	s9 =	rddreg [dreg:$0x1f];
	[sflag:s15] =	ssyncadd.s32 $0xFFFFFD80  }
0x7a: {  	[spmem:s9] =	stream.linear.scatter [tilespmem:s16], [sflag:$0x6], $0x280, $0x38;
	[tilespmem:$0x18D40] =	vst v63  }
0x7b: {  	_ =	swait.ge [sflag:s15], $0x280  }
0x7c: {  	[sflag:s15] =	ssyncset.done $0x0  }
0x7d: {  	[sflag:s15] =	ssyncadd.s32 $0xFFFFFD80  }
0x7e: {  	[tilespmem:$0x18B00] =	vst v1  }
0x7f: {  	[tilespmem:$0x18B10] =	vst v1  }
0x80: {  	[tilespmem:$0x18B20] =	vst v1  }
0x81: {  	[tilespmem:$0x18B30] =	vst v1  }
0x82: {  	[tilespmem:$0x18B40] =	vst v1  }
0x83: {  	[tilespmem:$0x18B50] =	vst v1  }
0x84: {  	[tilespmem:$0x18B60] =	vst v1  }
0x85: {  	[tilespmem:$0x18B70] =	vst v1  }
0x86: {  	[tilespmem:$0x18B80] =	vst v1  }
0x87: {  	[tilespmem:$0x18B90] =	vst v1  }
0x88: {  	[tilespmem:$0x18BA0] =	vst v1  }
0x89: {  	[tilespmem:$0x18BB0] =	vst v1  }
0x8a: {  	[tilespmem:$0x18BC0] =	vst v1  }
0x8b: {  	[tilespmem:$0x18BD0] =	vst v1  }
0x8c: {  	[tilespmem:$0x18BE0] =	vst v1  }
0x8d: {  	[tilespmem:$0x18BF0] =	vst v1  }
0x8e: {  	[tilespmem:$0x18C00] =	vst v1  }
0x8f: {  	[tilespmem:$0x18C10] =	vst v1  }
0x90: {  	[tilespmem:$0x18C20] =	vst v1  }
0x91: {  	[tilespmem:$0x18C30] =	vst v1  }
0x92: {  	[tilespmem:$0x18C40] =	vst v1  }
0x93: {  	[tilespmem:$0x18C50] =	vst v1  }
0x94: {  	[tilespmem:$0x18C60] =	vst v1  }
0x95: {  	[tilespmem:$0x18C70] =	vst v1  }
0x96: {  	[tilespmem:$0x18C80] =	vst v1  }
0x97: {  	[tilespmem:$0x18C90] =	vst v1  }
0x98: {  	[tilespmem:$0x18CA0] =	vst v1  }
0x99: {  	[tilespmem:$0x18CB0] =	vst v1  }
0x9a: {  	[tilespmem:$0x18CC0] =	vst v1  }
0x9b: {  	[tilespmem:$0x18CD0] =	vst v1  }
0x9c: {  	[tilespmem:$0x18CE0] =	vst v1  }
0x9d: {  	s12 =	simm.s32 $0x18D00;
	s19 =	simm.s32 $0x0;
	[tilespmem:$0x18CF0] =	vst v1;
	s10 =	rddreg [dreg:$0x1]  }
0x9e: {  	[tilespmem:s12], [sflag:$0x6] =	stream.linear.gather [hbm4b:s10+s19], $0x20, $0x38;
	[tilespmem:$0x18D40] =	vst v63  }
0x9f: {  	_ =	swait.ge [sflag:s15], $0x20  }
0xa0: {  	[sflag:s15] =	ssyncset.done $0x0  }
0xa1: {  	[sflag:s15] =	ssyncadd.s32 $0xFFFFFFE0  }
0xa2: {  	s1 =	simm.s32 $0x18D20;
	s14 =	rddreg [dreg:$0x2]  }
0xa3: {  	[tilespmem:s1], [sflag:$0x6] =	stream.linear.gather [hbm4b:s14+s19], $0x20, $0x38;
	[tilespmem:$0x18D40] =	vst v63  }
0xa4: {  	_ =	swait.ge [sflag:s15], $0x20  }
0xa5: {  	[sflag:s15] =	ssyncset.done $0x0  }
0xa6: {  	[sflag:s15] =	ssyncadd.s32 $0xFFFFFFE0  }
0xa7: {  	s9 =	sadd.s32 $0x0, s11;
	[bflag:$0x0] =	sbarrier.arrive $0xFFFF  }
0xa8: {  	[smem:$0x7F9] =	sst s9  }
0xa9: {  	[tilespmem:s17], [sflag:$0x6] =	stream.linear.gather [hbm4b:s9+s19], $0x1000, $0x38;
	[tilespmem:$0x18D40] =	vst v63  }
0xaa: {  	_ =	swait.ge [sflag:s15], $0x1000  }
0xab: {  	s14 =	sld [smem:$0x7FC];
	_ =	sdelay $0x2  }
0xac: {  	[sflag:s15] =	ssyncset.done $0x0;
	s10 =	sadd.s32 $0x0, s14  }
0xad: {  	[sflag:s15] =	ssyncadd.s32 $0xFFFFF000;
	[smem:$0x7FA] =	sst s10  }
0xae: {  	[tilespmem:s18], [sflag:$0x6] =	stream.linear.gather [hbm4b:s10+s19], $0x1000, $0x38;
	[tilespmem:$0x18D40] =	vst v63  }
0xaf: {  	_ =	swait.ge [sflag:s15], $0x1000  }
0xb0: {  	[sflag:s15] =	ssyncset.done $0x0  }
0xb1: {  	[sflag:s15] =	ssyncadd.s32 $0xFFFFF000  }
0xb2: {  	[tilespmem:s24], [sflag:$0x1] =	stream.indirect.gather [hbm4b:s20+s23], $0x20, s17, s23, $0xb8;
	[tilespmem:$0x18D40] =	vst v63  }
0xb3: {  	_ = 	snop  }
0xb4: {  	[spmem:s7] =	stream.indirect.scatter.add.f32 [tilespmem:s25], [sflag:$0x5], $0x1, s18, s23, $0xb8;
	[tilespmem:$0x18D40] =	vst v63  }
0xb5: {  	_ = 	snop  }
0xb6: {  	[spmem:s5] =	stream.indirect.scatter.add.f32 [tilespmem:s25], [sflag:$0x5], $0x1, s17, s23, $0xb8;
	[tilespmem:$0x18D40] =	vst v63  }
0xb7: {  	_ = 	snop  }
0xb8: {  	[spmem:s7] =	stream.indirect.scatter.add.f32 [tilespmem:s25], [sflag:$0x5], $0x1, s31, s23, $0xb8;
	[tilespmem:$0x18D40] =	vst v63  }
0xb9: {  	_ = 	snop  }
0xba: {  	[spmem:s5] =	stream.indirect.scatter.add.f32 [tilespmem:s25], [sflag:$0x5], $0x1, s13, s23, $0xb8;
	[tilespmem:$0x18D40] =	vst v63  }
0xbb: {  	_ =	swait.ge [sflag:s26], $0x4000  }
0xbc: {  	[sflag:s26] =	ssyncset.done $0x0  }
0xbd: {  	[sflag:s26] =	ssyncadd.s32 $0xFFFFC000  }
0xbe: {  	[tilespmem:s28], [sflag:$0x2] =	stream.indirect.gather [hbm4b:s20+s23], $0x20, s13, s23, $0xb8;
	[tilespmem:$0x18D40] =	vst v63  }
0xbf: {  	_ = 	snop  }
0xc0: {  	[spmem:s2] =	stream.indirect.scatter.add.f32 [tilespmem:s24], [sflag:$0x3], $0x20, s18, s23, $0xb8;
	[tilespmem:$0x18D40] =	vst v63  }
0xc1: {  	_ =	swait.ge [sflag:s29], $0x4000  }
0xc2: {  	[sflag:s29] =	ssyncset.done $0x0  }
0xc3: {  	[sflag:s29] =	ssyncadd.s32 $0xFFFFC000  }
0xc4: {  	_ =	swait.ge [sflag:s30], $0x4000  }
0xc5: {  	[sflag:s30] =	ssyncset.done $0x0  }
0xc6: {  	s12 =	simm.s32 $0xA900;
	[sflag:s30] =	ssyncadd.s32 $0xFFFFC000  }
0xc7: {  	[tilespmem:s24], [sflag:$0x1] =	stream.indirect.gather [hbm4b:s20+s23], $0x20, s12, s23, $0xb8;
	[tilespmem:$0x18D40] =	vst v63  }
0xc8: {  	_ = 	snop  }
0xc9: {  	[spmem:s2] =	stream.indirect.scatter.add.f32 [tilespmem:s28], [sflag:$0x4], $0x20, s31, s23, $0xb8;
	[tilespmem:$0x18D40] =	vst v63  }
0xca: {  	_ =	swait.ge [sflag:s4], $0x4000  }
0xcb: {  	[sflag:s4] =	ssyncset.done $0x0  }
0xcc: {  	[sflag:s4] =	ssyncadd.s32 $0xFFFFC000  }
0xcd: {  	_ =	swait.ge [sflag:s6], $0x200  }
0xce: {  	[sflag:s6] =	ssyncset.done $0x0  }
0xcf: {  	[sflag:s6] =	ssyncadd.s32 $0xFFFFFE00  }
0xd0: {  	_ =	swait.ge [sflag:s6], $0x200  }
0xd1: {  	[sflag:s6] =	ssyncset.done $0x0  }
0xd2: {  	[sflag:s6] =	ssyncadd.s32 $0xFFFFFE00  }
0xd3: {  	_ =	swait.ge [sflag:s6], $0x200  }
0xd4: {  	[sflag:s6] =	ssyncset.done $0x0  }
0xd5: {  	[sflag:s6] =	ssyncadd.s32 $0xFFFFFE00  }
0xd6: {  	_ =	swait.ge [sflag:s6], $0x200  }
0xd7: {  	[sflag:s6] =	ssyncset.done $0x0  }
0xd8: {  	s13 =	simm.s32 $0xB900;
	[sflag:s6] =	ssyncadd.s32 $0xFFFFFE00  }
0xd9: {  	[spmem:s7] =	stream.indirect.scatter.add.f32 [tilespmem:s25], [sflag:$0x5], $0x1, s13, s23, $0xb8;
	[tilespmem:$0x18D40] =	vst v63  }
0xda: {  	_ = 	snop  }
0xdb: {  	[spmem:s5] =	stream.indirect.scatter.add.f32 [tilespmem:s25], [sflag:$0x5], $0x1, s12, s23, $0xb8;
	[tilespmem:$0x18D40] =	vst v63  }
0xdc: {  	s31 =	simm.s32 $0xBB00  }
0xdd: {  	[spmem:s7] =	stream.indirect.scatter.add.f32 [tilespmem:s25], [sflag:$0x5], $0x1, s31, s23, $0xb8;
	[tilespmem:$0x18D40] =	vst v63  }
0xde: {  	s1 =	simm.s32 $0xAB00  }
0xdf: {  	[spmem:s5] =	stream.indirect.scatter.add.f32 [tilespmem:s25], [sflag:$0x5], $0x1, s1, s23, $0xb8;
	[tilespmem:$0x18D40] =	vst v63  }
0xe0: {  	_ =	swait.ge [sflag:s26], $0x4000  }
0xe1: {  	[sflag:s26] =	ssyncset.done $0x0  }
0xe2: {  	[sflag:s26] =	ssyncadd.s32 $0xFFFFC000  }
0xe3: {  	[tilespmem:s28], [sflag:$0x2] =	stream.indirect.gather [hbm4b:s20+s23], $0x20, s1, s23, $0xb8;
	[tilespmem:$0x18D40] =	vst v63  }
0xe4: {  	_ = 	snop  }
0xe5: {  	[spmem:s2] =	stream.indirect.scatter.add.f32 [tilespmem:s24], [sflag:$0x3], $0x20, s13, s23, $0xb8;
	[tilespmem:$0x18D40] =	vst v63  }
0xe6: {  	_ =	swait.ge [sflag:s29], $0x4000  }
0xe7: {  	[sflag:s29] =	ssyncset.done $0x0  }
0xe8: {  	[sflag:s29] =	ssyncadd.s32 $0xFFFFC000  }
0xe9: {  	_ =	swait.ge [sflag:s30], $0x4000  }
0xea: {  	[sflag:s30] =	ssyncset.done $0x0  }
0xeb: {  	s12 =	simm.s32 $0xAD00;
	[sflag:s30] =	ssyncadd.s32 $0xFFFFC000  }
0xec: {  	[tilespmem:s24], [sflag:$0x1] =	stream.indirect.gather [hbm4b:s20+s23], $0x20, s12, s23, $0xb8;
	[tilespmem:$0x18D40] =	vst v63  }
0xed: {  	_ = 	snop  }
0xee: {  	[spmem:s2] =	stream.indirect.scatter.add.f32 [tilespmem:s28], [sflag:$0x4], $0x20, s31, s23, $0xb8;
	[tilespmem:$0x18D40] =	vst v63  }
0xef: {  	_ =	swait.ge [sflag:s4], $0x4000  }
0xf0: {  	[sflag:s4] =	ssyncset.done $0x0  }
0xf1: {  	[sflag:s4] =	ssyncadd.s32 $0xFFFFC000  }
0xf2: {  	_ =	swait.ge [sflag:s6], $0x200  }
0xf3: {  	[sflag:s6] =	ssyncset.done $0x0  }
0xf4: {  	[sflag:s6] =	ssyncadd.s32 $0xFFFFFE00  }
0xf5: {  	_ =	swait.ge [sflag:s6], $0x200  }
0xf6: {  	[sflag:s6] =	ssyncset.done $0x0  }
0xf7: {  	[sflag:s6] =	ssyncadd.s32 $0xFFFFFE00  }
0xf8: {  	_ =	swait.ge [sflag:s6], $0x200  }
0xf9: {  	[sflag:s6] =	ssyncset.done $0x0  }
0xfa: {  	[sflag:s6] =	ssyncadd.s32 $0xFFFFFE00  }
0xfb: {  	_ =	swait.ge [sflag:s6], $0x200  }
0xfc: {  	[sflag:s6] =	ssyncset.done $0x0  }
0xfd: {  	s13 =	simm.s32 $0xBD00;
	[sflag:s6] =	ssyncadd.s32 $0xFFFFFE00  }
0xfe: {  	[spmem:s7] =	stream.indirect.scatter.add.f32 [tilespmem:s25], [sflag:$0x5], $0x1, s13, s23, $0xb8;
	[tilespmem:$0x18D40] =	vst v63  }
0xff: {  	_ = 	snop  }
0x100: {  	[spmem:s5] =	stream.indirect.scatter.add.f32 [tilespmem:s25], [sflag:$0x5], $0x1, s12, s23, $0xb8;
	[tilespmem:$0x18D40] =	vst v63  }
0x101: {  	s31 =	simm.s32 $0xBF00  }
0x102: {  	[spmem:s7] =	stream.indirect.scatter.add.f32 [tilespmem:s25], [sflag:$0x5], $0x1, s31, s23, $0xb8;
	[tilespmem:$0x18D40] =	vst v63  }
0x103: {  	s1 =	simm.s32 $0xAF00  }
0x104: {  	[spmem:s5] =	stream.indirect.scatter.add.f32 [tilespmem:s25], [sflag:$0x5], $0x1, s1, s23, $0xb8;
	[tilespmem:$0x18D40] =	vst v63  }
0x105: {  	_ =	swait.ge [sflag:s26], $0x4000  }
0x106: {  	[sflag:s26] =	ssyncset.done $0x0  }
0x107: {  	[sflag:s26] =	ssyncadd.s32 $0xFFFFC000  }
0x108: {  	[tilespmem:s28], [sflag:$0x2] =	stream.indirect.gather [hbm4b:s20+s23], $0x20, s1, s23, $0xb8;
	[tilespmem:$0x18D40] =	vst v63  }
0x109: {  	_ = 	snop  }
0x10a: {  	[spmem:s2] =	stream.indirect.scatter.add.f32 [tilespmem:s24], [sflag:$0x3], $0x20, s13, s23, $0xb8;
	[tilespmem:$0x18D40] =	vst v63  }
0x10b: {  	_ =	swait.ge [sflag:s29], $0x4000  }
0x10c: {  	[sflag:s29] =	ssyncset.done $0x0  }
0x10d: {  	[sflag:s29] =	ssyncadd.s32 $0xFFFFC000  }
0x10e: {  	_ =	swait.ge [sflag:s30], $0x4000  }
0x10f: {  	[sflag:s30] =	ssyncset.done $0x0  }
0x110: {  	s10 =	simm.s32 $0xB100;
	[sflag:s30] =	ssyncadd.s32 $0xFFFFC000  }
0x111: {  	[tilespmem:s24], [sflag:$0x1] =	stream.indirect.gather [hbm4b:s20+s23], $0x20, s10, s23, $0xb8;
	[tilespmem:$0x18D40] =	vst v63  }
0x112: {  	_ = 	snop  }
0x113: {  	[spmem:s2] =	stream.indirect.scatter.add.f32 [tilespmem:s28], [sflag:$0x4], $0x20, s31, s23, $0xb8;
	[tilespmem:$0x18D40] =	vst v63  }
0x114: {  	_ =	swait.ge [sflag:s4], $0x4000  }
0x115: {  	[sflag:s4] =	ssyncset.done $0x0  }
0x116: {  	[sflag:s4] =	ssyncadd.s32 $0xFFFFC000  }
0x117: {  	_ =	swait.ge [sflag:s6], $0x200  }
0x118: {  	[sflag:s6] =	ssyncset.done $0x0  }
0x119: {  	[sflag:s6] =	ssyncadd.s32 $0xFFFFFE00  }
0x11a: {  	_ =	swait.ge [sflag:s6], $0x200  }
0x11b: {  	[sflag:s6] =	ssyncset.done $0x0  }
0x11c: {  	[sflag:s6] =	ssyncadd.s32 $0xFFFFFE00  }
0x11d: {  	_ =	swait.ge [sflag:s6], $0x200  }
0x11e: {  	[sflag:s6] =	ssyncset.done $0x0  }
0x11f: {  	[sflag:s6] =	ssyncadd.s32 $0xFFFFFE00  }
0x120: {  	_ =	swait.ge [sflag:s6], $0x200  }
0x121: {  	[sflag:s6] =	ssyncset.done $0x0  }
0x122: {  	s12 =	simm.s32 $0xC100;
	[sflag:s6] =	ssyncadd.s32 $0xFFFFFE00  }
0x123: {  	[spmem:s7] =	stream.indirect.scatter.add.f32 [tilespmem:s25], [sflag:$0x5], $0x1, s12, s23, $0xb8;
	[tilespmem:$0x18D40] =	vst v63  }
0x124: {  	_ = 	snop  }
0x125: {  	[spmem:s5] =	stream.indirect.scatter.add.f32 [tilespmem:s25], [sflag:$0x5], $0x1, s10, s23, $0xb8;
	[tilespmem:$0x18D40] =	vst v63  }
0x126: {  	s13 =	simm.s32 $0xC300  }
0x127: {  	[spmem:s7] =	stream.indirect.scatter.add.f32 [tilespmem:s25], [sflag:$0x5], $0x1, s13, s23, $0xb8;
	[tilespmem:$0x18D40] =	vst v63  }
0x128: {  	s31 =	simm.s32 $0xB300  }
0x129: {  	[spmem:s5] =	stream.indirect.scatter.add.f32 [tilespmem:s25], [sflag:$0x5], $0x1, s31, s23, $0xb8;
	[tilespmem:$0x18D40] =	vst v63  }
0x12a: {  	_ =	swait.ge [sflag:s26], $0x4000  }
0x12b: {  	[sflag:s26] =	ssyncset.done $0x0  }
0x12c: {  	[sflag:s26] =	ssyncadd.s32 $0xFFFFC000  }
0x12d: {  	[tilespmem:s28], [sflag:$0x2] =	stream.indirect.gather [hbm4b:s20+s23], $0x20, s31, s23, $0xb8;
	[tilespmem:$0x18D40] =	vst v63  }
0x12e: {  	_ = 	snop  }
0x12f: {  	[spmem:s2] =	stream.indirect.scatter.add.f32 [tilespmem:s24], [sflag:$0x3], $0x20, s12, s23, $0xb8;
	[tilespmem:$0x18D40] =	vst v63  }
0x130: {  	_ =	swait.ge [sflag:s29], $0x4000  }
0x131: {  	[sflag:s29] =	ssyncset.done $0x0  }
0x132: {  	[sflag:s29] =	ssyncadd.s32 $0xFFFFC000  }
0x133: {  	_ =	swait.ge [sflag:s30], $0x4000  }
0x134: {  	[sflag:s30] =	ssyncset.done $0x0  }
0x135: {  	[sflag:s30] =	ssyncadd.s32 $0xFFFFC000  }
0x136: {  	[spmem:s2] =	stream.indirect.scatter.add.f32 [tilespmem:s28], [sflag:$0x4], $0x20, s13, s23, $0xb8;
	[tilespmem:$0x18D40] =	vst v63  }
0x137: {  	_ =	swait.ge [sflag:s4], $0x4000  }
0x138: {  	[sflag:s4] =	ssyncset.done $0x0  }
0x139: {  	[sflag:s4] =	ssyncadd.s32 $0xFFFFC000  }
0x13a: {  	_ =	swait.ge [sflag:s6], $0x200  }
0x13b: {  	[sflag:s6] =	ssyncset.done $0x0  }
0x13c: {  	[sflag:s6] =	ssyncadd.s32 $0xFFFFFE00  }
0x13d: {  	_ =	swait.ge [sflag:s6], $0x200  }
0x13e: {  	[sflag:s6] =	ssyncset.done $0x0  }
0x13f: {  	[sflag:s6] =	ssyncadd.s32 $0xFFFFFE00  }
0x140: {  	_ =	swait.ge [sflag:s6], $0x200  }
0x141: {  	[sflag:s6] =	ssyncset.done $0x0  }
0x142: {  	[sflag:s6] =	ssyncadd.s32 $0xFFFFFE00  }
0x143: {  	s9 =	simm.s32 $0x200;
	s1 =	smov.u32 s5;
	_ =	swait.ge [sflag:s6], $0x200  }
0x144: {  	s10 =	simm.s32 $0x200;
	s13 =	simm.s32 $0x400;
	[sflag:s6] =	ssyncset.done $0x0  }
.LBB2_4:
0x145: {  	s31 =	sadd.s32 s9, s11  }
0x146: {  	[sflag:s6] =	ssyncadd.s32 $0xFFFFFE00;
	s0 =	smov.u32 s13;
	s12 =	sadd.s32 $0x200, s13  }
0x147: {  	[tilespmem:s17], [sflag:$0x6] =	stream.linear.gather [hbm4b:s31+s19], $0x1000, $0x38;
	[tilespmem:$0x18D40] =	vst v63  }
0x148: {  	s31 =	simm.s32 $0xB700  }
0x149: {  	p0 =	sne.s32 s13, $0x800;
	_ =	swait.ge [sflag:s15], $0x1000  }
0x14a: {  	[sflag:s15] =	ssyncset.done $0x0  }
0x14b: {  	s13 =	sadd.s32 s9, s14;
	s9 =	smov.u32 s0;
	[sflag:s15] =	ssyncadd.s32 $0xFFFFF000  }
0x14c: {  	[tilespmem:s18], [sflag:$0x6] =	stream.linear.gather [hbm4b:s13+s19], $0x1000, $0x38;
	[tilespmem:$0x18D40] =	vst v63  }
0x14d: {  	_ =	swait.ge [sflag:s15], $0x1000  }
0x14e: {  	[sflag:s15] =	ssyncset.done $0x0  }
0x14f: {  	[sflag:s15] =	ssyncadd.s32 $0xFFFFF000  }
0x150: {  	[tilespmem:s24], [sflag:$0x1] =	stream.indirect.gather [hbm4b:s20+s23], $0x20, s17, s23, $0xb8;
	[tilespmem:$0x18D40] =	vst v63  }
0x151: {  	_ = 	snop  }
0x152: {  	[spmem:s7] =	stream.indirect.scatter.add.f32 [tilespmem:s25], [sflag:$0x5], $0x1, s18, s23, $0xb8;
	[tilespmem:$0x18D40] =	vst v63  }
0x153: {  	_ = 	snop  }
0x154: {  	[spmem:s1] =	stream.indirect.scatter.add.f32 [tilespmem:s25], [sflag:$0x5], $0x1, s17, s23, $0xb8;
	[tilespmem:$0x18D40] =	vst v63  }
0x155: {  	_ = 	snop  }
0x156: {  	[spmem:s7] =	stream.indirect.scatter.add.f32 [tilespmem:s25], [sflag:$0x5], $0x1, s31, s23, $0xb8;
	[tilespmem:$0x18D40] =	vst v63  }
0x157: {  	s0 =	simm.s32 $0xA700  }
0x158: {  	[spmem:s1] =	stream.indirect.scatter.add.f32 [tilespmem:s25], [sflag:$0x5], $0x1, s0, s23, $0xb8;
	[tilespmem:$0x18D40] =	vst v63  }
0x159: {  	_ =	swait.ge [sflag:s26], $0x4000  }
0x15a: {  	[sflag:s26] =	ssyncset.done $0x0  }
0x15b: {  	[sflag:s26] =	ssyncadd.s32 $0xFFFFC000  }
0x15c: {  	[tilespmem:s28], [sflag:$0x2] =	stream.indirect.gather [hbm4b:s20+s23], $0x20, s0, s23, $0xb8;
	[tilespmem:$0x18D40] =	vst v63  }
0x15d: {  	_ = 	snop  }
0x15e: {  	[spmem:s2] =	stream.indirect.scatter.add.f32 [tilespmem:s24], [sflag:$0x3], $0x20, s18, s23, $0xb8;
	[tilespmem:$0x18D40] =	vst v63  }
0x15f: {  	_ =	swait.ge [sflag:s29], $0x4000  }
0x160: {  	[sflag:s29] =	ssyncset.done $0x0  }
0x161: {  	[sflag:s29] =	ssyncadd.s32 $0xFFFFC000  }
0x162: {  	_ =	swait.ge [sflag:s30], $0x4000  }
0x163: {  	[sflag:s30] =	ssyncset.done $0x0  }
0x164: {  	s0 =	simm.s32 $0xA900;
	[sflag:s30] =	ssyncadd.s32 $0xFFFFC000  }
0x165: {  	[tilespmem:s24], [sflag:$0x1] =	stream.indirect.gather [hbm4b:s20+s23], $0x20, s0, s23, $0xb8;
	[tilespmem:$0x18D40] =	vst v63  }
0x166: {  	_ = 	snop  }
0x167: {  	[spmem:s2] =	stream.indirect.scatter.add.f32 [tilespmem:s28], [sflag:$0x4], $0x20, s31, s23, $0xb8;
	[tilespmem:$0x18D40] =	vst v63  }
0x168: {  	_ =	swait.ge [sflag:s4], $0x4000  }
0x169: {  	[sflag:s4] =	ssyncset.done $0x0  }
0x16a: {  	[sflag:s4] =	ssyncadd.s32 $0xFFFFC000  }
0x16b: {  	_ =	swait.ge [sflag:s6], $0x200  }
0x16c: {  	[sflag:s6] =	ssyncset.done $0x0  }
0x16d: {  	[sflag:s6] =	ssyncadd.s32 $0xFFFFFE00  }
0x16e: {  	_ =	swait.ge [sflag:s6], $0x200  }
0x16f: {  	[sflag:s6] =	ssyncset.done $0x0  }
0x170: {  	[sflag:s6] =	ssyncadd.s32 $0xFFFFFE00  }
0x171: {  	_ =	swait.ge [sflag:s6], $0x200  }
0x172: {  	[sflag:s6] =	ssyncset.done $0x0  }
0x173: {  	[sflag:s6] =	ssyncadd.s32 $0xFFFFFE00  }
0x174: {  	_ =	swait.ge [sflag:s6], $0x200  }
0x175: {  	[sflag:s6] =	ssyncset.done $0x0  }
0x176: {  	s13 =	simm.s32 $0xB900;
	[sflag:s6] =	ssyncadd.s32 $0xFFFFFE00  }
0x177: {  	[spmem:s7] =	stream.indirect.scatter.add.f32 [tilespmem:s25], [sflag:$0x5], $0x1, s13, s23, $0xb8;
	[tilespmem:$0x18D40] =	vst v63  }
0x178: {  	_ = 	snop  }
0x179: {  	[spmem:s1] =	stream.indirect.scatter.add.f32 [tilespmem:s25], [sflag:$0x5], $0x1, s0, s23, $0xb8;
	[tilespmem:$0x18D40] =	vst v63  }
0x17a: {  	s5 =	simm.s32 $0xBB00  }
0x17b: {  	[spmem:s7] =	stream.indirect.scatter.add.f32 [tilespmem:s25], [sflag:$0x5], $0x1, s5, s23, $0xb8;
	[tilespmem:$0x18D40] =	vst v63  }
0x17c: {  	s0 =	simm.s32 $0xAB00  }
0x17d: {  	[spmem:s1] =	stream.indirect.scatter.add.f32 [tilespmem:s25], [sflag:$0x5], $0x1, s0, s23, $0xb8;
	[tilespmem:$0x18D40] =	vst v63  }
0x17e: {  	_ =	swait.ge [sflag:s26], $0x4000  }
0x17f: {  	[sflag:s26] =	ssyncset.done $0x0  }
0x180: {  	[sflag:s26] =	ssyncadd.s32 $0xFFFFC000  }
0x181: {  	[tilespmem:s28], [sflag:$0x2] =	stream.indirect.gather [hbm4b:s20+s23], $0x20, s0, s23, $0xb8;
	[tilespmem:$0x18D40] =	vst v63  }
0x182: {  	_ = 	snop  }
0x183: {  	[spmem:s2] =	stream.indirect.scatter.add.f32 [tilespmem:s24], [sflag:$0x3], $0x20, s13, s23, $0xb8;
	[tilespmem:$0x18D40] =	vst v63  }
0x184: {  	_ =	swait.ge [sflag:s29], $0x4000  }
0x185: {  	[sflag:s29] =	ssyncset.done $0x0  }
0x186: {  	[sflag:s29] =	ssyncadd.s32 $0xFFFFC000  }
0x187: {  	_ =	swait.ge [sflag:s30], $0x4000  }
0x188: {  	[sflag:s30] =	ssyncset.done $0x0  }
0x189: {  	s0 =	simm.s32 $0xAD00;
	[sflag:s30] =	ssyncadd.s32 $0xFFFFC000  }
0x18a: {  	[tilespmem:s24], [sflag:$0x1] =	stream.indirect.gather [hbm4b:s20+s23], $0x20, s0, s23, $0xb8;
	[tilespmem:$0x18D40] =	vst v63  }
0x18b: {  	_ = 	snop  }
0x18c: {  	[spmem:s2] =	stream.indirect.scatter.add.f32 [tilespmem:s28], [sflag:$0x4], $0x20, s5, s23, $0xb8;
	[tilespmem:$0x18D40] =	vst v63  }
0x18d: {  	_ =	swait.ge [sflag:s4], $0x4000  }
0x18e: {  	[sflag:s4] =	ssyncset.done $0x0  }
0x18f: {  	[sflag:s4] =	ssyncadd.s32 $0xFFFFC000  }
0x190: {  	_ =	swait.ge [sflag:s6], $0x200  }
0x191: {  	[sflag:s6] =	ssyncset.done $0x0  }
0x192: {  	[sflag:s6] =	ssyncadd.s32 $0xFFFFFE00  }
0x193: {  	_ =	swait.ge [sflag:s6], $0x200  }
0x194: {  	[sflag:s6] =	ssyncset.done $0x0  }
0x195: {  	[sflag:s6] =	ssyncadd.s32 $0xFFFFFE00  }
0x196: {  	_ =	swait.ge [sflag:s6], $0x200  }
0x197: {  	[sflag:s6] =	ssyncset.done $0x0  }
0x198: {  	[sflag:s6] =	ssyncadd.s32 $0xFFFFFE00  }
0x199: {  	_ =	swait.ge [sflag:s6], $0x200  }
0x19a: {  	[sflag:s6] =	ssyncset.done $0x0  }
0x19b: {  	s5 =	simm.s32 $0xBD00;
	[sflag:s6] =	ssyncadd.s32 $0xFFFFFE00  }
0x19c: {  	[spmem:s7] =	stream.indirect.scatter.add.f32 [tilespmem:s25], [sflag:$0x5], $0x1, s5, s23, $0xb8;
	[tilespmem:$0x18D40] =	vst v63  }
0x19d: {  	_ = 	snop  }
0x19e: {  	[spmem:s1] =	stream.indirect.scatter.add.f32 [tilespmem:s25], [sflag:$0x5], $0x1, s0, s23, $0xb8;
	[tilespmem:$0x18D40] =	vst v63  }
0x19f: {  	s13 =	simm.s32 $0xBF00  }
0x1a0: {  	[spmem:s7] =	stream.indirect.scatter.add.f32 [tilespmem:s25], [sflag:$0x5], $0x1, s13, s23, $0xb8;
	[tilespmem:$0x18D40] =	vst v63  }
0x1a1: {  	s0 =	simm.s32 $0xAF00  }
0x1a2: {  	[spmem:s1] =	stream.indirect.scatter.add.f32 [tilespmem:s25], [sflag:$0x5], $0x1, s0, s23, $0xb8;
	[tilespmem:$0x18D40] =	vst v63  }
0x1a3: {  	_ =	swait.ge [sflag:s26], $0x4000  }
0x1a4: {  	[sflag:s26] =	ssyncset.done $0x0  }
0x1a5: {  	[sflag:s26] =	ssyncadd.s32 $0xFFFFC000  }
0x1a6: {  	[tilespmem:s28], [sflag:$0x2] =	stream.indirect.gather [hbm4b:s20+s23], $0x20, s0, s23, $0xb8;
	[tilespmem:$0x18D40] =	vst v63  }
0x1a7: {  	_ = 	snop  }
0x1a8: {  	[spmem:s2] =	stream.indirect.scatter.add.f32 [tilespmem:s24], [sflag:$0x3], $0x20, s5, s23, $0xb8;
	[tilespmem:$0x18D40] =	vst v63  }
0x1a9: {  	_ =	swait.ge [sflag:s29], $0x4000  }
0x1aa: {  	[sflag:s29] =	ssyncset.done $0x0  }
0x1ab: {  	[sflag:s29] =	ssyncadd.s32 $0xFFFFC000  }
0x1ac: {  	_ =	swait.ge [sflag:s30], $0x4000  }
0x1ad: {  	[sflag:s30] =	ssyncset.done $0x0  }
0x1ae: {  	s0 =	simm.s32 $0xB100;
	[sflag:s30] =	ssyncadd.s32 $0xFFFFC000  }
0x1af: {  	[tilespmem:s24], [sflag:$0x1] =	stream.indirect.gather [hbm4b:s20+s23], $0x20, s0, s23, $0xb8;
	[tilespmem:$0x18D40] =	vst v63  }
0x1b0: {  	_ = 	snop  }
0x1b1: {  	[spmem:s2] =	stream.indirect.scatter.add.f32 [tilespmem:s28], [sflag:$0x4], $0x20, s13, s23, $0xb8;
	[tilespmem:$0x18D40] =	vst v63  }
0x1b2: {  	_ =	swait.ge [sflag:s4], $0x4000  }
0x1b3: {  	[sflag:s4] =	ssyncset.done $0x0  }
0x1b4: {  	[sflag:s4] =	ssyncadd.s32 $0xFFFFC000  }
0x1b5: {  	_ =	swait.ge [sflag:s6], $0x200  }
0x1b6: {  	[sflag:s6] =	ssyncset.done $0x0  }
0x1b7: {  	[sflag:s6] =	ssyncadd.s32 $0xFFFFFE00  }
0x1b8: {  	_ =	swait.ge [sflag:s6], $0x200  }
0x1b9: {  	[sflag:s6] =	ssyncset.done $0x0  }
0x1ba: {  	[sflag:s6] =	ssyncadd.s32 $0xFFFFFE00  }
0x1bb: {  	_ =	swait.ge [sflag:s6], $0x200  }
0x1bc: {  	[sflag:s6] =	ssyncset.done $0x0  }
0x1bd: {  	[sflag:s6] =	ssyncadd.s32 $0xFFFFFE00  }
0x1be: {  	_ =	swait.ge [sflag:s6], $0x200  }
0x1bf: {  	[sflag:s6] =	ssyncset.done $0x0  }
0x1c0: {  	s13 =	simm.s32 $0xC100;
	[sflag:s6] =	ssyncadd.s32 $0xFFFFFE00  }
0x1c1: {  	[spmem:s7] =	stream.indirect.scatter.add.f32 [tilespmem:s25], [sflag:$0x5], $0x1, s13, s23, $0xb8;
	[tilespmem:$0x18D40] =	vst v63  }
0x1c2: {  	_ = 	snop  }
0x1c3: {  	[spmem:s1] =	stream.indirect.scatter.add.f32 [tilespmem:s25], [sflag:$0x5], $0x1, s0, s23, $0xb8;
	[tilespmem:$0x18D40] =	vst v63  }
0x1c4: {  	s5 =	simm.s32 $0xC300  }
0x1c5: {  	[spmem:s7] =	stream.indirect.scatter.add.f32 [tilespmem:s25], [sflag:$0x5], $0x1, s5, s23, $0xb8;
	[tilespmem:$0x18D40] =	vst v63  }
0x1c6: {  	s0 =	simm.s32 $0xB300  }
0x1c7: {  	[spmem:s1] =	stream.indirect.scatter.add.f32 [tilespmem:s25], [sflag:$0x5], $0x1, s0, s23, $0xb8;
	[tilespmem:$0x18D40] =	vst v63  }
0x1c8: {  	_ =	swait.ge [sflag:s26], $0x4000  }
0x1c9: {  	[sflag:s26] =	ssyncset.done $0x0  }
0x1ca: {  	[sflag:s26] =	ssyncadd.s32 $0xFFFFC000  }
0x1cb: {  	[tilespmem:s28], [sflag:$0x2] =	stream.indirect.gather [hbm4b:s20+s23], $0x20, s0, s23, $0xb8;
	[tilespmem:$0x18D40] =	vst v63  }
0x1cc: {  	_ = 	snop  }
0x1cd: {  	[spmem:s2] =	stream.indirect.scatter.add.f32 [tilespmem:s24], [sflag:$0x3], $0x20, s13, s23, $0xb8;
	[tilespmem:$0x18D40] =	vst v63  }
0x1ce: {  	_ =	swait.ge [sflag:s29], $0x4000  }
0x1cf: {  	[sflag:s29] =	ssyncset.done $0x0  }
0x1d0: {  	[sflag:s29] =	ssyncadd.s32 $0xFFFFC000  }
0x1d1: {  	_ =	swait.ge [sflag:s30], $0x4000  }
0x1d2: {  	[sflag:s30] =	ssyncset.done $0x0  }
0x1d3: {  	[sflag:s30] =	ssyncadd.s32 $0xFFFFC000  }
0x1d4: {  	[spmem:s2] =	stream.indirect.scatter.add.f32 [tilespmem:s28], [sflag:$0x4], $0x20, s5, s23, $0xb8;
	[tilespmem:$0x18D40] =	vst v63  }
0x1d5: {  	_ =	swait.ge [sflag:s4], $0x4000  }
0x1d6: {  	[sflag:s4] =	ssyncset.done $0x0  }
0x1d7: {  	[sflag:s4] =	ssyncadd.s32 $0xFFFFC000  }
0x1d8: {  	_ =	swait.ge [sflag:s6], $0x200  }
0x1d9: {  	[sflag:s6] =	ssyncset.done $0x0  }
0x1da: {  	[sflag:s6] =	ssyncadd.s32 $0xFFFFFE00  }
0x1db: {  	_ =	swait.ge [sflag:s6], $0x200  }
0x1dc: {  	[sflag:s6] =	ssyncset.done $0x0  }
0x1dd: {  	[sflag:s6] =	ssyncadd.s32 $0xFFFFFE00  }
.Ltmp1:
0x1de: {  	_ =	swait.ge [sflag:s6], $0x200;
	(pc) =	sbr.rel @p0 .LBB2_4-.Ltmp1, $4  }
0x1df: {  	[sflag:s6] =	ssyncset.done $0x0  }
0x1e0: {  	[sflag:s6] =	ssyncadd.s32 $0xFFFFFE00  }
0x1e1: {  	_ =	swait.ge [sflag:s6], $0x200  }
0x1e2: {  	s13 =	smov.u32 s12;
	[sflag:s6] =	ssyncset.done $0x0  }
0x1e3: {  	s0 =	sadd.s32 s9, s11;
	[sflag:s6] =	ssyncadd.s32 $0xFFFFFE00  }
0x1e4: {  	[tilespmem:s17], [sflag:$0x6] =	stream.linear.gather [hbm4b:s0+s19], $0x1000, $0x38;
	[tilespmem:$0x18D40] =	vst v63  }
0x1e5: {  	_ =	swait.ge [sflag:s15], $0x1000  }
0x1e6: {  	[sflag:s15] =	ssyncset.done $0x0  }
0x1e7: {  	s5 =	sadd.s32 s9, s14;
	[sflag:s15] =	ssyncadd.s32 $0xFFFFF000  }
0x1e8: {  	[tilespmem:s18], [sflag:$0x6] =	stream.linear.gather [hbm4b:s5+s19], $0x1000, $0x38;
	[tilespmem:$0x18D40] =	vst v63  }
0x1e9: {  	_ =	swait.ge [sflag:s15], $0x1000  }
0x1ea: {  	[sflag:s15] =	ssyncset.done $0x0  }
0x1eb: {  	[sflag:s15] =	ssyncadd.s32 $0xFFFFF000  }
0x1ec: {  	[tilespmem:s24], [sflag:$0x1] =	stream.indirect.gather [hbm4b:s20+s23], $0x20, s17, s23, $0xb8;
	[tilespmem:$0x18D40] =	vst v63  }
0x1ed: {  	_ = 	snop  }
0x1ee: {  	[spmem:s7] =	stream.indirect.scatter.add.f32 [tilespmem:s25], [sflag:$0x5], $0x1, s18, s23, $0xb8;
	[tilespmem:$0x18D40] =	vst v63  }
0x1ef: {  	_ = 	snop  }
0x1f0: {  	[spmem:s1] =	stream.indirect.scatter.add.f32 [tilespmem:s25], [sflag:$0x5], $0x1, s17, s23, $0xb8;
	[tilespmem:$0x18D40] =	vst v63  }
0x1f1: {  	_ = 	snop  }
0x1f2: {  	[spmem:s7] =	stream.indirect.scatter.add.f32 [tilespmem:s25], [sflag:$0x5], $0x1, s31, s23, $0xb8;
	[tilespmem:$0x18D40] =	vst v63  }
0x1f3: {  	s9 =	simm.s32 $0xA700  }
0x1f4: {  	[spmem:s1] =	stream.indirect.scatter.add.f32 [tilespmem:s25], [sflag:$0x5], $0x1, s9, s23, $0xb8;
	[tilespmem:$0x18D40] =	vst v63  }
0x1f5: {  	_ =	swait.ge [sflag:s26], $0x4000  }
0x1f6: {  	[sflag:s26] =	ssyncset.done $0x0  }
0x1f7: {  	[sflag:s26] =	ssyncadd.s32 $0xFFFFC000  }
0x1f8: {  	[tilespmem:s28], [sflag:$0x2] =	stream.indirect.gather [hbm4b:s20+s23], $0x20, s9, s23, $0xb8;
	[tilespmem:$0x18D40] =	vst v63  }
0x1f9: {  	_ = 	snop  }
0x1fa: {  	[spmem:s2] =	stream.indirect.scatter.add.f32 [tilespmem:s24], [sflag:$0x3], $0x20, s18, s23, $0xb8;
	[tilespmem:$0x18D40] =	vst v63  }
0x1fb: {  	_ =	swait.ge [sflag:s29], $0x4000  }
0x1fc: {  	[sflag:s29] =	ssyncset.done $0x0  }
0x1fd: {  	[sflag:s29] =	ssyncadd.s32 $0xFFFFC000  }
0x1fe: {  	_ =	swait.ge [sflag:s30], $0x4000  }
0x1ff: {  	[sflag:s30] =	ssyncset.done $0x0  }
0x200: {  	s12 =	simm.s32 $0xA900;
	[sflag:s30] =	ssyncadd.s32 $0xFFFFC000  }
0x201: {  	[tilespmem:s24], [sflag:$0x1] =	stream.indirect.gather [hbm4b:s20+s23], $0x20, s12, s23, $0xb8;
	[tilespmem:$0x18D40] =	vst v63  }
0x202: {  	_ = 	snop  }
0x203: {  	[spmem:s2] =	stream.indirect.scatter.add.f32 [tilespmem:s28], [sflag:$0x4], $0x20, s31, s23, $0xb8;
	[tilespmem:$0x18D40] =	vst v63  }
0x204: {  	_ =	swait.ge [sflag:s4], $0x4000  }
0x205: {  	[sflag:s4] =	ssyncset.done $0x0  }
0x206: {  	[sflag:s4] =	ssyncadd.s32 $0xFFFFC000  }
0x207: {  	_ =	swait.ge [sflag:s6], $0x200  }
0x208: {  	[sflag:s6] =	ssyncset.done $0x0  }
0x209: {  	[sflag:s6] =	ssyncadd.s32 $0xFFFFFE00  }
0x20a: {  	_ =	swait.ge [sflag:s6], $0x200  }
0x20b: {  	[sflag:s6] =	ssyncset.done $0x0  }
0x20c: {  	[sflag:s6] =	ssyncadd.s32 $0xFFFFFE00  }
0x20d: {  	_ =	swait.ge [sflag:s6], $0x200  }
0x20e: {  	[sflag:s6] =	ssyncset.done $0x0  }
0x20f: {  	[sflag:s6] =	ssyncadd.s32 $0xFFFFFE00  }
0x210: {  	_ =	swait.ge [sflag:s6], $0x200  }
0x211: {  	[sflag:s6] =	ssyncset.done $0x0  }
0x212: {  	s19 =	simm.s32 $0xB900;
	[sflag:s6] =	ssyncadd.s32 $0xFFFFFE00  }
0x213: {  	[spmem:s7] =	stream.indirect.scatter.add.f32 [tilespmem:s25], [sflag:$0x5], $0x1, s19, s23, $0xb8;
	[tilespmem:$0x18D40] =	vst v63  }
0x214: {  	s13 =	simm.s32 $0xA900  }
0x215: {  	[spmem:s1] =	stream.indirect.scatter.add.f32 [tilespmem:s25], [sflag:$0x5], $0x1, s13, s23, $0xb8;
	[tilespmem:$0x18D40] =	vst v63  }
0x216: {  	s5 =	simm.s32 $0xBB00  }
0x217: {  	[spmem:s7] =	stream.indirect.scatter.add.f32 [tilespmem:s25], [sflag:$0x5], $0x1, s5, s23, $0xb8;
	[tilespmem:$0x18D40] =	vst v63  }
0x218: {  	s12 =	simm.s32 $0xAB00  }
0x219: {  	[spmem:s1] =	stream.indirect.scatter.add.f32 [tilespmem:s25], [sflag:$0x5], $0x1, s12, s23, $0xb8;
	[tilespmem:$0x18D40] =	vst v63  }
0x21a: {  	_ =	swait.ge [sflag:s26], $0x4000  }
0x21b: {  	[sflag:s26] =	ssyncset.done $0x0  }
0x21c: {  	[sflag:s26] =	ssyncadd.s32 $0xFFFFC000  }
0x21d: {  	[tilespmem:s28], [sflag:$0x2] =	stream.indirect.gather [hbm4b:s20+s23], $0x20, s12, s23, $0xb8;
	[tilespmem:$0x18D40] =	vst v63  }
0x21e: {  	_ = 	snop  }
0x21f: {  	[spmem:s2] =	stream.indirect.scatter.add.f32 [tilespmem:s24], [sflag:$0x3], $0x20, s19, s23, $0xb8;
	[tilespmem:$0x18D40] =	vst v63  }
0x220: {  	_ =	swait.ge [sflag:s29], $0x4000  }
0x221: {  	[sflag:s29] =	ssyncset.done $0x0  }
0x222: {  	[sflag:s29] =	ssyncadd.s32 $0xFFFFC000  }
0x223: {  	_ =	swait.ge [sflag:s30], $0x4000  }
0x224: {  	[sflag:s30] =	ssyncset.done $0x0  }
0x225: {  	s13 =	simm.s32 $0xAD00;
	[sflag:s30] =	ssyncadd.s32 $0xFFFFC000  }
0x226: {  	[tilespmem:s24], [sflag:$0x1] =	stream.indirect.gather [hbm4b:s20+s23], $0x20, s13, s23, $0xb8;
	[tilespmem:$0x18D40] =	vst v63  }
0x227: {  	s5 =	simm.s32 $0xBB00  }
0x228: {  	[spmem:s2] =	stream.indirect.scatter.add.f32 [tilespmem:s28], [sflag:$0x4], $0x20, s5, s23, $0xb8;
	[tilespmem:$0x18D40] =	vst v63  }
0x229: {  	_ =	swait.ge [sflag:s4], $0x4000  }
0x22a: {  	[sflag:s4] =	ssyncset.done $0x0  }
0x22b: {  	[sflag:s4] =	ssyncadd.s32 $0xFFFFC000  }
0x22c: {  	_ =	swait.ge [sflag:s6], $0x200  }
0x22d: {  	[sflag:s6] =	ssyncset.done $0x0  }
0x22e: {  	[sflag:s6] =	ssyncadd.s32 $0xFFFFFE00  }
0x22f: {  	_ =	swait.ge [sflag:s6], $0x200  }
0x230: {  	[sflag:s6] =	ssyncset.done $0x0  }
0x231: {  	[sflag:s6] =	ssyncadd.s32 $0xFFFFFE00  }
0x232: {  	_ =	swait.ge [sflag:s6], $0x200  }
0x233: {  	[sflag:s6] =	ssyncset.done $0x0  }
0x234: {  	[sflag:s6] =	ssyncadd.s32 $0xFFFFFE00  }
0x235: {  	_ =	swait.ge [sflag:s6], $0x200  }
0x236: {  	[sflag:s6] =	ssyncset.done $0x0  }
0x237: {  	s9 =	simm.s32 $0xBD00;
	[sflag:s6] =	ssyncadd.s32 $0xFFFFFE00  }
0x238: {  	[spmem:s7] =	stream.indirect.scatter.add.f32 [tilespmem:s25], [sflag:$0x5], $0x1, s9, s23, $0xb8;
	[tilespmem:$0x18D40] =	vst v63  }
0x239: {  	s19 =	simm.s32 $0xAD00  }
0x23a: {  	[spmem:s1] =	stream.indirect.scatter.add.f32 [tilespmem:s25], [sflag:$0x5], $0x1, s19, s23, $0xb8;
	[tilespmem:$0x18D40] =	vst v63  }
0x23b: {  	s13 =	simm.s32 $0xBF00  }
0x23c: {  	[spmem:s7] =	stream.indirect.scatter.add.f32 [tilespmem:s25], [sflag:$0x5], $0x1, s13, s23, $0xb8;
	[tilespmem:$0x18D40] =	vst v63  }
0x23d: {  	s5 =	simm.s32 $0xAF00  }
0x23e: {  	[spmem:s1] =	stream.indirect.scatter.add.f32 [tilespmem:s25], [sflag:$0x5], $0x1, s5, s23, $0xb8;
	[tilespmem:$0x18D40] =	vst v63  }
0x23f: {  	_ =	swait.ge [sflag:s26], $0x4000  }
0x240: {  	[sflag:s26] =	ssyncset.done $0x0  }
0x241: {  	[sflag:s26] =	ssyncadd.s32 $0xFFFFC000  }
0x242: {  	[tilespmem:s28], [sflag:$0x2] =	stream.indirect.gather [hbm4b:s20+s23], $0x20, s5, s23, $0xb8;
	[tilespmem:$0x18D40] =	vst v63  }
0x243: {  	_ = 	snop  }
0x244: {  	[spmem:s2] =	stream.indirect.scatter.add.f32 [tilespmem:s24], [sflag:$0x3], $0x20, s9, s23, $0xb8;
	[tilespmem:$0x18D40] =	vst v63  }
0x245: {  	_ =	swait.ge [sflag:s29], $0x4000  }
0x246: {  	[sflag:s29] =	ssyncset.done $0x0  }
0x247: {  	[sflag:s29] =	ssyncadd.s32 $0xFFFFC000  }
0x248: {  	_ =	swait.ge [sflag:s30], $0x4000  }
0x249: {  	[sflag:s30] =	ssyncset.done $0x0  }
0x24a: {  	s12 =	simm.s32 $0xB100;
	[sflag:s30] =	ssyncadd.s32 $0xFFFFC000  }
0x24b: {  	[tilespmem:s24], [sflag:$0x1] =	stream.indirect.gather [hbm4b:s20+s23], $0x20, s12, s23, $0xb8;
	[tilespmem:$0x18D40] =	vst v63  }
0x24c: {  	_ = 	snop  }
0x24d: {  	[spmem:s2] =	stream.indirect.scatter.add.f32 [tilespmem:s28], [sflag:$0x4], $0x20, s13, s23, $0xb8;
	[tilespmem:$0x18D40] =	vst v63  }
0x24e: {  	_ =	swait.ge [sflag:s4], $0x4000  }
0x24f: {  	[sflag:s4] =	ssyncset.done $0x0  }
0x250: {  	[sflag:s4] =	ssyncadd.s32 $0xFFFFC000  }
0x251: {  	_ =	swait.ge [sflag:s6], $0x200  }
0x252: {  	[sflag:s6] =	ssyncset.done $0x0  }
0x253: {  	[sflag:s6] =	ssyncadd.s32 $0xFFFFFE00  }
0x254: {  	_ =	swait.ge [sflag:s6], $0x200  }
0x255: {  	[sflag:s6] =	ssyncset.done $0x0  }
0x256: {  	[sflag:s6] =	ssyncadd.s32 $0xFFFFFE00  }
0x257: {  	_ =	swait.ge [sflag:s6], $0x200  }
0x258: {  	[sflag:s6] =	ssyncset.done $0x0  }
0x259: {  	[sflag:s6] =	ssyncadd.s32 $0xFFFFFE00  }
0x25a: {  	_ =	swait.ge [sflag:s6], $0x200  }
0x25b: {  	[sflag:s6] =	ssyncset.done $0x0  }
0x25c: {  	s5 =	simm.s32 $0xC100;
	[sflag:s6] =	ssyncadd.s32 $0xFFFFFE00  }
0x25d: {  	[spmem:s7] =	stream.indirect.scatter.add.f32 [tilespmem:s25], [sflag:$0x5], $0x1, s5, s23, $0xb8;
	[tilespmem:$0x18D40] =	vst v63  }
0x25e: {  	_ = 	snop  }
0x25f: {  	[spmem:s1] =	stream.indirect.scatter.add.f32 [tilespmem:s25], [sflag:$0x5], $0x1, s12, s23, $0xb8;
	[tilespmem:$0x18D40] =	vst v63  }
0x260: {  	s0 =	simm.s32 $0xC300  }
0x261: {  	[spmem:s7] =	stream.indirect.scatter.add.f32 [tilespmem:s25], [sflag:$0x5], $0x1, s0, s23, $0xb8;
	[tilespmem:$0x18D40] =	vst v63  }
0x262: {  	s7 =	simm.s32 $0xB300  }
0x263: {  	[spmem:s1] =	stream.indirect.scatter.add.f32 [tilespmem:s25], [sflag:$0x5], $0x1, s7, s23, $0xb8;
	[tilespmem:$0x18D40] =	vst v63  }
0x264: {  	_ =	swait.ge [sflag:s26], $0x4000  }
0x265: {  	[sflag:s26] =	ssyncset.done $0x0  }
0x266: {  	[sflag:s26] =	ssyncadd.s32 $0xFFFFC000  }
0x267: {  	[tilespmem:s28], [sflag:$0x2] =	stream.indirect.gather [hbm4b:s20+s23], $0x20, s7, s23, $0xb8;
	[tilespmem:$0x18D40] =	vst v63  }
0x268: {  	_ = 	snop  }
0x269: {  	[spmem:s2] =	stream.indirect.scatter.add.f32 [tilespmem:s24], [sflag:$0x3], $0x20, s5, s23, $0xb8;
	[tilespmem:$0x18D40] =	vst v63  }
0x26a: {  	_ =	swait.ge [sflag:s29], $0x4000  }
0x26b: {  	[sflag:s29] =	ssyncset.done $0x0  }
0x26c: {  	[sflag:s29] =	ssyncadd.s32 $0xFFFFC000  }
0x26d: {  	_ =	swait.ge [sflag:s30], $0x4000  }
0x26e: {  	[sflag:s30] =	ssyncset.done $0x0  }
0x26f: {  	[sflag:s30] =	ssyncadd.s32 $0xFFFFC000  }
0x270: {  	[spmem:s2] =	stream.indirect.scatter.add.f32 [tilespmem:s28], [sflag:$0x4], $0x20, s0, s23, $0xb8;
	[tilespmem:$0x18D40] =	vst v63  }
0x271: {  	_ =	swait.ge [sflag:s4], $0x4000  }
0x272: {  	[sflag:s4] =	ssyncset.done $0x0  }
0x273: {  	[sflag:s4] =	ssyncadd.s32 $0xFFFFC000  }
0x274: {  	_ =	swait.ge [sflag:s6], $0x200  }
0x275: {  	[sflag:s6] =	ssyncset.done $0x0  }
0x276: {  	[sflag:s6] =	ssyncadd.s32 $0xFFFFFE00  }
0x277: {  	_ =	swait.ge [sflag:s6], $0x200  }
0x278: {  	[sflag:s6] =	ssyncset.done $0x0  }
0x279: {  	[sflag:s6] =	ssyncadd.s32 $0xFFFFFE00  }
0x27a: {  	_ =	swait.ge [sflag:s6], $0x200  }
0x27b: {  	[sflag:s6] =	ssyncset.done $0x0  }
0x27c: {  	[sflag:s6] =	ssyncadd.s32 $0xFFFFFE00  }
0x27d: {  	_ =	swait.ge [sflag:s6], $0x200  }
0x27e: {  	s1 =	sld [smem:$0x7F9]  }
0x27f: {  	[sflag:s6] =	ssyncset.done $0x0  }
0x280: {  	s19 =	simm.s32 $0x0;
	[sflag:s6] =	ssyncadd.s32 $0xFFFFFE00  }
0x281: {  	[tilespmem:s17], [sflag:$0x6] =	stream.linear.gather [hbm4b:s1+s19], $0x1000, $0x38;
	[tilespmem:$0x18D40] =	vst v63  }
0x282: {  	_ =	swait.ge [sflag:s15], $0x1000  }
0x283: {  	s1 =	sld [smem:$0x7FA]  }
0x284: {  	[sflag:s15] =	ssyncset.done $0x0  }
0x285: {  	[sflag:s15] =	ssyncadd.s32 $0xFFFFF000  }
0x286: {  	[tilespmem:s18], [sflag:$0x6] =	stream.linear.gather [hbm4b:s1+s19], $0x1000, $0x38;
	[tilespmem:$0x18D40] =	vst v63  }
0x287: {  	_ =	swait.ge [sflag:s15], $0x1000  }
0x288: {  	[sflag:s15] =	ssyncset.done $0x0  }
0x289: {  	[sflag:s15] =	ssyncadd.s32 $0xFFFFF000  }
0x28a: {  	[tilespmem:s24], [sflag:$0x1] =	stream.indirect.gather [hbm4b:s21+s23], $0x20, s18, s23, $0xb8;
	[tilespmem:$0x18D40] =	vst v63  }
0x28b: {  	_ =	swait.ge [sflag:s26], $0x4000  }
0x28c: {  	[sflag:s26] =	ssyncset.done $0x0  }
0x28d: {  	[sflag:s26] =	ssyncadd.s32 $0xFFFFC000  }
0x28e: {  	[tilespmem:s28], [sflag:$0x2] =	stream.indirect.gather [hbm4b:s21+s23], $0x20, s31, s23, $0xb8;
	[tilespmem:$0x18D40] =	vst v63  }
0x28f: {  	_ = 	snop  }
0x290: {  	[spmem:s3] =	stream.indirect.scatter.add.f32 [tilespmem:s24], [sflag:$0x3], $0x20, s17, s23, $0xb8;
	[tilespmem:$0x18D40] =	vst v63  }
0x291: {  	_ =	swait.ge [sflag:s29], $0x4000  }
0x292: {  	[sflag:s29] =	ssyncset.done $0x0  }
0x293: {  	[sflag:s29] =	ssyncadd.s32 $0xFFFFC000  }
0x294: {  	_ =	swait.ge [sflag:s30], $0x4000  }
0x295: {  	[sflag:s30] =	ssyncset.done $0x0  }
0x296: {  	s1 =	simm.s32 $0xB900;
	[sflag:s30] =	ssyncadd.s32 $0xFFFFC000  }
0x297: {  	[tilespmem:s24], [sflag:$0x1] =	stream.indirect.gather [hbm4b:s21+s23], $0x20, s1, s23, $0xb8;
	[tilespmem:$0x18D40] =	vst v63  }
0x298: {  	s1 =	simm.s32 $0xA700  }
0x299: {  	[spmem:s3] =	stream.indirect.scatter.add.f32 [tilespmem:s28], [sflag:$0x4], $0x20, s1, s23, $0xb8;
	[tilespmem:$0x18D40] =	vst v63  }
0x29a: {  	_ =	swait.ge [sflag:s4], $0x4000  }
0x29b: {  	[sflag:s4] =	ssyncset.done $0x0  }
0x29c: {  	[sflag:s4] =	ssyncadd.s32 $0xFFFFC000  }
0x29d: {  	_ =	swait.ge [sflag:s26], $0x4000  }
0x29e: {  	[sflag:s26] =	ssyncset.done $0x0  }
0x29f: {  	s1 =	simm.s32 $0xBB00;
	[sflag:s26] =	ssyncadd.s32 $0xFFFFC000  }
0x2a0: {  	[tilespmem:s28], [sflag:$0x2] =	stream.indirect.gather [hbm4b:s21+s23], $0x20, s1, s23, $0xb8;
	[tilespmem:$0x18D40] =	vst v63  }
0x2a1: {  	s1 =	simm.s32 $0xA900  }
0x2a2: {  	[spmem:s3] =	stream.indirect.scatter.add.f32 [tilespmem:s24], [sflag:$0x3], $0x20, s1, s23, $0xb8;
	[tilespmem:$0x18D40] =	vst v63  }
0x2a3: {  	_ =	swait.ge [sflag:s29], $0x4000  }
0x2a4: {  	[sflag:s29] =	ssyncset.done $0x0  }
0x2a5: {  	[sflag:s29] =	ssyncadd.s32 $0xFFFFC000  }
0x2a6: {  	_ =	swait.ge [sflag:s30], $0x4000  }
0x2a7: {  	[sflag:s30] =	ssyncset.done $0x0  }
0x2a8: {  	[sflag:s30] =	ssyncadd.s32 $0xFFFFC000  }
0x2a9: {  	[tilespmem:s24], [sflag:$0x1] =	stream.indirect.gather [hbm4b:s21+s23], $0x20, s9, s23, $0xb8;
	[tilespmem:$0x18D40] =	vst v63  }
0x2aa: {  	s9 =	simm.s32 $0xAB00  }
0x2ab: {  	[spmem:s3] =	stream.indirect.scatter.add.f32 [tilespmem:s28], [sflag:$0x4], $0x20, s9, s23, $0xb8;
	[tilespmem:$0x18D40] =	vst v63  }
0x2ac: {  	_ =	swait.ge [sflag:s4], $0x4000  }
0x2ad: {  	[sflag:s4] =	ssyncset.done $0x0  }
0x2ae: {  	[sflag:s4] =	ssyncadd.s32 $0xFFFFC000  }
0x2af: {  	_ =	swait.ge [sflag:s26], $0x4000  }
0x2b0: {  	[sflag:s26] =	ssyncset.done $0x0  }
0x2b1: {  	[sflag:s26] =	ssyncadd.s32 $0xFFFFC000  }
0x2b2: {  	[tilespmem:s28], [sflag:$0x2] =	stream.indirect.gather [hbm4b:s21+s23], $0x20, s13, s23, $0xb8;
	[tilespmem:$0x18D40] =	vst v63  }
0x2b3: {  	s9 =	simm.s32 $0xAD00  }
0x2b4: {  	[spmem:s3] =	stream.indirect.scatter.add.f32 [tilespmem:s24], [sflag:$0x3], $0x20, s9, s23, $0xb8;
	[tilespmem:$0x18D40] =	vst v63  }
0x2b5: {  	_ =	swait.ge [sflag:s29], $0x4000  }
0x2b6: {  	[sflag:s29] =	ssyncset.done $0x0  }
0x2b7: {  	[sflag:s29] =	ssyncadd.s32 $0xFFFFC000  }
0x2b8: {  	_ =	swait.ge [sflag:s30], $0x4000  }
0x2b9: {  	[sflag:s30] =	ssyncset.done $0x0  }
0x2ba: {  	[sflag:s30] =	ssyncadd.s32 $0xFFFFC000  }
0x2bb: {  	[tilespmem:s24], [sflag:$0x1] =	stream.indirect.gather [hbm4b:s21+s23], $0x20, s5, s23, $0xb8;
	[tilespmem:$0x18D40] =	vst v63  }
0x2bc: {  	s13 =	simm.s32 $0xAF00  }
0x2bd: {  	[spmem:s3] =	stream.indirect.scatter.add.f32 [tilespmem:s28], [sflag:$0x4], $0x20, s13, s23, $0xb8;
	[tilespmem:$0x18D40] =	vst v63  }
0x2be: {  	_ =	swait.ge [sflag:s4], $0x4000  }
0x2bf: {  	[sflag:s4] =	ssyncset.done $0x0  }
0x2c0: {  	[sflag:s4] =	ssyncadd.s32 $0xFFFFC000  }
0x2c1: {  	_ =	swait.ge [sflag:s26], $0x4000  }
0x2c2: {  	[sflag:s26] =	ssyncset.done $0x0  }
0x2c3: {  	[sflag:s26] =	ssyncadd.s32 $0xFFFFC000  }
0x2c4: {  	[tilespmem:s28], [sflag:$0x2] =	stream.indirect.gather [hbm4b:s21+s23], $0x20, s0, s23, $0xb8;
	[tilespmem:$0x18D40] =	vst v63  }
0x2c5: {  	_ = 	snop  }
0x2c6: {  	[spmem:s3] =	stream.indirect.scatter.add.f32 [tilespmem:s24], [sflag:$0x3], $0x20, s12, s23, $0xb8;
	[tilespmem:$0x18D40] =	vst v63  }
0x2c7: {  	_ =	swait.ge [sflag:s29], $0x4000  }
0x2c8: {  	[sflag:s29] =	ssyncset.done $0x0  }
0x2c9: {  	[sflag:s29] =	ssyncadd.s32 $0xFFFFC000  }
0x2ca: {  	_ =	swait.ge [sflag:s30], $0x4000  }
0x2cb: {  	[sflag:s30] =	ssyncset.done $0x0  }
0x2cc: {  	[sflag:s30] =	ssyncadd.s32 $0xFFFFC000  }
0x2cd: {  	[spmem:s3] =	stream.indirect.scatter.add.f32 [tilespmem:s28], [sflag:$0x4], $0x20, s7, s23, $0xb8;
	[tilespmem:$0x18D40] =	vst v63  }
0x2ce: {  	s1 =	simm.s32 $0xB900;
	s5 =	simm.s32 $0xA900;
	_ =	swait.ge [sflag:s4], $0x4000  }
0x2cf: {  	s12 =	simm.s32 $0x400;
	s7 =	simm.s32 $0xBB00;
	[sflag:s4] =	ssyncset.done $0x0  }
.LBB2_6:
0x2d0: {  	s0 =	sadd.s32 s10, s11  }
0x2d1: {  	[sflag:s4] =	ssyncadd.s32 $0xFFFFC000;
	s13 =	smov.u32 s12;
	s9 =	sadd.s32 $0x200, s12  }
0x2d2: {  	[tilespmem:s17], [sflag:$0x6] =	stream.linear.gather [hbm4b:s0+s19], $0x1000, $0x38;
	[tilespmem:$0x18D40] =	vst v63  }
0x2d3: {  	p0 =	sne.s32 s12, $0x800;
	_ =	swait.ge [sflag:s15], $0x1000  }
0x2d4: {  	s0 =	sadd.s32 s10, s14;
	[sflag:s15] =	ssyncset.done $0x0  }
0x2d5: {  	s10 =	smov.u32 s13;
	s13 =	simm.s32 $0xA700;
	[sflag:s15] =	ssyncadd.s32 $0xFFFFF000  }
0x2d6: {  	[tilespmem:s18], [sflag:$0x6] =	stream.linear.gather [hbm4b:s0+s19], $0x1000, $0x38;
	[tilespmem:$0x18D40] =	vst v63  }
0x2d7: {  	_ =	swait.ge [sflag:s15], $0x1000  }
0x2d8: {  	[sflag:s15] =	ssyncset.done $0x0  }
0x2d9: {  	[sflag:s15] =	ssyncadd.s32 $0xFFFFF000  }
0x2da: {  	[tilespmem:s24], [sflag:$0x1] =	stream.indirect.gather [hbm4b:s21+s23], $0x20, s18, s23, $0xb8;
	[tilespmem:$0x18D40] =	vst v63  }
0x2db: {  	_ =	swait.ge [sflag:s26], $0x4000  }
0x2dc: {  	[sflag:s26] =	ssyncset.done $0x0  }
0x2dd: {  	[sflag:s26] =	ssyncadd.s32 $0xFFFFC000  }
0x2de: {  	[tilespmem:s28], [sflag:$0x2] =	stream.indirect.gather [hbm4b:s21+s23], $0x20, s31, s23, $0xb8;
	[tilespmem:$0x18D40] =	vst v63  }
0x2df: {  	_ = 	snop  }
0x2e0: {  	[spmem:s3] =	stream.indirect.scatter.add.f32 [tilespmem:s24], [sflag:$0x3], $0x20, s17, s23, $0xb8;
	[tilespmem:$0x18D40] =	vst v63  }
0x2e1: {  	_ =	swait.ge [sflag:s29], $0x4000  }
0x2e2: {  	[sflag:s29] =	ssyncset.done $0x0  }
0x2e3: {  	[sflag:s29] =	ssyncadd.s32 $0xFFFFC000  }
0x2e4: {  	_ =	swait.ge [sflag:s30], $0x4000  }
0x2e5: {  	[sflag:s30] =	ssyncset.done $0x0  }
0x2e6: {  	[sflag:s30] =	ssyncadd.s32 $0xFFFFC000  }
0x2e7: {  	[tilespmem:s24], [sflag:$0x1] =	stream.indirect.gather [hbm4b:s21+s23], $0x20, s1, s23, $0xb8;
	[tilespmem:$0x18D40] =	vst v63  }
0x2e8: {  	_ = 	snop  }
0x2e9: {  	[spmem:s3] =	stream.indirect.scatter.add.f32 [tilespmem:s28], [sflag:$0x4], $0x20, s13, s23, $0xb8;
	[tilespmem:$0x18D40] =	vst v63  }
0x2ea: {  	_ =	swait.ge [sflag:s4], $0x4000  }
0x2eb: {  	[sflag:s4] =	ssyncset.done $0x0  }
0x2ec: {  	[sflag:s4] =	ssyncadd.s32 $0xFFFFC000  }
0x2ed: {  	_ =	swait.ge [sflag:s26], $0x4000  }
0x2ee: {  	[sflag:s26] =	ssyncset.done $0x0  }
0x2ef: {  	[sflag:s26] =	ssyncadd.s32 $0xFFFFC000  }
0x2f0: {  	[tilespmem:s28], [sflag:$0x2] =	stream.indirect.gather [hbm4b:s21+s23], $0x20, s7, s23, $0xb8;
	[tilespmem:$0x18D40] =	vst v63  }
0x2f1: {  	_ = 	snop  }
0x2f2: {  	[spmem:s3] =	stream.indirect.scatter.add.f32 [tilespmem:s24], [sflag:$0x3], $0x20, s5, s23, $0xb8;
	[tilespmem:$0x18D40] =	vst v63  }
0x2f3: {  	_ =	swait.ge [sflag:s29], $0x4000  }
0x2f4: {  	[sflag:s29] =	ssyncset.done $0x0  }
0x2f5: {  	[sflag:s29] =	ssyncadd.s32 $0xFFFFC000  }
0x2f6: {  	_ =	swait.ge [sflag:s30], $0x4000  }
0x2f7: {  	[sflag:s30] =	ssyncset.done $0x0  }
0x2f8: {  	s0 =	simm.s32 $0xBD00;
	[sflag:s30] =	ssyncadd.s32 $0xFFFFC000  }
0x2f9: {  	[tilespmem:s24], [sflag:$0x1] =	stream.indirect.gather [hbm4b:s21+s23], $0x20, s0, s23, $0xb8;
	[tilespmem:$0x18D40] =	vst v63  }
0x2fa: {  	s0 =	simm.s32 $0xAB00  }
0x2fb: {  	[spmem:s3] =	stream.indirect.scatter.add.f32 [tilespmem:s28], [sflag:$0x4], $0x20, s0, s23, $0xb8;
	[tilespmem:$0x18D40] =	vst v63  }
0x2fc: {  	_ =	swait.ge [sflag:s4], $0x4000  }
0x2fd: {  	[sflag:s4] =	ssyncset.done $0x0  }
0x2fe: {  	[sflag:s4] =	ssyncadd.s32 $0xFFFFC000  }
0x2ff: {  	_ =	swait.ge [sflag:s26], $0x4000  }
0x300: {  	[sflag:s26] =	ssyncset.done $0x0  }
0x301: {  	s0 =	simm.s32 $0xBF00;
	[sflag:s26] =	ssyncadd.s32 $0xFFFFC000  }
0x302: {  	[tilespmem:s28], [sflag:$0x2] =	stream.indirect.gather [hbm4b:s21+s23], $0x20, s0, s23, $0xb8;
	[tilespmem:$0x18D40] =	vst v63  }
0x303: {  	s0 =	simm.s32 $0xAD00  }
0x304: {  	[spmem:s3] =	stream.indirect.scatter.add.f32 [tilespmem:s24], [sflag:$0x3], $0x20, s0, s23, $0xb8;
	[tilespmem:$0x18D40] =	vst v63  }
0x305: {  	_ =	swait.ge [sflag:s29], $0x4000  }
0x306: {  	[sflag:s29] =	ssyncset.done $0x0  }
0x307: {  	[sflag:s29] =	ssyncadd.s32 $0xFFFFC000  }
0x308: {  	_ =	swait.ge [sflag:s30], $0x4000  }
0x309: {  	[sflag:s30] =	ssyncset.done $0x0  }
0x30a: {  	s0 =	simm.s32 $0xC100;
	[sflag:s30] =	ssyncadd.s32 $0xFFFFC000  }
0x30b: {  	[tilespmem:s24], [sflag:$0x1] =	stream.indirect.gather [hbm4b:s21+s23], $0x20, s0, s23, $0xb8;
	[tilespmem:$0x18D40] =	vst v63  }
0x30c: {  	s0 =	simm.s32 $0xAF00  }
0x30d: {  	[spmem:s3] =	stream.indirect.scatter.add.f32 [tilespmem:s28], [sflag:$0x4], $0x20, s0, s23, $0xb8;
	[tilespmem:$0x18D40] =	vst v63  }
0x30e: {  	_ =	swait.ge [sflag:s4], $0x4000  }
0x30f: {  	[sflag:s4] =	ssyncset.done $0x0  }
0x310: {  	[sflag:s4] =	ssyncadd.s32 $0xFFFFC000  }
0x311: {  	_ =	swait.ge [sflag:s26], $0x4000  }
0x312: {  	[sflag:s26] =	ssyncset.done $0x0  }
0x313: {  	s0 =	simm.s32 $0xC300;
	[sflag:s26] =	ssyncadd.s32 $0xFFFFC000  }
0x314: {  	[tilespmem:s28], [sflag:$0x2] =	stream.indirect.gather [hbm4b:s21+s23], $0x20, s0, s23, $0xb8;
	[tilespmem:$0x18D40] =	vst v63  }
0x315: {  	s0 =	simm.s32 $0xB100  }
0x316: {  	[spmem:s3] =	stream.indirect.scatter.add.f32 [tilespmem:s24], [sflag:$0x3], $0x20, s0, s23, $0xb8;
	[tilespmem:$0x18D40] =	vst v63  }
0x317: {  	_ =	swait.ge [sflag:s29], $0x4000  }
0x318: {  	[sflag:s29] =	ssyncset.done $0x0  }
0x319: {  	[sflag:s29] =	ssyncadd.s32 $0xFFFFC000  }
0x31a: {  	_ =	swait.ge [sflag:s30], $0x4000  }
.Ltmp2:
0x31b: {  	[sflag:s30] =	ssyncset.done $0x0;
	(pc) =	sbr.rel @p0 .LBB2_6-.Ltmp2, $4  }
0x31c: {  	s0 =	simm.s32 $0xB300;
	[sflag:s30] =	ssyncadd.s32 $0xFFFFC000  }
0x31d: {  	[spmem:s3] =	stream.indirect.scatter.add.f32 [tilespmem:s28], [sflag:$0x4], $0x20, s0, s23, $0xb8;
	[tilespmem:$0x18D40] =	vst v63  }
0x31e: {  	_ =	swait.ge [sflag:s4], $0x4000  }
0x31f: {  	s12 =	smov.u32 s9;
	[sflag:s4] =	ssyncset.done $0x0  }
0x320: {  	s0 =	sadd.s32 s10, s11;
	[sflag:s4] =	ssyncadd.s32 $0xFFFFC000  }
0x321: {  	[tilespmem:s17], [sflag:$0x6] =	stream.linear.gather [hbm4b:s0+s19], $0x1000, $0x38;
	[tilespmem:$0x18D40] =	vst v63  }
0x322: {  	_ =	swait.ge [sflag:s15], $0x1000  }
0x323: {  	[sflag:s15] =	ssyncset.done $0x0  }
0x324: {  	s14 =	sadd.s32 s10, s14;
	[sflag:s15] =	ssyncadd.s32 $0xFFFFF000  }
0x325: {  	[tilespmem:s18], [sflag:$0x6] =	stream.linear.gather [hbm4b:s14+s19], $0x1000, $0x38;
	[tilespmem:$0x18D40] =	vst v63  }
0x326: {  	_ =	swait.ge [sflag:s15], $0x1000  }
0x327: {  	[sflag:s15] =	ssyncset.done $0x0  }
0x328: {  	[sflag:s15] =	ssyncadd.s32 $0xFFFFF000  }
0x329: {  	[tilespmem:s24], [sflag:$0x1] =	stream.indirect.gather [hbm4b:s21+s23], $0x20, s18, s23, $0xb8;
	[tilespmem:$0x18D40] =	vst v63  }
0x32a: {  	_ =	swait.ge [sflag:s26], $0x4000  }
0x32b: {  	[sflag:s26] =	ssyncset.done $0x0  }
0x32c: {  	[sflag:s26] =	ssyncadd.s32 $0xFFFFC000  }
0x32d: {  	[tilespmem:s28], [sflag:$0x2] =	stream.indirect.gather [hbm4b:s21+s23], $0x20, s31, s23, $0xb8;
	[tilespmem:$0x18D40] =	vst v63  }
0x32e: {  	_ = 	snop  }
0x32f: {  	[spmem:s3] =	stream.indirect.scatter.add.f32 [tilespmem:s24], [sflag:$0x3], $0x20, s17, s23, $0xb8;
	[tilespmem:$0x18D40] =	vst v63  }
0x330: {  	_ =	swait.ge [sflag:s29], $0x4000  }
0x331: {  	[sflag:s29] =	ssyncset.done $0x0  }
0x332: {  	[sflag:s29] =	ssyncadd.s32 $0xFFFFC000  }
0x333: {  	_ =	swait.ge [sflag:s30], $0x4000  }
0x334: {  	[sflag:s30] =	ssyncset.done $0x0  }
0x335: {  	[sflag:s30] =	ssyncadd.s32 $0xFFFFC000  }
0x336: {  	[tilespmem:s24], [sflag:$0x1] =	stream.indirect.gather [hbm4b:s21+s23], $0x20, s1, s23, $0xb8;
	[tilespmem:$0x18D40] =	vst v63  }
0x337: {  	_ = 	snop  }
0x338: {  	[spmem:s3] =	stream.indirect.scatter.add.f32 [tilespmem:s28], [sflag:$0x4], $0x20, s13, s23, $0xb8;
	[tilespmem:$0x18D40] =	vst v63  }
0x339: {  	_ =	swait.ge [sflag:s4], $0x4000  }
0x33a: {  	[sflag:s4] =	ssyncset.done $0x0  }
0x33b: {  	[sflag:s4] =	ssyncadd.s32 $0xFFFFC000  }
0x33c: {  	_ =	swait.ge [sflag:s26], $0x4000  }
0x33d: {  	[sflag:s26] =	ssyncset.done $0x0  }
0x33e: {  	[sflag:s26] =	ssyncadd.s32 $0xFFFFC000  }
0x33f: {  	[tilespmem:s28], [sflag:$0x2] =	stream.indirect.gather [hbm4b:s21+s23], $0x20, s7, s23, $0xb8;
	[tilespmem:$0x18D40] =	vst v63  }
0x340: {  	_ = 	snop  }
0x341: {  	[spmem:s3] =	stream.indirect.scatter.add.f32 [tilespmem:s24], [sflag:$0x3], $0x20, s5, s23, $0xb8;
	[tilespmem:$0x18D40] =	vst v63  }
0x342: {  	_ =	swait.ge [sflag:s29], $0x4000  }
0x343: {  	[sflag:s29] =	ssyncset.done $0x0  }
0x344: {  	[sflag:s29] =	ssyncadd.s32 $0xFFFFC000  }
0x345: {  	_ =	swait.ge [sflag:s30], $0x4000  }
0x346: {  	[sflag:s30] =	ssyncset.done $0x0  }
0x347: {  	s19 =	simm.s32 $0xBD00;
	[sflag:s30] =	ssyncadd.s32 $0xFFFFC000  }
0x348: {  	[tilespmem:s24], [sflag:$0x1] =	stream.indirect.gather [hbm4b:s21+s23], $0x20, s19, s23, $0xb8;
	[tilespmem:$0x18D40] =	vst v63  }
0x349: {  	s31 =	simm.s32 $0xAB00  }
0x34a: {  	[spmem:s3] =	stream.indirect.scatter.add.f32 [tilespmem:s28], [sflag:$0x4], $0x20, s31, s23, $0xb8;
	[tilespmem:$0x18D40] =	vst v63  }
0x34b: {  	_ =	swait.ge [sflag:s4], $0x4000  }
0x34c: {  	[sflag:s4] =	ssyncset.done $0x0  }
0x34d: {  	[sflag:s4] =	ssyncadd.s32 $0xFFFFC000  }
0x34e: {  	_ =	swait.ge [sflag:s26], $0x4000  }
0x34f: {  	[sflag:s26] =	ssyncset.done $0x0  }
0x350: {  	s1 =	simm.s32 $0xBF00;
	[sflag:s26] =	ssyncadd.s32 $0xFFFFC000  }
0x351: {  	[tilespmem:s28], [sflag:$0x2] =	stream.indirect.gather [hbm4b:s21+s23], $0x20, s1, s23, $0xb8;
	[tilespmem:$0x18D40] =	vst v63  }
0x352: {  	s5 =	simm.s32 $0xAD00  }
0x353: {  	[spmem:s3] =	stream.indirect.scatter.add.f32 [tilespmem:s24], [sflag:$0x3], $0x20, s5, s23, $0xb8;
	[tilespmem:$0x18D40] =	vst v63  }
0x354: {  	_ =	swait.ge [sflag:s29], $0x4000  }
0x355: {  	[sflag:s29] =	ssyncset.done $0x0  }
0x356: {  	[sflag:s29] =	ssyncadd.s32 $0xFFFFC000  }
0x357: {  	_ =	swait.ge [sflag:s30], $0x4000  }
0x358: {  	[sflag:s30] =	ssyncset.done $0x0  }
0x359: {  	s7 =	simm.s32 $0xC100;
	[sflag:s30] =	ssyncadd.s32 $0xFFFFC000  }
0x35a: {  	[tilespmem:s24], [sflag:$0x1] =	stream.indirect.gather [hbm4b:s21+s23], $0x20, s7, s23, $0xb8;
	[tilespmem:$0x18D40] =	vst v63  }
0x35b: {  	s9 =	simm.s32 $0xAF00  }
0x35c: {  	[spmem:s3] =	stream.indirect.scatter.add.f32 [tilespmem:s28], [sflag:$0x4], $0x20, s9, s23, $0xb8;
	[tilespmem:$0x18D40] =	vst v63  }
0x35d: {  	_ =	swait.ge [sflag:s4], $0x4000  }
0x35e: {  	[sflag:s4] =	ssyncset.done $0x0  }
0x35f: {  	[sflag:s4] =	ssyncadd.s32 $0xFFFFC000  }
0x360: {  	_ =	swait.ge [sflag:s26], $0x4000  }
0x361: {  	[sflag:s26] =	ssyncset.done $0x0  }
0x362: {  	s10 =	simm.s32 $0xC300;
	[sflag:s26] =	ssyncadd.s32 $0xFFFFC000  }
0x363: {  	[tilespmem:s28], [sflag:$0x2] =	stream.indirect.gather [hbm4b:s21+s23], $0x20, s10, s23, $0xb8;
	[tilespmem:$0x18D40] =	vst v63  }
0x364: {  	s11 =	simm.s32 $0xB100  }
0x365: {  	[spmem:s3] =	stream.indirect.scatter.add.f32 [tilespmem:s24], [sflag:$0x3], $0x20, s11, s23, $0xb8;
	[tilespmem:$0x18D40] =	vst v63  }
0x366: {  	_ =	swait.ge [sflag:s29], $0x4000  }
0x367: {  	[sflag:s29] =	ssyncset.done $0x0  }
0x368: {  	[sflag:s29] =	ssyncadd.s32 $0xFFFFC000  }
0x369: {  	_ =	swait.ge [sflag:s30], $0x4000  }
0x36a: {  	[sflag:s30] =	ssyncset.done $0x0  }
0x36b: {  	s12 =	simm.s32 $0xB300;
	[sflag:s30] =	ssyncadd.s32 $0xFFFFC000  }
0x36c: {  	[spmem:s3] =	stream.indirect.scatter.add.f32 [tilespmem:s28], [sflag:$0x4], $0x20, s12, s23, $0xb8;
	[tilespmem:$0x18D40] =	vst v63  }
0x36d: {  	_ =	swait.ge [sflag:s4], $0x4000  }
0x36e: {  	[sflag:s4] =	ssyncset.done $0x0  }
0x36f: {  	[sflag:s4] =	ssyncadd.s32 $0xFFFFC000  }
0x370: {  	[bflag:$0x0] =	sbarrier.arrive $0xFFFF  }
0x371: {  	s14 =	simm.s32 $0x18100;
	s13 =	rddreg [dreg:$0x1e]  }
0x372: {  	[tilespmem:s14], [sflag:$0x6] =	stream.linear.gather [spmem:s13], $0x280, $0x38;
	[tilespmem:$0x18D40] =	vst v63  }
0x373: {  	_ =	swait.ge [sflag:s15], $0x280  }
0x374: {  	[sflag:s15] =	ssyncset.done $0x0  }
0x375: {  	s31 =	simm.s32 $0x18380;
	s19 =	rddreg [dreg:$0x1f];
	[sflag:s15] =	ssyncadd.s32 $0xFFFFFD80  }
0x376: {  	[tilespmem:s31], [sflag:$0x6] =	stream.linear.gather [spmem:s19], $0x280, $0x38;
	[tilespmem:$0x18D40] =	vst v63  }
0x377: {  	_ =	swait.ge [sflag:s15], $0x280  }
0x378: {  	[sflag:s15] =	ssyncset.done $0x0  }
0x379: {  	s10 =	simm.s32 $0x0;
	[sflag:s15] =	ssyncadd.s32 $0xFFFFFD80  }
0x37a: {  	v2 =	vld [tilespmem:s10+$0x18380];
	_ =	sdelay $0x2  }
0x37b: {  	v3 =	vld [tilespmem:s10+$0x18100];
	_ =	sdelay $0x1  }
0x37c: {  	v2 =	vmax.f32 v2, $1.000000000e+00  }
0x37d: {  	s9 =	simm.s32 $0x10;
	(erf) = vrcp.f32 v2  }
0x37e: {  	v2 =	vld [tilespmem:s9+$0x18380]  }
0x37f: {  	v3 =	vmax.f32 v3, $1.000000000e+00  }
0x380: {  	(erf) = vrcp.f32 v3;
	v3 =	vld [tilespmem:s9+$0x18100];
	_ =	sdelay $0x2  }
0x381: {  	v4 =	vmax.f32 v2, $1.000000000e+00  }
0x382: {  	s12 =	simm.s32 $0x20  }
0x383: {  	v2 =	vld [tilespmem:s12+$0x18380];
	v5 =	vmax.f32 v3, $1.000000000e+00;
	(erf) = vrcp.f32 v4  }
0x384: {  	v3 =	vld [tilespmem:s12+$0x18100];
	v4 =	vpop (erf);
	(erf) = vrcp.f32 v5;
	_ =	sdelay $0x2  }
0x385: {  	s13 =	simm.s32 $0xC0;
	[tilespmem:s10+$0x18880] =	vst v4;
	v4 =	vpop (erf)  }
.LBB2_8:
0x386: {  	s0 =	sshra.s32 s13, $0x2;
	p0 =	sne.s32 s13, $0x9C0;
	s13 =	sadd.s32 $0x40, s13;
	v5 =	vmax.f32 v2, $1.000000000e+00;
	[tilespmem:s10+$0x18600] =	vst v4  }
.Ltmp3:
0x387: {  	s10 =	smov.u32 s9;
	s9 =	smov.u32 s12;
	v2 =	vld [tilespmem:s0+$0x18380];
	v4 =	vmax.f32 v3, $1.000000000e+00;
	(erf) = vrcp.f32 v5;
	(pc) =	sbr.rel @p0 .LBB2_8-.Ltmp3, $3  }
0x388: {  	s12 =	smov.u32 s0;
	v3 =	vld [tilespmem:s0+$0x18100];
	(erf) = vrcp.f32 v4;
	_ =	sdelay $0x1  }
0x389: {  	v4 =	vpop (erf)  }
0x38a: {  	[tilespmem:s10+$0x18880] =	vst v4;
	v4 =	vpop (erf)  }
0x38b: {  	v2 =	vmax.f32 v2, $1.000000000e+00  }
0x38c: {  	v3 =	vmax.f32 v3, $1.000000000e+00;
	(erf) = vrcp.f32 v2  }
0x38d: {  	(erf) = vrcp.f32 v3;
	_ =	sdelay $0x5  }
0x38e: {  	[tilespmem:s10+$0x18600] =	vst v4;
	v2 =	vpop (erf)  }
0x38f: {  	[tilespmem:s9+$0x18880] =	vst v2;
	v2 =	vpop (erf)  }
0x390: {  	[tilespmem:s9+$0x18600] =	vst v2;
	v2 =	vpop (erf)  }
0x391: {  	[tilespmem:s12+$0x18880] =	vst v2;
	v2 =	vpop (erf)  }
0x392: {  	[tilespmem:s12+$0x18600] =	vst v2  }
0x393: {  	v2 =	vld [tilespmem:$0x18D00]  }
0x394: {  	v3 =	vld [tilespmem:$0x18D20]  }
0x395: {  	v4 =	vld [tilespmem:$0x18D10]  }
0x396: {  	v5 =	vld [tilespmem:$0x18D30];
	_ =	sdelay $0x2  }
0x397: {  	s11 =	sld [smem:$0x7FD]  }
0x398: {  	s10 =	simm.s32 $0x0;
	s5 =	simm.s32 $0x14500  }
0x399: {  	s7 =	simm.s32 $0x15900;
	s1 =	sld [smem:$0x7FC];
	s9 =	simm.s32 $0x0;
	v2 =	vadd.f32 v3, v2;
	v3 =	vadd.f32 v5, v4  }
.LBB2_10:
0x39a: {  	s0 =	smul.u32 $0xA0, s10  }
0x39b: {  	s12 =	rddreg [dreg:$0x9]  }
0x39c: {  	s0 =	sadd.s32 s12, s0  }
0x39d: {  	s14 =	sshll.u32 s0, $0x5  }
0x39e: {  	s0 =	sadd.s32 s14, s2  }
0x39f: {  	[tilespmem:s5], [sflag:$0x6] =	stream.linear.gather [spmem:s0], $0x1400, $0x38;
	[tilespmem:$0x18D40] =	vst v63  }
0x3a0: {  	_ =	swait.ge [sflag:s15], $0x1400  }
0x3a1: {  	[sflag:s15] =	ssyncset.done $0x0  }
0x3a2: {  	s19 =	sadd.s32 s14, s3;
	[sflag:s15] =	ssyncadd.s32 $0xFFFFEC00  }
0x3a3: {  	[tilespmem:s7], [sflag:$0x6] =	stream.linear.gather [spmem:s19], $0x1400, $0x38;
	[tilespmem:$0x18D40] =	vst v63  }
0x3a4: {  	v4 =	vmov s9;
	_ =	swait.ge [sflag:s15], $0x1400  }
0x3a5: {  	[sflag:s15] =	ssyncset.done $0x0  }
0x3a6: {  	s19 =	simm.s32 $0x0;
	[sflag:s15] =	ssyncadd.s32 $0xFFFFEC00  }
0x3a7: {  	v5 =	vld [tilespmem:s19+$0x14500]  }
0x3a8: {  	v6 =	vld [tilespmem:s19+$0x14510]  }
0x3a9: {  	v7 =	vld.idx.msk [tilespmem:v4+s16+$0x0], $0xffff  }
0x3aa: {  	v4 =	vld.idx.msk [tilespmem:v4+s8+$0x0], $0xffff  }
0x3ab: {  	v8 =	vld [tilespmem:s19+$0x15910]  }
0x3ac: {  	v9 =	vld [tilespmem:s19+$0x15900];
	_ =	sdelay $0x2  }
0x3ad: {  	v5 =	vmul.f32 v5, v7  }
0x3ae: {  	v6 =	vmul.f32 v6, v7;
	v7 =	vmul.f32 v8, v4  }
0x3af: {  	v4 =	vmul.f32 v9, v4  }
0x3b0: {  	v6 =	vadd.f32 v7, v6  }
0x3b1: {  	s12 =	sadd.s32 $0x1, s9;
	v5 =	vadd.f32 v4, v5  }
0x3b2: {  	v4 =	vmov s12;
	v6 =	vadd.f32 v6, v3  }
0x3b3: {  	s13 =	simm.s32 $0x80;
	s31 =	simm.s32 $0x100;
	v5 =	vadd.f32 v5, v2  }
.LBB2_11:
0x3b4: {  	p0 =	sne.s32 s31, $0x4F80;
	s0 =	sshra.s32 s13, $0x2;
	v6 =	vmax.f32 v6, $0.0e+00;
	s13 =	smov.u32 s31  }
0x3b5: {  	v7 =	vld [tilespmem:s0+$0x14500];
	v5 =	vmax.f32 v5, $0.0e+00;
	[tilespmem:s19+$0x16D10] =	vst v6  }
0x3b6: {  	v6 =	vld [tilespmem:s0+$0x14510];
	[tilespmem:s19+$0x16D00] =	vst v5;
	s19 =	smov.u32 s0  }
0x3b7: {  	v5 =	vld.idx.msk [tilespmem:v4+s16+$0x0], $0xffff  }
0x3b8: {  	v4 =	vld.idx.msk [tilespmem:v4+s8+$0x0], $0xffff  }
0x3b9: {  	v8 =	vld [tilespmem:s19+$0x15910]  }
0x3ba: {  	v9 =	vld [tilespmem:s19+$0x15900];
	_ =	sdelay $0x2  }
0x3bb: {  	v7 =	vmul.f32 v7, v5  }
0x3bc: {  	v5 =	vmul.f32 v6, v5;
	v6 =	vmul.f32 v8, v4  }
.Ltmp4:
0x3bd: {  	v4 =	vmul.f32 v9, v4;
	(pc) =	sbr.rel @p0 .LBB2_11-.Ltmp4, $4  }
0x3be: {  	v5 =	vadd.f32 v6, v5  }
0x3bf: {  	s12 =	sadd.s32 $0x1, s12;
	v7 =	vadd.f32 v4, v7  }
0x3c0: {  	v4 =	vmov s12;
	v6 =	vadd.f32 v5, v3  }
0x3c1: {  	s31 =	sadd.s32 $0x80, s31;
	v5 =	vadd.f32 v7, v2  }
0x3c2: {  	_ = 	snop  }
0x3c3: {  	s0 =	sshra.s32 s13, $0x2;
	v6 =	vmax.f32 v6, $0.0e+00  }
0x3c4: {  	v7 =	vld [tilespmem:s0+$0x14500];
	[tilespmem:s19+$0x16D10] =	vst v6;
	v5 =	vmax.f32 v5, $0.0e+00  }
0x3c5: {  	v6 =	vld [tilespmem:s0+$0x14510];
	[tilespmem:s19+$0x16D00] =	vst v5  }
0x3c6: {  	v5 =	vld.idx.msk [tilespmem:v4+s16+$0x0], $0xffff  }
0x3c7: {  	v4 =	vld.idx.msk [tilespmem:v4+s8+$0x0], $0xffff  }
0x3c8: {  	v8 =	vld [tilespmem:s0+$0x15910]  }
0x3c9: {  	v9 =	vld [tilespmem:s0+$0x15900];
	_ =	sdelay $0x3  }
0x3ca: {  	v6 =	vmul.f32 v6, v5;
	v8 =	vmul.f32 v8, v4  }
0x3cb: {  	v5 =	vmul.f32 v7, v5;
	v4 =	vmul.f32 v9, v4  }
0x3cc: {  	v6 =	vadd.f32 v8, v6  }
0x3cd: {  	v4 =	vadd.f32 v4, v5  }
0x3ce: {  	v5 =	vadd.f32 v6, v3  }
0x3cf: {  	s12 =	rddreg [dreg:$0x8];
	v4 =	vadd.f32 v4, v2  }
0x3d0: {  	s31 =	simm.s32 $0x16D00;
	s10 =	sadd.s32 $0x1, s10;
	s12 =	sadd.s32 s12, s14;
	v5 =	vmax.f32 v5, $0.0e+00  }
0x3d1: {  	s14 =	rddreg [dreg:$0x12];
	p0 =	sne.s32 s10, $0x4;
	s12 =	sshrl.u32 s12, $0x3;
	v4 =	vmax.f32 v4, $0.0e+00;
	[tilespmem:s0+$0x16D10] =	vst v5  }
.Ltmp5:
0x3d2: {  	s19 =	simm.s32 $0x0;
	[tilespmem:s0+$0x16D00] =	vst v4;
	s0 =	sadd.s32 s14, s12;
	(pc) =	sbr.rel @p0 .LBB2_10-.Ltmp5, $4  }
0x3d3: {  	[hbm4b:s0+s19] =	stream.linear.scatter [tilespmem:s31], [sflag:$0x6], $0x1400, $0x38;
	[tilespmem:$0x18D40] =	vst v63  }
0x3d4: {  	_ =	swait.ge [sflag:s15], $0x1400  }
0x3d5: {  	[sflag:s15] =	ssyncset.done $0x0  }
0x3d6: {  	s9 =	sadd.s32 $0xA0, s9;
	[sflag:s15] =	ssyncadd.s32 $0xFFFFEC00  }
0x3d7: {  	s9 =	simm.s32 $0x80;
	s10 =	simm.s32 $0x0  }
.LBB2_14:
0x3d8: {  	p0 =	sne.s32 s9, $0x4F80;
	[tilespmem:s10+$0x14500] =	vst v0;
	s0 =	smov.u32 s9;
	s9 =	sadd.s32 $0x80, s9  }
.Ltmp6:
0x3d9: {  	[tilespmem:s10+$0x14510] =	vst v0;
	(pc) =	sbr.rel @p0 .LBB2_14-.Ltmp6, $2  }
0x3da: {  	_ =	sdelay $0x2  }
0x3db: {  	s10 =	sshra.s32 s0, $0x2  }
0x3dc: {  	[tilespmem:s10+$0x14500] =	vst v0  }
0x3dd: {  	[tilespmem:s10+$0x14510] =	vst v0;
	s0 =	rddreg [dreg:$0x16]  }
0x3de: {  	[spmem:s0] =	stream.linear.scatter [tilespmem:s5], [sflag:$0x6], $0x1400, $0x38;
	[tilespmem:$0x18D40] =	vst v63  }
0x3df: {  	_ =	swait.ge [sflag:s15], $0x1400  }
0x3e0: {  	[sflag:s15] =	ssyncset.done $0x0  }
0x3e1: {  	s12 =	rddreg [dreg:$0x17];
	[sflag:s15] =	ssyncadd.s32 $0xFFFFEC00  }
0x3e2: {  	[spmem:s12] =	stream.linear.scatter [tilespmem:s5], [sflag:$0x6], $0x1400, $0x38;
	[tilespmem:$0x18D40] =	vst v63  }
0x3e3: {  	_ =	swait.ge [sflag:s15], $0x1400  }
0x3e4: {  	[sflag:s15] =	ssyncset.done $0x0  }
0x3e5: {  	s13 =	rddreg [dreg:$0x18];
	[sflag:s15] =	ssyncadd.s32 $0xFFFFEC00  }
0x3e6: {  	[spmem:s13] =	stream.linear.scatter [tilespmem:s5], [sflag:$0x6], $0x1400, $0x38;
	[tilespmem:$0x18D40] =	vst v63  }
0x3e7: {  	_ =	swait.ge [sflag:s15], $0x1400  }
0x3e8: {  	[sflag:s15] =	ssyncset.done $0x0  }
0x3e9: {  	s14 =	rddreg [dreg:$0x19];
	[sflag:s15] =	ssyncadd.s32 $0xFFFFEC00  }
0x3ea: {  	[spmem:s14] =	stream.linear.scatter [tilespmem:s5], [sflag:$0x6], $0x1400, $0x38;
	[tilespmem:$0x18D40] =	vst v63  }
0x3eb: {  	_ =	swait.ge [sflag:s15], $0x1400  }
0x3ec: {  	[sflag:s15] =	ssyncset.done $0x0  }
0x3ed: {  	s19 =	rddreg [dreg:$0x1a];
	[sflag:s15] =	ssyncadd.s32 $0xFFFFEC00  }
0x3ee: {  	[spmem:s19] =	stream.linear.scatter [tilespmem:s5], [sflag:$0x6], $0x1400, $0x38;
	[tilespmem:$0x18D40] =	vst v63  }
0x3ef: {  	_ =	swait.ge [sflag:s15], $0x1400  }
0x3f0: {  	[sflag:s15] =	ssyncset.done $0x0  }
0x3f1: {  	s31 =	rddreg [dreg:$0x1b];
	[sflag:s15] =	ssyncadd.s32 $0xFFFFEC00  }
0x3f2: {  	[spmem:s31] =	stream.linear.scatter [tilespmem:s5], [sflag:$0x6], $0x1400, $0x38;
	[tilespmem:$0x18D40] =	vst v63  }
0x3f3: {  	_ =	swait.ge [sflag:s15], $0x1400  }
0x3f4: {  	[sflag:s15] =	ssyncset.done $0x0  }
0x3f5: {  	s7 =	rddreg [dreg:$0x1c];
	[sflag:s15] =	ssyncadd.s32 $0xFFFFEC00  }
0x3f6: {  	[spmem:s7] =	stream.linear.scatter [tilespmem:s5], [sflag:$0x6], $0x1400, $0x38;
	[tilespmem:$0x18D40] =	vst v63  }
0x3f7: {  	_ =	swait.ge [sflag:s15], $0x1400  }
0x3f8: {  	[sflag:s15] =	ssyncset.done $0x0  }
0x3f9: {  	s9 =	rddreg [dreg:$0x1d];
	[sflag:s15] =	ssyncadd.s32 $0xFFFFEC00  }
0x3fa: {  	[spmem:s9] =	stream.linear.scatter [tilespmem:s5], [sflag:$0x6], $0x1400, $0x38;
	[tilespmem:$0x18D40] =	vst v63  }
0x3fb: {  	_ =	swait.ge [sflag:s15], $0x1400  }
0x3fc: {  	[sflag:s15] =	ssyncset.done $0x0  }
0x3fd: {  	[sflag:s15] =	ssyncadd.s32 $0xFFFFEC00  }
0x3fe: {  	s10 =	sadd.s32 $0x0, s11;
	[bflag:$0x0] =	sbarrier.arrive $0xFFFF  }
0x3ff: {  	s9 =	simm.s32 $0x0;
	[smem:$0x7F7] =	sst s10  }
0x400: {  	[tilespmem:s17], [sflag:$0x6] =	stream.linear.gather [hbm4b:s10+s9], $0x1000, $0x38;
	[tilespmem:$0x18D40] =	vst v63  }
0x401: {  	_ =	swait.ge [sflag:s15], $0x1000  }
0x402: {  	s12 =	sadd.s32 $0x0, s1;
	[sflag:s15] =	ssyncset.done $0x0  }
0x403: {  	[smem:$0x7F8] =	sst s12;
	[sflag:s15] =	ssyncadd.s32 $0xFFFFF000  }
0x404: {  	[tilespmem:s18], [sflag:$0x6] =	stream.linear.gather [hbm4b:s12+s9], $0x1000, $0x38;
	[tilespmem:$0x18D40] =	vst v63  }
0x405: {  	_ =	swait.ge [sflag:s15], $0x1000  }
0x406: {  	[sflag:s15] =	ssyncset.done $0x0  }
0x407: {  	[sflag:s15] =	ssyncadd.s32 $0xFFFFF000  }
0x408: {  	[tilespmem:s24], [sflag:$0x1] =	stream.indirect.gather [hbm4b:s22+s23], $0x20, s17, s23, $0xb8;
	[tilespmem:$0x18D40] =	vst v63  }
0x409: {  	_ =	swait.ge [sflag:s26], $0x4000  }
0x40a: {  	[sflag:s26] =	ssyncset.done $0x0  }
0x40b: {  	s13 =	simm.s32 $0xA700;
	[sflag:s26] =	ssyncadd.s32 $0xFFFFC000  }
0x40c: {  	[tilespmem:s28], [sflag:$0x2] =	stream.indirect.gather [hbm4b:s22+s23], $0x20, s13, s23, $0xb8;
	[tilespmem:$0x18D40] =	vst v63  }
0x40d: {  	_ = 	snop  }
0x40e: {  	[spmem:s2] =	stream.indirect.scatter.add.f32 [tilespmem:s24], [sflag:$0x3], $0x20, s18, s23, $0xb8;
	[tilespmem:$0x18D40] =	vst v63  }
0x40f: {  	_ =	swait.ge [sflag:s29], $0x4000  }
0x410: {  	[sflag:s29] =	ssyncset.done $0x0  }
0x411: {  	[sflag:s29] =	ssyncadd.s32 $0xFFFFC000  }
0x412: {  	_ =	swait.ge [sflag:s30], $0x4000  }
0x413: {  	[sflag:s30] =	ssyncset.done $0x0  }
0x414: {  	s14 =	simm.s32 $0xA900;
	[sflag:s30] =	ssyncadd.s32 $0xFFFFC000  }
0x415: {  	[tilespmem:s24], [sflag:$0x1] =	stream.indirect.gather [hbm4b:s22+s23], $0x20, s14, s23, $0xb8;
	[tilespmem:$0x18D40] =	vst v63  }
0x416: {  	s17 =	simm.s32 $0xB700  }
0x417: {  	[spmem:s2] =	stream.indirect.scatter.add.f32 [tilespmem:s28], [sflag:$0x4], $0x20, s17, s23, $0xb8;
	[tilespmem:$0x18D40] =	vst v63  }
0x418: {  	_ =	swait.ge [sflag:s4], $0x4000  }
0x419: {  	[sflag:s4] =	ssyncset.done $0x0  }
0x41a: {  	[sflag:s4] =	ssyncadd.s32 $0xFFFFC000  }
0x41b: {  	_ =	swait.ge [sflag:s26], $0x4000  }
0x41c: {  	[sflag:s26] =	ssyncset.done $0x0  }
0x41d: {  	s18 =	simm.s32 $0xAB00;
	[sflag:s26] =	ssyncadd.s32 $0xFFFFC000  }
0x41e: {  	[tilespmem:s28], [sflag:$0x2] =	stream.indirect.gather [hbm4b:s22+s23], $0x20, s18, s23, $0xb8;
	[tilespmem:$0x18D40] =	vst v63  }
0x41f: {  	s19 =	simm.s32 $0xB900  }
0x420: {  	[spmem:s2] =	stream.indirect.scatter.add.f32 [tilespmem:s24], [sflag:$0x3], $0x20, s19, s23, $0xb8;
	[tilespmem:$0x18D40] =	vst v63  }
0x421: {  	_ =	swait.ge [sflag:s29], $0x4000  }
0x422: {  	[sflag:s29] =	ssyncset.done $0x0  }
0x423: {  	[sflag:s29] =	ssyncadd.s32 $0xFFFFC000  }
0x424: {  	_ =	swait.ge [sflag:s30], $0x4000  }
0x425: {  	[sflag:s30] =	ssyncset.done $0x0  }
0x426: {  	s31 =	simm.s32 $0xAD00;
	[sflag:s30] =	ssyncadd.s32 $0xFFFFC000  }
0x427: {  	[tilespmem:s24], [sflag:$0x1] =	stream.indirect.gather [hbm4b:s22+s23], $0x20, s31, s23, $0xb8;
	[tilespmem:$0x18D40] =	vst v63  }
0x428: {  	s7 =	smov.u32 s1;
	s1 =	simm.s32 $0xBB00  }
0x429: {  	[spmem:s2] =	stream.indirect.scatter.add.f32 [tilespmem:s28], [sflag:$0x4], $0x20, s1, s23, $0xb8;
	[tilespmem:$0x18D40] =	vst v63  }
0x42a: {  	_ =	swait.ge [sflag:s4], $0x4000  }
0x42b: {  	[sflag:s4] =	ssyncset.done $0x0  }
0x42c: {  	[sflag:s4] =	ssyncadd.s32 $0xFFFFC000  }
0x42d: {  	_ =	swait.ge [sflag:s26], $0x4000  }
0x42e: {  	[sflag:s26] =	ssyncset.done $0x0  }
0x42f: {  	s5 =	simm.s32 $0xAF00;
	[sflag:s26] =	ssyncadd.s32 $0xFFFFC000  }
0x430: {  	[tilespmem:s28], [sflag:$0x2] =	stream.indirect.gather [hbm4b:s22+s23], $0x20, s5, s23, $0xb8;
	[tilespmem:$0x18D40] =	vst v63  }
0x431: {  	s10 =	simm.s32 $0xBD00  }
0x432: {  	[spmem:s2] =	stream.indirect.scatter.add.f32 [tilespmem:s24], [sflag:$0x3], $0x20, s10, s23, $0xb8;
	[tilespmem:$0x18D40] =	vst v63  }
0x433: {  	_ =	swait.ge [sflag:s29], $0x4000  }
0x434: {  	[sflag:s29] =	ssyncset.done $0x0  }
0x435: {  	[sflag:s29] =	ssyncadd.s32 $0xFFFFC000  }
0x436: {  	_ =	swait.ge [sflag:s30], $0x4000  }
0x437: {  	[sflag:s30] =	ssyncset.done $0x0  }
0x438: {  	s12 =	simm.s32 $0xB100;
	[sflag:s30] =	ssyncadd.s32 $0xFFFFC000  }
0x439: {  	[tilespmem:s24], [sflag:$0x1] =	stream.indirect.gather [hbm4b:s22+s23], $0x20, s12, s23, $0xb8;
	[tilespmem:$0x18D40] =	vst v63  }
0x43a: {  	s13 =	simm.s32 $0xBF00  }
0x43b: {  	[spmem:s2] =	stream.indirect.scatter.add.f32 [tilespmem:s28], [sflag:$0x4], $0x20, s13, s23, $0xb8;
	[tilespmem:$0x18D40] =	vst v63  }
0x43c: {  	_ =	swait.ge [sflag:s4], $0x4000  }
0x43d: {  	[sflag:s4] =	ssyncset.done $0x0  }
0x43e: {  	[sflag:s4] =	ssyncadd.s32 $0xFFFFC000  }
0x43f: {  	_ =	swait.ge [sflag:s26], $0x4000  }
0x440: {  	[sflag:s26] =	ssyncset.done $0x0  }
0x441: {  	s14 =	simm.s32 $0xB300;
	[sflag:s26] =	ssyncadd.s32 $0xFFFFC000  }
0x442: {  	[tilespmem:s28], [sflag:$0x2] =	stream.indirect.gather [hbm4b:s22+s23], $0x20, s14, s23, $0xb8;
	[tilespmem:$0x18D40] =	vst v63  }
0x443: {  	s19 =	simm.s32 $0xC100  }
0x444: {  	[spmem:s2] =	stream.indirect.scatter.add.f32 [tilespmem:s24], [sflag:$0x3], $0x20, s19, s23, $0xb8;
	[tilespmem:$0x18D40] =	vst v63  }
0x445: {  	_ =	swait.ge [sflag:s29], $0x4000  }
0x446: {  	[sflag:s29] =	ssyncset.done $0x0  }
0x447: {  	[sflag:s29] =	ssyncadd.s32 $0xFFFFC000  }
0x448: {  	s17 =	simm.s32 $0xB300;
	_ =	swait.ge [sflag:s30], $0x4000  }
0x449: {  	s18 =	simm.s32 $0xA500;
	s31 =	simm.s32 $0xC300;
	[sflag:s30] =	ssyncset.done $0x0  }
0x44a: {  	s1 =	simm.s32 $0xB500;
	s5 =	simm.s32 $0xC300;
	[sflag:s30] =	ssyncadd.s32 $0xFFFFC000  }
0x44b: {  	[spmem:s2] =	stream.indirect.scatter.add.f32 [tilespmem:s28], [sflag:$0x4], $0x20, s31, s23, $0xb8;
	[tilespmem:$0x18D40] =	vst v63  }
0x44c: {  	s10 =	simm.s32 $0x200;
	s12 =	simm.s32 $0x200;
	_ =	swait.ge [sflag:s4], $0x4000  }
0x44d: {  	s13 =	simm.s32 $0x400;
	s14 =	simm.s32 $0xC100;
	[sflag:s4] =	ssyncset.done $0x0  }
.LBB2_16:
0x44e: {  	s0 =	sadd.s32 s12, s11  }
0x44f: {  	[sflag:s4] =	ssyncadd.s32 $0xFFFFC000;
	s31 =	smov.u32 s13;
	s19 =	sadd.s32 $0x200, s13  }
0x450: {  	[tilespmem:s18], [sflag:$0x6] =	stream.linear.gather [hbm4b:s0+s9], $0x1000, $0x38;
	[tilespmem:$0x18D40] =	vst v63  }
0x451: {  	p0 =	sne.s32 s13, $0x800;
	_ =	swait.ge [sflag:s15], $0x1000  }
0x452: {  	s0 =	sadd.s32 s12, s7;
	[sflag:s15] =	ssyncset.done $0x0  }
0x453: {  	s12 =	smov.u32 s31;
	s31 =	simm.s32 $0xB700;
	[sflag:s15] =	ssyncadd.s32 $0xFFFFF000  }
0x454: {  	[tilespmem:s1], [sflag:$0x6] =	stream.linear.gather [hbm4b:s0+s9], $0x1000, $0x38;
	[tilespmem:$0x18D40] =	vst v63  }
0x455: {  	_ =	swait.ge [sflag:s15], $0x1000  }
0x456: {  	[sflag:s15] =	ssyncset.done $0x0  }
0x457: {  	[sflag:s15] =	ssyncadd.s32 $0xFFFFF000  }
0x458: {  	[tilespmem:s24], [sflag:$0x1] =	stream.indirect.gather [hbm4b:s22+s23], $0x20, s18, s23, $0xb8;
	[tilespmem:$0x18D40] =	vst v63  }
0x459: {  	_ =	swait.ge [sflag:s26], $0x4000  }
0x45a: {  	[sflag:s26] =	ssyncset.done $0x0  }
0x45b: {  	s0 =	simm.s32 $0xA700;
	[sflag:s26] =	ssyncadd.s32 $0xFFFFC000  }
0x45c: {  	[tilespmem:s28], [sflag:$0x2] =	stream.indirect.gather [hbm4b:s22+s23], $0x20, s0, s23, $0xb8;
	[tilespmem:$0x18D40] =	vst v63  }
0x45d: {  	_ = 	snop  }
0x45e: {  	[spmem:s2] =	stream.indirect.scatter.add.f32 [tilespmem:s24], [sflag:$0x3], $0x20, s1, s23, $0xb8;
	[tilespmem:$0x18D40] =	vst v63  }
0x45f: {  	_ =	swait.ge [sflag:s29], $0x4000  }
0x460: {  	[sflag:s29] =	ssyncset.done $0x0  }
0x461: {  	[sflag:s29] =	ssyncadd.s32 $0xFFFFC000  }
0x462: {  	_ =	swait.ge [sflag:s30], $0x4000  }
0x463: {  	[sflag:s30] =	ssyncset.done $0x0  }
0x464: {  	s0 =	simm.s32 $0xA900;
	[sflag:s30] =	ssyncadd.s32 $0xFFFFC000  }
0x465: {  	[tilespmem:s24], [sflag:$0x1] =	stream.indirect.gather [hbm4b:s22+s23], $0x20, s0, s23, $0xb8;
	[tilespmem:$0x18D40] =	vst v63  }
0x466: {  	_ = 	snop  }
0x467: {  	[spmem:s2] =	stream.indirect.scatter.add.f32 [tilespmem:s28], [sflag:$0x4], $0x20, s31, s23, $0xb8;
	[tilespmem:$0x18D40] =	vst v63  }
0x468: {  	_ =	swait.ge [sflag:s4], $0x4000  }
0x469: {  	[sflag:s4] =	ssyncset.done $0x0  }
0x46a: {  	[sflag:s4] =	ssyncadd.s32 $0xFFFFC000  }
0x46b: {  	_ =	swait.ge [sflag:s26], $0x4000  }
0x46c: {  	[sflag:s26] =	ssyncset.done $0x0  }
0x46d: {  	s0 =	simm.s32 $0xAB00;
	[sflag:s26] =	ssyncadd.s32 $0xFFFFC000  }
0x46e: {  	[tilespmem:s28], [sflag:$0x2] =	stream.indirect.gather [hbm4b:s22+s23], $0x20, s0, s23, $0xb8;
	[tilespmem:$0x18D40] =	vst v63  }
0x46f: {  	s0 =	simm.s32 $0xB900  }
0x470: {  	[spmem:s2] =	stream.indirect.scatter.add.f32 [tilespmem:s24], [sflag:$0x3], $0x20, s0, s23, $0xb8;
	[tilespmem:$0x18D40] =	vst v63  }
0x471: {  	_ =	swait.ge [sflag:s29], $0x4000  }
0x472: {  	[sflag:s29] =	ssyncset.done $0x0  }
0x473: {  	[sflag:s29] =	ssyncadd.s32 $0xFFFFC000  }
0x474: {  	_ =	swait.ge [sflag:s30], $0x4000  }
0x475: {  	[sflag:s30] =	ssyncset.done $0x0  }
0x476: {  	s0 =	simm.s32 $0xAD00;
	[sflag:s30] =	ssyncadd.s32 $0xFFFFC000  }
0x477: {  	[tilespmem:s24], [sflag:$0x1] =	stream.indirect.gather [hbm4b:s22+s23], $0x20, s0, s23, $0xb8;
	[tilespmem:$0x18D40] =	vst v63  }
0x478: {  	s0 =	simm.s32 $0xBB00  }
0x479: {  	[spmem:s2] =	stream.indirect.scatter.add.f32 [tilespmem:s28], [sflag:$0x4], $0x20, s0, s23, $0xb8;
	[tilespmem:$0x18D40] =	vst v63  }
0x47a: {  	_ =	swait.ge [sflag:s4], $0x4000  }
0x47b: {  	[sflag:s4] =	ssyncset.done $0x0  }
0x47c: {  	[sflag:s4] =	ssyncadd.s32 $0xFFFFC000  }
0x47d: {  	_ =	swait.ge [sflag:s26], $0x4000  }
0x47e: {  	[sflag:s26] =	ssyncset.done $0x0  }
0x47f: {  	s0 =	simm.s32 $0xAF00;
	[sflag:s26] =	ssyncadd.s32 $0xFFFFC000  }
0x480: {  	[tilespmem:s28], [sflag:$0x2] =	stream.indirect.gather [hbm4b:s22+s23], $0x20, s0, s23, $0xb8;
	[tilespmem:$0x18D40] =	vst v63  }
0x481: {  	s0 =	simm.s32 $0xBD00  }
0x482: {  	[spmem:s2] =	stream.indirect.scatter.add.f32 [tilespmem:s24], [sflag:$0x3], $0x20, s0, s23, $0xb8;
	[tilespmem:$0x18D40] =	vst v63  }
0x483: {  	_ =	swait.ge [sflag:s29], $0x4000  }
0x484: {  	[sflag:s29] =	ssyncset.done $0x0  }
0x485: {  	[sflag:s29] =	ssyncadd.s32 $0xFFFFC000  }
0x486: {  	_ =	swait.ge [sflag:s30], $0x4000  }
0x487: {  	[sflag:s30] =	ssyncset.done $0x0  }
0x488: {  	s0 =	simm.s32 $0xB100;
	[sflag:s30] =	ssyncadd.s32 $0xFFFFC000  }
0x489: {  	[tilespmem:s24], [sflag:$0x1] =	stream.indirect.gather [hbm4b:s22+s23], $0x20, s0, s23, $0xb8;
	[tilespmem:$0x18D40] =	vst v63  }
0x48a: {  	s0 =	simm.s32 $0xBF00  }
0x48b: {  	[spmem:s2] =	stream.indirect.scatter.add.f32 [tilespmem:s28], [sflag:$0x4], $0x20, s0, s23, $0xb8;
	[tilespmem:$0x18D40] =	vst v63  }
0x48c: {  	_ =	swait.ge [sflag:s4], $0x4000  }
0x48d: {  	[sflag:s4] =	ssyncset.done $0x0  }
0x48e: {  	[sflag:s4] =	ssyncadd.s32 $0xFFFFC000  }
0x48f: {  	_ =	swait.ge [sflag:s26], $0x4000  }
0x490: {  	[sflag:s26] =	ssyncset.done $0x0  }
0x491: {  	[sflag:s26] =	ssyncadd.s32 $0xFFFFC000  }
0x492: {  	[tilespmem:s28], [sflag:$0x2] =	stream.indirect.gather [hbm4b:s22+s23], $0x20, s17, s23, $0xb8;
	[tilespmem:$0x18D40] =	vst v63  }
0x493: {  	_ = 	snop  }
0x494: {  	[spmem:s2] =	stream.indirect.scatter.add.f32 [tilespmem:s24], [sflag:$0x3], $0x20, s14, s23, $0xb8;
	[tilespmem:$0x18D40] =	vst v63  }
0x495: {  	_ =	swait.ge [sflag:s29], $0x4000  }
0x496: {  	[sflag:s29] =	ssyncset.done $0x0  }
0x497: {  	[sflag:s29] =	ssyncadd.s32 $0xFFFFC000  }
0x498: {  	_ =	swait.ge [sflag:s30], $0x4000  }
.Ltmp7:
0x499: {  	[sflag:s30] =	ssyncset.done $0x0;
	(pc) =	sbr.rel @p0 .LBB2_16-.Ltmp7, $4  }
0x49a: {  	[sflag:s30] =	ssyncadd.s32 $0xFFFFC000  }
0x49b: {  	[spmem:s2] =	stream.indirect.scatter.add.f32 [tilespmem:s28], [sflag:$0x4], $0x20, s5, s23, $0xb8;
	[tilespmem:$0x18D40] =	vst v63  }
0x49c: {  	_ =	swait.ge [sflag:s4], $0x4000  }
0x49d: {  	s13 =	smov.u32 s19;
	[sflag:s4] =	ssyncset.done $0x0  }
0x49e: {  	s0 =	sadd.s32 s12, s11;
	[sflag:s4] =	ssyncadd.s32 $0xFFFFC000  }
0x49f: {  	[tilespmem:s18], [sflag:$0x6] =	stream.linear.gather [hbm4b:s0+s9], $0x1000, $0x38;
	[tilespmem:$0x18D40] =	vst v63  }
0x4a0: {  	_ =	swait.ge [sflag:s15], $0x1000  }
0x4a1: {  	[sflag:s15] =	ssyncset.done $0x0  }
0x4a2: {  	s19 =	sadd.s32 s12, s7;
	[sflag:s15] =	ssyncadd.s32 $0xFFFFF000  }
0x4a3: {  	[tilespmem:s1], [sflag:$0x6] =	stream.linear.gather [hbm4b:s19+s9], $0x1000, $0x38;
	[tilespmem:$0x18D40] =	vst v63  }
0x4a4: {  	_ =	swait.ge [sflag:s15], $0x1000  }
0x4a5: {  	[sflag:s15] =	ssyncset.done $0x0  }
0x4a6: {  	[sflag:s15] =	ssyncadd.s32 $0xFFFFF000  }
0x4a7: {  	[tilespmem:s24], [sflag:$0x1] =	stream.indirect.gather [hbm4b:s22+s23], $0x20, s18, s23, $0xb8;
	[tilespmem:$0x18D40] =	vst v63  }
0x4a8: {  	_ =	swait.ge [sflag:s26], $0x4000  }
0x4a9: {  	[sflag:s26] =	ssyncset.done $0x0  }
0x4aa: {  	s5 =	simm.s32 $0xA700;
	[sflag:s26] =	ssyncadd.s32 $0xFFFFC000  }
0x4ab: {  	[tilespmem:s28], [sflag:$0x2] =	stream.indirect.gather [hbm4b:s22+s23], $0x20, s5, s23, $0xb8;
	[tilespmem:$0x18D40] =	vst v63  }
0x4ac: {  	_ = 	snop  }
0x4ad: {  	[spmem:s2] =	stream.indirect.scatter.add.f32 [tilespmem:s24], [sflag:$0x3], $0x20, s1, s23, $0xb8;
	[tilespmem:$0x18D40] =	vst v63  }
0x4ae: {  	_ =	swait.ge [sflag:s29], $0x4000  }
0x4af: {  	[sflag:s29] =	ssyncset.done $0x0  }
0x4b0: {  	[sflag:s29] =	ssyncadd.s32 $0xFFFFC000  }
0x4b1: {  	_ =	swait.ge [sflag:s30], $0x4000  }
0x4b2: {  	[sflag:s30] =	ssyncset.done $0x0  }
0x4b3: {  	s9 =	simm.s32 $0xA900;
	[sflag:s30] =	ssyncadd.s32 $0xFFFFC000  }
0x4b4: {  	[tilespmem:s24], [sflag:$0x1] =	stream.indirect.gather [hbm4b:s22+s23], $0x20, s9, s23, $0xb8;
	[tilespmem:$0x18D40] =	vst v63  }
0x4b5: {  	_ = 	snop  }
0x4b6: {  	[spmem:s2] =	stream.indirect.scatter.add.f32 [tilespmem:s28], [sflag:$0x4], $0x20, s31, s23, $0xb8;
	[tilespmem:$0x18D40] =	vst v63  }
0x4b7: {  	_ =	swait.ge [sflag:s4], $0x4000  }
0x4b8: {  	[sflag:s4] =	ssyncset.done $0x0  }
0x4b9: {  	[sflag:s4] =	ssyncadd.s32 $0xFFFFC000  }
0x4ba: {  	_ =	swait.ge [sflag:s26], $0x4000  }
0x4bb: {  	[sflag:s26] =	ssyncset.done $0x0  }
0x4bc: {  	s12 =	simm.s32 $0xAB00;
	[sflag:s26] =	ssyncadd.s32 $0xFFFFC000  }
0x4bd: {  	[tilespmem:s28], [sflag:$0x2] =	stream.indirect.gather [hbm4b:s22+s23], $0x20, s12, s23, $0xb8;
	[tilespmem:$0x18D40] =	vst v63  }
0x4be: {  	s5 =	simm.s32 $0xB900  }
0x4bf: {  	[spmem:s2] =	stream.indirect.scatter.add.f32 [tilespmem:s24], [sflag:$0x3], $0x20, s5, s23, $0xb8;
	[tilespmem:$0x18D40] =	vst v63  }
0x4c0: {  	_ =	swait.ge [sflag:s29], $0x4000  }
0x4c1: {  	[sflag:s29] =	ssyncset.done $0x0  }
0x4c2: {  	[sflag:s29] =	ssyncadd.s32 $0xFFFFC000  }
0x4c3: {  	_ =	swait.ge [sflag:s30], $0x4000  }
0x4c4: {  	[sflag:s30] =	ssyncset.done $0x0  }
0x4c5: {  	s13 =	simm.s32 $0xAD00;
	[sflag:s30] =	ssyncadd.s32 $0xFFFFC000  }
0x4c6: {  	[tilespmem:s24], [sflag:$0x1] =	stream.indirect.gather [hbm4b:s22+s23], $0x20, s13, s23, $0xb8;
	[tilespmem:$0x18D40] =	vst v63  }
0x4c7: {  	s9 =	simm.s32 $0xBB00  }
0x4c8: {  	[spmem:s2] =	stream.indirect.scatter.add.f32 [tilespmem:s28], [sflag:$0x4], $0x20, s9, s23, $0xb8;
	[tilespmem:$0x18D40] =	vst v63  }
0x4c9: {  	_ =	swait.ge [sflag:s4], $0x4000  }
0x4ca: {  	[sflag:s4] =	ssyncset.done $0x0  }
0x4cb: {  	[sflag:s4] =	ssyncadd.s32 $0xFFFFC000  }
0x4cc: {  	_ =	swait.ge [sflag:s26], $0x4000  }
0x4cd: {  	[sflag:s26] =	ssyncset.done $0x0  }
0x4ce: {  	s14 =	simm.s32 $0xAF00;
	[sflag:s26] =	ssyncadd.s32 $0xFFFFC000  }
0x4cf: {  	[tilespmem:s28], [sflag:$0x2] =	stream.indirect.gather [hbm4b:s22+s23], $0x20, s14, s23, $0xb8;
	[tilespmem:$0x18D40] =	vst v63  }
0x4d0: {  	s14 =	simm.s32 $0xBD00  }
0x4d1: {  	[spmem:s2] =	stream.indirect.scatter.add.f32 [tilespmem:s24], [sflag:$0x3], $0x20, s14, s23, $0xb8;
	[tilespmem:$0x18D40] =	vst v63  }
0x4d2: {  	_ =	swait.ge [sflag:s29], $0x4000  }
0x4d3: {  	[sflag:s29] =	ssyncset.done $0x0  }
0x4d4: {  	[sflag:s29] =	ssyncadd.s32 $0xFFFFC000  }
0x4d5: {  	_ =	swait.ge [sflag:s30], $0x4000  }
0x4d6: {  	[sflag:s30] =	ssyncset.done $0x0  }
0x4d7: {  	s17 =	simm.s32 $0xB100;
	[sflag:s30] =	ssyncadd.s32 $0xFFFFC000  }
0x4d8: {  	[tilespmem:s24], [sflag:$0x1] =	stream.indirect.gather [hbm4b:s22+s23], $0x20, s17, s23, $0xb8;
	[tilespmem:$0x18D40] =	vst v63  }
0x4d9: {  	s17 =	simm.s32 $0xBF00  }
0x4da: {  	[spmem:s2] =	stream.indirect.scatter.add.f32 [tilespmem:s28], [sflag:$0x4], $0x20, s17, s23, $0xb8;
	[tilespmem:$0x18D40] =	vst v63  }
0x4db: {  	_ =	swait.ge [sflag:s4], $0x4000  }
0x4dc: {  	[sflag:s4] =	ssyncset.done $0x0  }
0x4dd: {  	[sflag:s4] =	ssyncadd.s32 $0xFFFFC000  }
0x4de: {  	_ =	swait.ge [sflag:s26], $0x4000  }
0x4df: {  	[sflag:s26] =	ssyncset.done $0x0  }
0x4e0: {  	s19 =	simm.s32 $0xB300;
	[sflag:s26] =	ssyncadd.s32 $0xFFFFC000  }
0x4e1: {  	[tilespmem:s28], [sflag:$0x2] =	stream.indirect.gather [hbm4b:s22+s23], $0x20, s19, s23, $0xb8;
	[tilespmem:$0x18D40] =	vst v63  }
0x4e2: {  	s0 =	simm.s32 $0xC100  }
0x4e3: {  	[spmem:s2] =	stream.indirect.scatter.add.f32 [tilespmem:s24], [sflag:$0x3], $0x20, s0, s23, $0xb8;
	[tilespmem:$0x18D40] =	vst v63  }
0x4e4: {  	_ =	swait.ge [sflag:s29], $0x4000  }
0x4e5: {  	[sflag:s29] =	ssyncset.done $0x0  }
0x4e6: {  	[sflag:s29] =	ssyncadd.s32 $0xFFFFC000  }
0x4e7: {  	_ =	swait.ge [sflag:s30], $0x4000  }
0x4e8: {  	[sflag:s30] =	ssyncset.done $0x0  }
0x4e9: {  	s13 =	simm.s32 $0xC300;
	[sflag:s30] =	ssyncadd.s32 $0xFFFFC000  }
0x4ea: {  	[spmem:s2] =	stream.indirect.scatter.add.f32 [tilespmem:s28], [sflag:$0x4], $0x20, s13, s23, $0xb8;
	[tilespmem:$0x18D40] =	vst v63  }
0x4eb: {  	_ =	swait.ge [sflag:s4], $0x4000  }
0x4ec: {  	s12 =	sld [smem:$0x7F7]  }
0x4ed: {  	[sflag:s4] =	ssyncset.done $0x0  }
0x4ee: {  	s19 =	simm.s32 $0x0;
	[sflag:s4] =	ssyncadd.s32 $0xFFFFC000  }
0x4ef: {  	[tilespmem:s18], [sflag:$0x6] =	stream.linear.gather [hbm4b:s12+s19], $0x1000, $0x38;
	[tilespmem:$0x18D40] =	vst v63  }
0x4f0: {  	_ =	swait.ge [sflag:s15], $0x1000  }
0x4f1: {  	s12 =	sld [smem:$0x7F8]  }
0x4f2: {  	[sflag:s15] =	ssyncset.done $0x0  }
0x4f3: {  	[sflag:s15] =	ssyncadd.s32 $0xFFFFF000  }
0x4f4: {  	[tilespmem:s1], [sflag:$0x6] =	stream.linear.gather [hbm4b:s12+s19], $0x1000, $0x38;
	[tilespmem:$0x18D40] =	vst v63  }
0x4f5: {  	_ =	swait.ge [sflag:s15], $0x1000  }
0x4f6: {  	[sflag:s15] =	ssyncset.done $0x0  }
0x4f7: {  	[sflag:s15] =	ssyncadd.s32 $0xFFFFF000  }
0x4f8: {  	[tilespmem:s24], [sflag:$0x1] =	stream.indirect.gather [hbm4b:s22+s23], $0x20, s1, s23, $0xb8;
	[tilespmem:$0x18D40] =	vst v63  }
0x4f9: {  	_ =	swait.ge [sflag:s26], $0x4000  }
0x4fa: {  	[sflag:s26] =	ssyncset.done $0x0  }
0x4fb: {  	[sflag:s26] =	ssyncadd.s32 $0xFFFFC000  }
0x4fc: {  	[tilespmem:s28], [sflag:$0x2] =	stream.indirect.gather [hbm4b:s22+s23], $0x20, s31, s23, $0xb8;
	[tilespmem:$0x18D40] =	vst v63  }
0x4fd: {  	_ = 	snop  }
0x4fe: {  	[spmem:s3] =	stream.indirect.scatter.add.f32 [tilespmem:s24], [sflag:$0x3], $0x20, s18, s23, $0xb8;
	[tilespmem:$0x18D40] =	vst v63  }
0x4ff: {  	_ =	swait.ge [sflag:s29], $0x4000  }
0x500: {  	[sflag:s29] =	ssyncset.done $0x0  }
0x501: {  	[sflag:s29] =	ssyncadd.s32 $0xFFFFC000  }
0x502: {  	_ =	swait.ge [sflag:s30], $0x4000  }
0x503: {  	[sflag:s30] =	ssyncset.done $0x0  }
0x504: {  	[sflag:s30] =	ssyncadd.s32 $0xFFFFC000  }
0x505: {  	[tilespmem:s24], [sflag:$0x1] =	stream.indirect.gather [hbm4b:s22+s23], $0x20, s5, s23, $0xb8;
	[tilespmem:$0x18D40] =	vst v63  }
0x506: {  	s12 =	simm.s32 $0xA700  }
0x507: {  	[spmem:s3] =	stream.indirect.scatter.add.f32 [tilespmem:s28], [sflag:$0x4], $0x20, s12, s23, $0xb8;
	[tilespmem:$0x18D40] =	vst v63  }
0x508: {  	_ =	swait.ge [sflag:s4], $0x4000  }
0x509: {  	[sflag:s4] =	ssyncset.done $0x0  }
0x50a: {  	[sflag:s4] =	ssyncadd.s32 $0xFFFFC000  }
0x50b: {  	_ =	swait.ge [sflag:s26], $0x4000  }
0x50c: {  	[sflag:s26] =	ssyncset.done $0x0  }
0x50d: {  	[sflag:s26] =	ssyncadd.s32 $0xFFFFC000  }
0x50e: {  	[tilespmem:s28], [sflag:$0x2] =	stream.indirect.gather [hbm4b:s22+s23], $0x20, s9, s23, $0xb8;
	[tilespmem:$0x18D40] =	vst v63  }
0x50f: {  	s18 =	simm.s32 $0xA900  }
0x510: {  	[spmem:s3] =	stream.indirect.scatter.add.f32 [tilespmem:s24], [sflag:$0x3], $0x20, s18, s23, $0xb8;
	[tilespmem:$0x18D40] =	vst v63  }
0x511: {  	_ =	swait.ge [sflag:s29], $0x4000  }
0x512: {  	[sflag:s29] =	ssyncset.done $0x0  }
0x513: {  	[sflag:s29] =	ssyncadd.s32 $0xFFFFC000  }
0x514: {  	_ =	swait.ge [sflag:s30], $0x4000  }
0x515: {  	[sflag:s30] =	ssyncset.done $0x0  }
0x516: {  	[sflag:s30] =	ssyncadd.s32 $0xFFFFC000  }
0x517: {  	[tilespmem:s24], [sflag:$0x1] =	stream.indirect.gather [hbm4b:s22+s23], $0x20, s14, s23, $0xb8;
	[tilespmem:$0x18D40] =	vst v63  }
0x518: {  	s5 =	simm.s32 $0xAB00  }
0x519: {  	[spmem:s3] =	stream.indirect.scatter.add.f32 [tilespmem:s28], [sflag:$0x4], $0x20, s5, s23, $0xb8;
	[tilespmem:$0x18D40] =	vst v63  }
0x51a: {  	_ =	swait.ge [sflag:s4], $0x4000  }
0x51b: {  	[sflag:s4] =	ssyncset.done $0x0  }
0x51c: {  	[sflag:s4] =	ssyncadd.s32 $0xFFFFC000  }
0x51d: {  	_ =	swait.ge [sflag:s26], $0x4000  }
0x51e: {  	[sflag:s26] =	ssyncset.done $0x0  }
0x51f: {  	[sflag:s26] =	ssyncadd.s32 $0xFFFFC000  }
0x520: {  	[tilespmem:s28], [sflag:$0x2] =	stream.indirect.gather [hbm4b:s22+s23], $0x20, s17, s23, $0xb8;
	[tilespmem:$0x18D40] =	vst v63  }
0x521: {  	s9 =	simm.s32 $0xAD00  }
0x522: {  	[spmem:s3] =	stream.indirect.scatter.add.f32 [tilespmem:s24], [sflag:$0x3], $0x20, s9, s23, $0xb8;
	[tilespmem:$0x18D40] =	vst v63  }
0x523: {  	_ =	swait.ge [sflag:s29], $0x4000  }
0x524: {  	[sflag:s29] =	ssyncset.done $0x0  }
0x525: {  	[sflag:s29] =	ssyncadd.s32 $0xFFFFC000  }
0x526: {  	_ =	swait.ge [sflag:s30], $0x4000  }
0x527: {  	[sflag:s30] =	ssyncset.done $0x0  }
0x528: {  	[sflag:s30] =	ssyncadd.s32 $0xFFFFC000  }
0x529: {  	[tilespmem:s24], [sflag:$0x1] =	stream.indirect.gather [hbm4b:s22+s23], $0x20, s0, s23, $0xb8;
	[tilespmem:$0x18D40] =	vst v63  }
0x52a: {  	s12 =	simm.s32 $0xAF00  }
0x52b: {  	[spmem:s3] =	stream.indirect.scatter.add.f32 [tilespmem:s28], [sflag:$0x4], $0x20, s12, s23, $0xb8;
	[tilespmem:$0x18D40] =	vst v63  }
0x52c: {  	_ =	swait.ge [sflag:s4], $0x4000  }
0x52d: {  	[sflag:s4] =	ssyncset.done $0x0  }
0x52e: {  	[sflag:s4] =	ssyncadd.s32 $0xFFFFC000  }
0x52f: {  	_ =	swait.ge [sflag:s26], $0x4000  }
0x530: {  	[sflag:s26] =	ssyncset.done $0x0  }
0x531: {  	[sflag:s26] =	ssyncadd.s32 $0xFFFFC000  }
0x532: {  	[tilespmem:s28], [sflag:$0x2] =	stream.indirect.gather [hbm4b:s22+s23], $0x20, s13, s23, $0xb8;
	[tilespmem:$0x18D40] =	vst v63  }
0x533: {  	s17 =	simm.s32 $0xB100  }
0x534: {  	[spmem:s3] =	stream.indirect.scatter.add.f32 [tilespmem:s24], [sflag:$0x3], $0x20, s17, s23, $0xb8;
	[tilespmem:$0x18D40] =	vst v63  }
0x535: {  	_ =	swait.ge [sflag:s29], $0x4000  }
0x536: {  	[sflag:s29] =	ssyncset.done $0x0  }
0x537: {  	[sflag:s29] =	ssyncadd.s32 $0xFFFFC000  }
0x538: {  	_ =	swait.ge [sflag:s30], $0x4000  }
0x539: {  	s1 =	simm.s32 $0xA900;
	[sflag:s30] =	ssyncset.done $0x0  }
0x53a: {  	s18 =	simm.s32 $0xB300;
	s14 =	simm.s32 $0xAF00;
	[sflag:s30] =	ssyncadd.s32 $0xFFFFC000  }
0x53b: {  	[spmem:s3] =	stream.indirect.scatter.add.f32 [tilespmem:s28], [sflag:$0x4], $0x20, s18, s23, $0xb8;
	[tilespmem:$0x18D40] =	vst v63  }
0x53c: {  	s5 =	simm.s32 $0xAB00;
	s12 =	simm.s32 $0x400;
	_ =	swait.ge [sflag:s4], $0x4000  }
0x53d: {  	s17 =	simm.s32 $0xA500;
	s18 =	simm.s32 $0xB500;
	[sflag:s4] =	ssyncset.done $0x0  }
.LBB2_18:
0x53e: {  	s0 =	sadd.s32 s10, s11  }
0x53f: {  	[sflag:s4] =	ssyncadd.s32 $0xFFFFC000;
	s13 =	smov.u32 s12;
	s9 =	sadd.s32 $0x200, s12  }
0x540: {  	[tilespmem:s17], [sflag:$0x6] =	stream.linear.gather [hbm4b:s0+s19], $0x1000, $0x38;
	[tilespmem:$0x18D40] =	vst v63  }
0x541: {  	p0 =	sne.s32 s12, $0x800;
	_ =	swait.ge [sflag:s15], $0x1000  }
0x542: {  	s0 =	sadd.s32 s10, s7;
	[sflag:s15] =	ssyncset.done $0x0  }
0x543: {  	s10 =	smov.u32 s13;
	s13 =	simm.s32 $0xA700;
	[sflag:s15] =	ssyncadd.s32 $0xFFFFF000  }
0x544: {  	[tilespmem:s18], [sflag:$0x6] =	stream.linear.gather [hbm4b:s0+s19], $0x1000, $0x38;
	[tilespmem:$0x18D40] =	vst v63  }
0x545: {  	_ =	swait.ge [sflag:s15], $0x1000  }
0x546: {  	[sflag:s15] =	ssyncset.done $0x0  }
0x547: {  	[sflag:s15] =	ssyncadd.s32 $0xFFFFF000  }
0x548: {  	[tilespmem:s24], [sflag:$0x1] =	stream.indirect.gather [hbm4b:s22+s23], $0x20, s18, s23, $0xb8;
	[tilespmem:$0x18D40] =	vst v63  }
0x549: {  	_ =	swait.ge [sflag:s26], $0x4000  }
0x54a: {  	[sflag:s26] =	ssyncset.done $0x0  }
0x54b: {  	[sflag:s26] =	ssyncadd.s32 $0xFFFFC000  }
0x54c: {  	[tilespmem:s28], [sflag:$0x2] =	stream.indirect.gather [hbm4b:s22+s23], $0x20, s31, s23, $0xb8;
	[tilespmem:$0x18D40] =	vst v63  }
0x54d: {  	_ = 	snop  }
0x54e: {  	[spmem:s3] =	stream.indirect.scatter.add.f32 [tilespmem:s24], [sflag:$0x3], $0x20, s17, s23, $0xb8;
	[tilespmem:$0x18D40] =	vst v63  }
0x54f: {  	_ =	swait.ge [sflag:s29], $0x4000  }
0x550: {  	[sflag:s29] =	ssyncset.done $0x0  }
0x551: {  	[sflag:s29] =	ssyncadd.s32 $0xFFFFC000  }
0x552: {  	_ =	swait.ge [sflag:s30], $0x4000  }
0x553: {  	[sflag:s30] =	ssyncset.done $0x0  }
0x554: {  	s0 =	simm.s32 $0xB900;
	[sflag:s30] =	ssyncadd.s32 $0xFFFFC000  }
0x555: {  	[tilespmem:s24], [sflag:$0x1] =	stream.indirect.gather [hbm4b:s22+s23], $0x20, s0, s23, $0xb8;
	[tilespmem:$0x18D40] =	vst v63  }
0x556: {  	_ = 	snop  }
0x557: {  	[spmem:s3] =	stream.indirect.scatter.add.f32 [tilespmem:s28], [sflag:$0x4], $0x20, s13, s23, $0xb8;
	[tilespmem:$0x18D40] =	vst v63  }
0x558: {  	_ =	swait.ge [sflag:s4], $0x4000  }
0x559: {  	[sflag:s4] =	ssyncset.done $0x0  }
0x55a: {  	[sflag:s4] =	ssyncadd.s32 $0xFFFFC000  }
0x55b: {  	_ =	swait.ge [sflag:s26], $0x4000  }
0x55c: {  	[sflag:s26] =	ssyncset.done $0x0  }
0x55d: {  	s0 =	simm.s32 $0xBB00;
	[sflag:s26] =	ssyncadd.s32 $0xFFFFC000  }
0x55e: {  	[tilespmem:s28], [sflag:$0x2] =	stream.indirect.gather [hbm4b:s22+s23], $0x20, s0, s23, $0xb8;
	[tilespmem:$0x18D40] =	vst v63  }
0x55f: {  	_ = 	snop  }
0x560: {  	[spmem:s3] =	stream.indirect.scatter.add.f32 [tilespmem:s24], [sflag:$0x3], $0x20, s1, s23, $0xb8;
	[tilespmem:$0x18D40] =	vst v63  }
0x561: {  	_ =	swait.ge [sflag:s29], $0x4000  }
0x562: {  	[sflag:s29] =	ssyncset.done $0x0  }
0x563: {  	[sflag:s29] =	ssyncadd.s32 $0xFFFFC000  }
0x564: {  	_ =	swait.ge [sflag:s30], $0x4000  }
0x565: {  	[sflag:s30] =	ssyncset.done $0x0  }
0x566: {  	s0 =	simm.s32 $0xBD00;
	[sflag:s30] =	ssyncadd.s32 $0xFFFFC000  }
0x567: {  	[tilespmem:s24], [sflag:$0x1] =	stream.indirect.gather [hbm4b:s22+s23], $0x20, s0, s23, $0xb8;
	[tilespmem:$0x18D40] =	vst v63  }
0x568: {  	_ = 	snop  }
0x569: {  	[spmem:s3] =	stream.indirect.scatter.add.f32 [tilespmem:s28], [sflag:$0x4], $0x20, s5, s23, $0xb8;
	[tilespmem:$0x18D40] =	vst v63  }
0x56a: {  	_ =	swait.ge [sflag:s4], $0x4000  }
0x56b: {  	[sflag:s4] =	ssyncset.done $0x0  }
0x56c: {  	[sflag:s4] =	ssyncadd.s32 $0xFFFFC000  }
0x56d: {  	_ =	swait.ge [sflag:s26], $0x4000  }
0x56e: {  	[sflag:s26] =	ssyncset.done $0x0  }
0x56f: {  	s0 =	simm.s32 $0xBF00;
	[sflag:s26] =	ssyncadd.s32 $0xFFFFC000  }
0x570: {  	[tilespmem:s28], [sflag:$0x2] =	stream.indirect.gather [hbm4b:s22+s23], $0x20, s0, s23, $0xb8;
	[tilespmem:$0x18D40] =	vst v63  }
0x571: {  	s0 =	simm.s32 $0xAD00  }
0x572: {  	[spmem:s3] =	stream.indirect.scatter.add.f32 [tilespmem:s24], [sflag:$0x3], $0x20, s0, s23, $0xb8;
	[tilespmem:$0x18D40] =	vst v63  }
0x573: {  	_ =	swait.ge [sflag:s29], $0x4000  }
0x574: {  	[sflag:s29] =	ssyncset.done $0x0  }
0x575: {  	[sflag:s29] =	ssyncadd.s32 $0xFFFFC000  }
0x576: {  	_ =	swait.ge [sflag:s30], $0x4000  }
0x577: {  	[sflag:s30] =	ssyncset.done $0x0  }
0x578: {  	s0 =	simm.s32 $0xC100;
	[sflag:s30] =	ssyncadd.s32 $0xFFFFC000  }
0x579: {  	[tilespmem:s24], [sflag:$0x1] =	stream.indirect.gather [hbm4b:s22+s23], $0x20, s0, s23, $0xb8;
	[tilespmem:$0x18D40] =	vst v63  }
0x57a: {  	_ = 	snop  }
0x57b: {  	[spmem:s3] =	stream.indirect.scatter.add.f32 [tilespmem:s28], [sflag:$0x4], $0x20, s14, s23, $0xb8;
	[tilespmem:$0x18D40] =	vst v63  }
0x57c: {  	_ =	swait.ge [sflag:s4], $0x4000  }
0x57d: {  	[sflag:s4] =	ssyncset.done $0x0  }
0x57e: {  	[sflag:s4] =	ssyncadd.s32 $0xFFFFC000  }
0x57f: {  	_ =	swait.ge [sflag:s26], $0x4000  }
0x580: {  	[sflag:s26] =	ssyncset.done $0x0  }
0x581: {  	s0 =	simm.s32 $0xC300;
	[sflag:s26] =	ssyncadd.s32 $0xFFFFC000  }
0x582: {  	[tilespmem:s28], [sflag:$0x2] =	stream.indirect.gather [hbm4b:s22+s23], $0x20, s0, s23, $0xb8;
	[tilespmem:$0x18D40] =	vst v63  }
0x583: {  	s0 =	simm.s32 $0xB100  }
0x584: {  	[spmem:s3] =	stream.indirect.scatter.add.f32 [tilespmem:s24], [sflag:$0x3], $0x20, s0, s23, $0xb8;
	[tilespmem:$0x18D40] =	vst v63  }
0x585: {  	_ =	swait.ge [sflag:s29], $0x4000  }
0x586: {  	[sflag:s29] =	ssyncset.done $0x0  }
0x587: {  	[sflag:s29] =	ssyncadd.s32 $0xFFFFC000  }
0x588: {  	_ =	swait.ge [sflag:s30], $0x4000  }
.Ltmp8:
0x589: {  	[sflag:s30] =	ssyncset.done $0x0;
	(pc) =	sbr.rel @p0 .LBB2_18-.Ltmp8, $4  }
0x58a: {  	s0 =	simm.s32 $0xB300;
	[sflag:s30] =	ssyncadd.s32 $0xFFFFC000  }
0x58b: {  	[spmem:s3] =	stream.indirect.scatter.add.f32 [tilespmem:s28], [sflag:$0x4], $0x20, s0, s23, $0xb8;
	[tilespmem:$0x18D40] =	vst v63  }
0x58c: {  	_ =	swait.ge [sflag:s4], $0x4000  }
0x58d: {  	s12 =	smov.u32 s9;
	[sflag:s4] =	ssyncset.done $0x0  }
0x58e: {  	s0 =	sadd.s32 s10, s11;
	[sflag:s4] =	ssyncadd.s32 $0xFFFFC000  }
0x58f: {  	[tilespmem:s17], [sflag:$0x6] =	stream.linear.gather [hbm4b:s0+s19], $0x1000, $0x38;
	[tilespmem:$0x18D40] =	vst v63  }
0x590: {  	_ =	swait.ge [sflag:s15], $0x1000  }
0x591: {  	[sflag:s15] =	ssyncset.done $0x0  }
0x592: {  	s9 =	sadd.s32 s10, s7;
	[sflag:s15] =	ssyncadd.s32 $0xFFFFF000  }
0x593: {  	[tilespmem:s18], [sflag:$0x6] =	stream.linear.gather [hbm4b:s9+s19], $0x1000, $0x38;
	[tilespmem:$0x18D40] =	vst v63  }
0x594: {  	_ =	swait.ge [sflag:s15], $0x1000  }
0x595: {  	[sflag:s15] =	ssyncset.done $0x0  }
0x596: {  	[sflag:s15] =	ssyncadd.s32 $0xFFFFF000  }
0x597: {  	[tilespmem:s24], [sflag:$0x1] =	stream.indirect.gather [hbm4b:s22+s23], $0x20, s18, s23, $0xb8;
	[tilespmem:$0x18D40] =	vst v63  }
0x598: {  	_ =	swait.ge [sflag:s26], $0x4000  }
0x599: {  	[sflag:s26] =	ssyncset.done $0x0  }
0x59a: {  	[sflag:s26] =	ssyncadd.s32 $0xFFFFC000  }
0x59b: {  	[tilespmem:s28], [sflag:$0x2] =	stream.indirect.gather [hbm4b:s22+s23], $0x20, s31, s23, $0xb8;
	[tilespmem:$0x18D40] =	vst v63  }
0x59c: {  	_ = 	snop  }
0x59d: {  	[spmem:s3] =	stream.indirect.scatter.add.f32 [tilespmem:s24], [sflag:$0x3], $0x20, s17, s23, $0xb8;
	[tilespmem:$0x18D40] =	vst v63  }
0x59e: {  	_ =	swait.ge [sflag:s29], $0x4000  }
0x59f: {  	[sflag:s29] =	ssyncset.done $0x0  }
0x5a0: {  	[sflag:s29] =	ssyncadd.s32 $0xFFFFC000  }
0x5a1: {  	_ =	swait.ge [sflag:s30], $0x4000  }
0x5a2: {  	[sflag:s30] =	ssyncset.done $0x0  }
0x5a3: {  	s10 =	simm.s32 $0xB900;
	[sflag:s30] =	ssyncadd.s32 $0xFFFFC000  }
0x5a4: {  	[tilespmem:s24], [sflag:$0x1] =	stream.indirect.gather [hbm4b:s22+s23], $0x20, s10, s23, $0xb8;
	[tilespmem:$0x18D40] =	vst v63  }
0x5a5: {  	_ = 	snop  }
0x5a6: {  	[spmem:s3] =	stream.indirect.scatter.add.f32 [tilespmem:s28], [sflag:$0x4], $0x20, s13, s23, $0xb8;
	[tilespmem:$0x18D40] =	vst v63  }
0x5a7: {  	_ =	swait.ge [sflag:s4], $0x4000  }
0x5a8: {  	[sflag:s4] =	ssyncset.done $0x0  }
0x5a9: {  	[sflag:s4] =	ssyncadd.s32 $0xFFFFC000  }
0x5aa: {  	_ =	swait.ge [sflag:s26], $0x4000  }
0x5ab: {  	[sflag:s26] =	ssyncset.done $0x0  }
0x5ac: {  	s12 =	simm.s32 $0xBB00;
	[sflag:s26] =	ssyncadd.s32 $0xFFFFC000  }
0x5ad: {  	[tilespmem:s28], [sflag:$0x2] =	stream.indirect.gather [hbm4b:s22+s23], $0x20, s12, s23, $0xb8;
	[tilespmem:$0x18D40] =	vst v63  }
0x5ae: {  	_ = 	snop  }
0x5af: {  	[spmem:s3] =	stream.indirect.scatter.add.f32 [tilespmem:s24], [sflag:$0x3], $0x20, s1, s23, $0xb8;
	[tilespmem:$0x18D40] =	vst v63  }
0x5b0: {  	_ =	swait.ge [sflag:s29], $0x4000  }
0x5b1: {  	[sflag:s29] =	ssyncset.done $0x0  }
0x5b2: {  	[sflag:s29] =	ssyncadd.s32 $0xFFFFC000  }
0x5b3: {  	_ =	swait.ge [sflag:s30], $0x4000  }
0x5b4: {  	[sflag:s30] =	ssyncset.done $0x0  }
0x5b5: {  	s7 =	simm.s32 $0xBD00;
	[sflag:s30] =	ssyncadd.s32 $0xFFFFC000  }
0x5b6: {  	[tilespmem:s24], [sflag:$0x1] =	stream.indirect.gather [hbm4b:s22+s23], $0x20, s7, s23, $0xb8;
	[tilespmem:$0x18D40] =	vst v63  }
0x5b7: {  	_ = 	snop  }
0x5b8: {  	[spmem:s3] =	stream.indirect.scatter.add.f32 [tilespmem:s28], [sflag:$0x4], $0x20, s5, s23, $0xb8;
	[tilespmem:$0x18D40] =	vst v63  }
0x5b9: {  	_ =	swait.ge [sflag:s4], $0x4000  }
0x5ba: {  	[sflag:s4] =	ssyncset.done $0x0  }
0x5bb: {  	[sflag:s4] =	ssyncadd.s32 $0xFFFFC000  }
0x5bc: {  	_ =	swait.ge [sflag:s26], $0x4000  }
0x5bd: {  	[sflag:s26] =	ssyncset.done $0x0  }
0x5be: {  	s9 =	simm.s32 $0xBF00;
	[sflag:s26] =	ssyncadd.s32 $0xFFFFC000  }
0x5bf: {  	[tilespmem:s28], [sflag:$0x2] =	stream.indirect.gather [hbm4b:s22+s23], $0x20, s9, s23, $0xb8;
	[tilespmem:$0x18D40] =	vst v63  }
0x5c0: {  	s10 =	simm.s32 $0xAD00  }
0x5c1: {  	[spmem:s3] =	stream.indirect.scatter.add.f32 [tilespmem:s24], [sflag:$0x3], $0x20, s10, s23, $0xb8;
	[tilespmem:$0x18D40] =	vst v63  }
0x5c2: {  	_ =	swait.ge [sflag:s29], $0x4000  }
0x5c3: {  	[sflag:s29] =	ssyncset.done $0x0  }
0x5c4: {  	[sflag:s29] =	ssyncadd.s32 $0xFFFFC000  }
0x5c5: {  	_ =	swait.ge [sflag:s30], $0x4000  }
0x5c6: {  	[sflag:s30] =	ssyncset.done $0x0  }
0x5c7: {  	s12 =	simm.s32 $0xC100;
	[sflag:s30] =	ssyncadd.s32 $0xFFFFC000  }
0x5c8: {  	[tilespmem:s24], [sflag:$0x1] =	stream.indirect.gather [hbm4b:s22+s23], $0x20, s12, s23, $0xb8;
	[tilespmem:$0x18D40] =	vst v63  }
0x5c9: {  	_ = 	snop  }
0x5ca: {  	[spmem:s3] =	stream.indirect.scatter.add.f32 [tilespmem:s28], [sflag:$0x4], $0x20, s14, s23, $0xb8;
	[tilespmem:$0x18D40] =	vst v63  }
0x5cb: {  	_ =	swait.ge [sflag:s4], $0x4000  }
0x5cc: {  	[sflag:s4] =	ssyncset.done $0x0  }
0x5cd: {  	[sflag:s4] =	ssyncadd.s32 $0xFFFFC000  }
0x5ce: {  	_ =	swait.ge [sflag:s26], $0x4000  }
0x5cf: {  	[sflag:s26] =	ssyncset.done $0x0  }
0x5d0: {  	s1 =	simm.s32 $0xC300;
	[sflag:s26] =	ssyncadd.s32 $0xFFFFC000  }
0x5d1: {  	[tilespmem:s28], [sflag:$0x2] =	stream.indirect.gather [hbm4b:s22+s23], $0x20, s1, s23, $0xb8;
	[tilespmem:$0x18D40] =	vst v63  }
0x5d2: {  	s5 =	simm.s32 $0xB100  }
0x5d3: {  	[spmem:s3] =	stream.indirect.scatter.add.f32 [tilespmem:s24], [sflag:$0x3], $0x20, s5, s23, $0xb8;
	[tilespmem:$0x18D40] =	vst v63  }
0x5d4: {  	_ =	swait.ge [sflag:s29], $0x4000  }
0x5d5: {  	[sflag:s29] =	ssyncset.done $0x0  }
0x5d6: {  	[sflag:s29] =	ssyncadd.s32 $0xFFFFC000  }
0x5d7: {  	_ =	swait.ge [sflag:s30], $0x4000  }
0x5d8: {  	[sflag:s30] =	ssyncset.done $0x0  }
0x5d9: {  	s7 =	simm.s32 $0xB300;
	[sflag:s30] =	ssyncadd.s32 $0xFFFFC000  }
0x5da: {  	[spmem:s3] =	stream.indirect.scatter.add.f32 [tilespmem:s28], [sflag:$0x4], $0x20, s7, s23, $0xb8;
	[tilespmem:$0x18D40] =	vst v63  }
0x5db: {  	_ =	swait.ge [sflag:s4], $0x4000  }
0x5dc: {  	[sflag:s4] =	ssyncset.done $0x0  }
0x5dd: {  	[sflag:s4] =	ssyncadd.s32 $0xFFFFC000  }
0x5de: {  	[bflag:$0x0] =	sbarrier.arrive $0xFFFF  }
0x5df: {  	s5 =	simm.s32 $0x14500;
	s9 =	rddreg [dreg:$0x16]  }
0x5e0: {  	[tilespmem:s5], [sflag:$0x6] =	stream.linear.gather [spmem:s9], $0x1400, $0x38;
	[tilespmem:$0x18D40] =	vst v63  }
0x5e1: {  	_ =	swait.ge [sflag:s15], $0x1400  }
0x5e2: {  	[sflag:s15] =	ssyncset.done $0x0  }
0x5e3: {  	s10 =	rddreg [dreg:$0xe];
	[sflag:s15] =	ssyncadd.s32 $0xFFFFEC00  }
0x5e4: {  	[hbm4b:s10+s19] =	stream.linear.scatter [tilespmem:s5], [sflag:$0x6], $0x1400, $0x38;
	[tilespmem:$0x18D40] =	vst v63  }
0x5e5: {  	_ =	swait.ge [sflag:s15], $0x1400  }
0x5e6: {  	[sflag:s15] =	ssyncset.done $0x0  }
0x5e7: {  	s7 =	simm.s32 $0x15900;
	s12 =	rddreg [dreg:$0x17];
	[sflag:s15] =	ssyncadd.s32 $0xFFFFEC00  }
0x5e8: {  	[tilespmem:s7], [sflag:$0x6] =	stream.linear.gather [spmem:s12], $0x1400, $0x38;
	[tilespmem:$0x18D40] =	vst v63  }
0x5e9: {  	_ =	swait.ge [sflag:s15], $0x1400  }
0x5ea: {  	[sflag:s15] =	ssyncset.done $0x0  }
0x5eb: {  	s14 =	rddreg [dreg:$0x11];
	[sflag:s15] =	ssyncadd.s32 $0xFFFFEC00  }
0x5ec: {  	[hbm4b:s14+s19] =	stream.linear.scatter [tilespmem:s7], [sflag:$0x6], $0x1400, $0x38;
	[tilespmem:$0x18D40] =	vst v63  }
0x5ed: {  	_ =	swait.ge [sflag:s15], $0x1400  }
0x5ee: {  	[sflag:s15] =	ssyncset.done $0x0  }
0x5ef: {  	s1 =	rddreg [dreg:$0x18];
	[sflag:s15] =	ssyncadd.s32 $0xFFFFEC00  }
0x5f0: {  	[tilespmem:s5], [sflag:$0x6] =	stream.linear.gather [spmem:s1], $0x1400, $0x38;
	[tilespmem:$0x18D40] =	vst v63  }
0x5f1: {  	_ =	swait.ge [sflag:s15], $0x1400  }
0x5f2: {  	[sflag:s15] =	ssyncset.done $0x0  }
0x5f3: {  	s9 =	rddreg [dreg:$0xa];
	[sflag:s15] =	ssyncadd.s32 $0xFFFFEC00  }
0x5f4: {  	[hbm4b:s9+s19] =	stream.linear.scatter [tilespmem:s5], [sflag:$0x6], $0x1400, $0x38;
	[tilespmem:$0x18D40] =	vst v63  }
0x5f5: {  	_ =	swait.ge [sflag:s15], $0x1400  }
0x5f6: {  	[sflag:s15] =	ssyncset.done $0x0  }
0x5f7: {  	s10 =	rddreg [dreg:$0x19];
	[sflag:s15] =	ssyncadd.s32 $0xFFFFEC00  }
0x5f8: {  	[tilespmem:s7], [sflag:$0x6] =	stream.linear.gather [spmem:s10], $0x1400, $0x38;
	[tilespmem:$0x18D40] =	vst v63  }
0x5f9: {  	_ =	swait.ge [sflag:s15], $0x1400  }
0x5fa: {  	[sflag:s15] =	ssyncset.done $0x0  }
0x5fb: {  	s12 =	rddreg [dreg:$0xb];
	[sflag:s15] =	ssyncadd.s32 $0xFFFFEC00  }
0x5fc: {  	[hbm4b:s12+s19] =	stream.linear.scatter [tilespmem:s7], [sflag:$0x6], $0x1400, $0x38;
	[tilespmem:$0x18D40] =	vst v63  }
0x5fd: {  	_ =	swait.ge [sflag:s15], $0x1400  }
0x5fe: {  	[sflag:s15] =	ssyncset.done $0x0  }
0x5ff: {  	s14 =	rddreg [dreg:$0x1a];
	[sflag:s15] =	ssyncadd.s32 $0xFFFFEC00  }
0x600: {  	[tilespmem:s5], [sflag:$0x6] =	stream.linear.gather [spmem:s14], $0x1400, $0x38;
	[tilespmem:$0x18D40] =	vst v63  }
0x601: {  	_ =	swait.ge [sflag:s15], $0x1400  }
0x602: {  	[sflag:s15] =	ssyncset.done $0x0  }
0x603: {  	s1 =	rddreg [dreg:$0xc];
	[sflag:s15] =	ssyncadd.s32 $0xFFFFEC00  }
0x604: {  	[hbm4b:s1+s19] =	stream.linear.scatter [tilespmem:s5], [sflag:$0x6], $0x1400, $0x38;
	[tilespmem:$0x18D40] =	vst v63  }
0x605: {  	_ =	swait.ge [sflag:s15], $0x1400  }
0x606: {  	[sflag:s15] =	ssyncset.done $0x0  }
0x607: {  	s9 =	rddreg [dreg:$0x1b];
	[sflag:s15] =	ssyncadd.s32 $0xFFFFEC00  }
0x608: {  	[tilespmem:s7], [sflag:$0x6] =	stream.linear.gather [spmem:s9], $0x1400, $0x38;
	[tilespmem:$0x18D40] =	vst v63  }
0x609: {  	_ =	swait.ge [sflag:s15], $0x1400  }
0x60a: {  	[sflag:s15] =	ssyncset.done $0x0  }
0x60b: {  	s10 =	rddreg [dreg:$0xd];
	[sflag:s15] =	ssyncadd.s32 $0xFFFFEC00  }
0x60c: {  	[hbm4b:s10+s19] =	stream.linear.scatter [tilespmem:s7], [sflag:$0x6], $0x1400, $0x38;
	[tilespmem:$0x18D40] =	vst v63  }
0x60d: {  	_ =	swait.ge [sflag:s15], $0x1400  }
0x60e: {  	[sflag:s15] =	ssyncset.done $0x0  }
0x60f: {  	s12 =	rddreg [dreg:$0x1c];
	[sflag:s15] =	ssyncadd.s32 $0xFFFFEC00  }
0x610: {  	[tilespmem:s5], [sflag:$0x6] =	stream.linear.gather [spmem:s12], $0x1400, $0x38;
	[tilespmem:$0x18D40] =	vst v63  }
0x611: {  	_ =	swait.ge [sflag:s15], $0x1400  }
0x612: {  	[sflag:s15] =	ssyncset.done $0x0  }
0x613: {  	s14 =	rddreg [dreg:$0xf];
	[sflag:s15] =	ssyncadd.s32 $0xFFFFEC00  }
0x614: {  	[hbm4b:s14+s19] =	stream.linear.scatter [tilespmem:s5], [sflag:$0x6], $0x1400, $0x38;
	[tilespmem:$0x18D40] =	vst v63  }
0x615: {  	_ =	swait.ge [sflag:s15], $0x1400  }
0x616: {  	[sflag:s15] =	ssyncset.done $0x0  }
0x617: {  	s1 =	rddreg [dreg:$0x1d];
	[sflag:s15] =	ssyncadd.s32 $0xFFFFEC00  }
0x618: {  	[tilespmem:s7], [sflag:$0x6] =	stream.linear.gather [spmem:s1], $0x1400, $0x38;
	[tilespmem:$0x18D40] =	vst v63  }
0x619: {  	_ =	swait.ge [sflag:s15], $0x1400  }
0x61a: {  	[sflag:s15] =	ssyncset.done $0x0  }
0x61b: {  	s5 =	rddreg [dreg:$0x10];
	[sflag:s15] =	ssyncadd.s32 $0xFFFFEC00  }
0x61c: {  	[hbm4b:s5+s19] =	stream.linear.scatter [tilespmem:s7], [sflag:$0x6], $0x1400, $0x38;
	[tilespmem:$0x18D40] =	vst v63  }
0x61d: {  	_ =	swait.ge [sflag:s15], $0x1400  }
0x61e: {  	[sflag:s15] =	ssyncset.done $0x0  }
0x61f: {  	s10 =	simm.s32 $0x18100;
	s9 =	rddreg [dreg:$0x13];
	[sflag:s15] =	ssyncadd.s32 $0xFFFFEC00  }
0x620: {  	[hbm4b:s9+s19] =	stream.linear.scatter [tilespmem:s10], [sflag:$0x6], $0x280, $0x38;
	[tilespmem:$0x18D40] =	vst v63  }
0x621: {  	_ =	swait.ge [sflag:s15], $0x280  }
0x622: {  	[sflag:s15] =	ssyncset.done $0x0  }
0x623: {  	s14 =	simm.s32 $0x18380;
	s12 =	rddreg [dreg:$0x14];
	[sflag:s15] =	ssyncadd.s32 $0xFFFFFD80  }
0x624: {  	[hbm4b:s12+s19] =	stream.linear.scatter [tilespmem:s14], [sflag:$0x6], $0x280, $0x38;
	[tilespmem:$0x18D40] =	vst v63  }
0x625: {  	_ =	swait.ge [sflag:s15], $0x280  }
0x626: {  	s9 =	sld [smem:$0x7FB];
	_ =	sdelay $0x2  }
0x627: {  	s19 =	rddreg [dreg:$0x15];
	s9 =	sadd.s32 $0x1, s9  }
0x628: {  	p0 =	sne.s32 s9, s19  }
.Ltmp9:
0x629: {  	_ = 	snop;
	(pc) =	sbr.rel @p0 .LBB2_1-.Ltmp9, $4  }
0x62a: {  	[sflag:s15] =	ssyncset.done $0x0  }
0x62b: {  	[sflag:s15] =	ssyncadd.s32 $0xFFFFFD80  }
0x62c: {  	s7 =	rddreg [dreg:$0x5]  }
0x62d: {  	s5 =	rddreg [dreg:$0x6]  }
0x62e: {  	_ =	sfence.sel $0x180000  }
0x62f: {  	[bflag:$0x0] =	sbarrier.arrive $0xFFFF  }
0x630: {  	_ =	strace $0x90000047  }
0x631: {  	s0 =	stileid.u32;
	[bflag:$0x2] =	sbarrier.arrive $0xFFFF  }
0x632: {  	p0 =	sne.s32 s0, $0x0;
	s0 =	rddreg [dreg:$0x7]  }
0x633: {  	s0 =	sadd.s32 @!p0 $0x100000, s0  }
0x634: {  	[sflag:s0] =	ssyncadd.tile.s32 @!p0 $0x1;
	_ =	shalt  }
.Lfunc_end2:
_tile_overlayer_lowered:
.L_overlay_start_2:
0x635: {  	(tag) =	ssettag $0x2  }
0x636: {  	s0 =	rddreg [dreg:$0x0];
	s2 =	stileid.u32  }
0x637: {  	s1 =	rddreg [dreg:$0x1];
	p0 =	sne.s32 s2, $0x0  }
0x638: {  	s3 =	rddreg [dreg:$0x2];
	[bflag:$0x3] =	sbarrier.arrive $0xFFFF;
	s2 =	simm.s32 @!p0 $0x1C06  }
0x639: {  	[timem:s3], [sflag:s2] =	dma.local @!p0 [hbm:s0], s1  }
0x63a: {  	s0 =	simm.s32 @!p0 $0x6  }
0x63b: {  	_ =	swait.ge @!p0 [sflag:s0], s1  }
0x63c: {  	s1 =	ssub.s32 @!p0 $0x0, s1;
	[sflag:s0] =	ssyncset.done @!p0 $0x0  }
0x63d: {  	[sflag:s0] =	ssyncadd.s32 @!p0 s1  }
0x63e: {  	[bflag:$0x3] =	sbarrier.arrive $0xFFFF  }
0x63f: {  	_ =	shalt  }

</sc_bundles>
